<compile_context>
chip_gen: v7x
topology: tpu7x:2x2x1
jax: 0.10.2.dev20260603
libtpu: 0.0.44.dev20260713+nightly
codegen_flags: <defaults>
</compile_context>

<pallas_src>
import functools

import jax
import jax.numpy as jnp
from jax import lax
from jax.experimental import pallas as pl
from jax.experimental.pallas import tpu as pltpu
from jax.experimental.pallas import tpu_sc as plsc

B, S, H, E, K, I = 1, 2048, 1024, 8, 2, 512
ALPHA, LIMIT = 1.702, 7.0
TILE = 128
NT = 40
NPAD = NT * TILE
XW = H + 128
NW = 32
TPW = S // NW
RPW = NPAD // NW


def _plan_kernel(x_ref, w_ref, b_ref, scores_ref, xa_ref, posT_ref, te_ref):
    x = x_ref[...]
    logits = jnp.dot(x, w_ref[...], preferred_element_type=jnp.float32)
    logits = logits + b_ref[...][None, :]
    eidx = jax.lax.broadcasted_iota(jnp.int32, (S, E), 1)
    m1 = jnp.max(logits, axis=1, keepdims=True)
    idx1 = jnp.min(jnp.where(logits == m1, eidx, E), axis=1, keepdims=True)
    masked = jnp.where(eidx == idx1, -jnp.inf, logits)
    m2 = jnp.max(masked, axis=1, keepdims=True)
    idx2 = jnp.min(jnp.where(masked == m2, eidx, E), axis=1, keepdims=True)
    b2 = jnp.exp(m2 - m1)
    w1 = 1.0 / (1.0 + b2)
    w2 = b2 / (1.0 + b2)
    scores = jnp.where(eidx == idx1, w1, 0.0) + jnp.where(eidx == idx2, w2, 0.0)
    scores_ref[...] = scores

    xa_ref[:, :H] = x
    xa_ref[:, H:H + E] = scores
    xa_ref[:, H + E:] = jnp.zeros((S, 128 - E), jnp.float32)

    onehot = ((eidx == idx1) | (eidx == idx2)).astype(jnp.int32)
    csum = onehot
    shift = 1
    row = jax.lax.broadcasted_iota(jnp.int32, (S, E), 0)
    while shift < S:
        rolled = pltpu.roll(csum, shift, 0)
        csum = csum + jnp.where(row >= shift, rolled, 0)
        shift *= 2
    rank = csum - onehot
    counts = csum[S - 1:S, :]
    ntiles = (counts + (TILE - 1)) // TILE
    lo = jax.lax.broadcasted_iota(jnp.int32, (E, E), 0)
    hi = jax.lax.broadcasted_iota(jnp.int32, (E, E), 1)
    tri = (lo < hi).astype(jnp.float32)
    tile_off = jnp.dot(ntiles.astype(jnp.float32), tri,
                       preferred_element_type=jnp.float32).astype(jnp.int32)
    row_off = tile_off * TILE

    dest = row_off + rank
    pos1 = jnp.sum(jnp.where(eidx == idx1, dest, 0), axis=1, keepdims=True)
    pos2 = jnp.sum(jnp.where(eidx == idx2, dest, 0), axis=1, keepdims=True)
    pos = jnp.concatenate([pos1, pos2], axis=1)
    posT_ref[...] = jnp.swapaxes(pos, 0, 1)

    toff_col = jnp.swapaxes(tile_off, 0, 1)
    jio = jax.lax.broadcasted_iota(jnp.int32, (E, NT), 1)
    cnt = jnp.sum((toff_col <= jio).astype(jnp.int32), axis=0, keepdims=True)
    te_ref[...] = (cnt - 1)[0]


def _make_dispatch():
    mesh = plsc.VectorSubcoreMesh(core_axis_name="c", subcore_axis_name="s")

    @functools.partial(
        pl.kernel, mesh=mesh,
        out_type=jax.ShapeDtypeStruct((NPAD, XW), jnp.float32),
        scratch_types=[
            pltpu.VMEM((TPW,), jnp.int32),
            pltpu.VMEM((TPW,), jnp.int32),
            pltpu.VMEM((TPW, XW), jnp.float32),
            pltpu.SemaphoreType.DMA,
        ],
    )
    def dispatch(xa_hbm, posF_hbm, xg_hbm, idx0_v, idx1_v, rows_v, sem):
        wid = lax.axis_index("s") * 2 + lax.axis_index("c")
        base = wid * TPW
        pltpu.sync_copy(posF_hbm.at[pl.ds(base, TPW)], idx0_v)
        pltpu.sync_copy(posF_hbm.at[pl.ds(S + base, TPW)], idx1_v)
        pltpu.sync_copy(xa_hbm.at[pl.ds(base, TPW)], rows_v)
        cp0 = pltpu.make_async_copy(rows_v, xg_hbm.at[idx0_v], sem)
        cp0.start()
        cp0.wait()
        cp1 = pltpu.make_async_copy(rows_v, xg_hbm.at[idx1_v], sem)
        cp1.start()
        cp1.wait()

    return dispatch


def _expert_kernel(te_ref, xg_ref, gu_ref, gub_ref, dp_ref, dg_ref):
    j = pl.program_id(0)
    xg = xg_ref[...]
    xb = xg[:, :H].astype(jnp.bfloat16)
    e = te_ref[j]
    g = jnp.dot(xb, gu_ref[0].astype(jnp.bfloat16),
                preferred_element_type=jnp.float32)
    g = g + gub_ref[0]
    gate = jnp.minimum(g[:, :I], LIMIT)
    up = jnp.clip(g[:, I:], -LIMIT, LIMIT)
    glu = gate * jax.nn.sigmoid(gate * ALPHA)
    act = (up + 1.0) * glu
    d = jnp.dot(act.astype(jnp.bfloat16), dp_ref[0].astype(jnp.bfloat16),
                preferred_element_type=jnp.float32)
    eidx = jax.lax.broadcasted_iota(jnp.int32, (TILE, E), 1)
    w_col = jnp.sum(jnp.where(eidx == e, xg[:, H:H + E], 0.0),
                    axis=1, keepdims=True)
    dg_ref[...] = d * w_col


def _make_combine():
    mesh = plsc.VectorSubcoreMesh(core_axis_name="c", subcore_axis_name="s")
    CH = 16
    NCH = TPW // CH

    @functools.partial(
        pl.kernel, mesh=mesh,
        out_type=jax.ShapeDtypeStruct((S, H), jnp.float32),
        scratch_types=[
            pltpu.VMEM((TPW,), jnp.int32),
            pltpu.VMEM((TPW,), jnp.int32),
            pltpu.VMEM((2, CH, H), jnp.float32),
            pltpu.VMEM((2, CH, H), jnp.float32),
            pltpu.VMEM((H,), jnp.float32),
            pltpu.SemaphoreType.DMA,
            pltpu.SemaphoreType.DMA,
        ],
    )
    def combine(dg_hbm, posF_hbm, db_hbm, out_hbm, idx0_v, idx1_v, r0_v, r1_v,
                db_v, sem0, sem1):
        wid = lax.axis_index("s") * 2 + lax.axis_index("c")
        base = wid * TPW
        pltpu.sync_copy(db_hbm, db_v)
        pltpu.sync_copy(posF_hbm.at[pl.ds(base, TPW)], idx0_v)
        pltpu.sync_copy(posF_hbm.at[pl.ds(S + base, TPW)], idx1_v)

        def start(c, buf):
            pltpu.make_async_copy(dg_hbm.at[idx0_v.at[pl.ds(c * CH, CH)]],
                                  r0_v.at[buf], sem0).start()
            pltpu.make_async_copy(dg_hbm.at[idx1_v.at[pl.ds(c * CH, CH)]],
                                  r1_v.at[buf], sem1).start()

        def wait(buf):
            pltpu.make_async_copy(dg_hbm.at[idx0_v.at[pl.ds(0, CH)]],
                                  r0_v.at[buf], sem0).wait()
            pltpu.make_async_copy(dg_hbm.at[idx1_v.at[pl.ds(0, CH)]],
                                  r1_v.at[buf], sem1).wait()

        start(0, 0)

        def chunk(c, _):
            @pl.when(c + 1 < NCH)
            def _():
                start(c + 1, (c + 1) % 2)

            wait(c % 2)

            def token(i, _):
                def lanes(l, _):
                    sl = pl.ds(l * 16, 16)
                    r0_v[c % 2, i, sl] = (r0_v[c % 2, i, sl]
                                          + r1_v[c % 2, i, sl] + db_v[sl])
                    return 0

                lax.fori_loop(0, H // 16, lanes, 0, unroll=16)
                return 0

            lax.fori_loop(0, CH, token, 0)
            pltpu.sync_copy(r0_v.at[c % 2],
                            out_hbm.at[pl.ds(base + c * CH, CH)])
            return 0

        lax.fori_loop(0, NCH, chunk, 0)

    return combine


def kernel(hidden_states, router_weight, router_bias, gate_up_proj,
           gate_up_proj_bias, down_proj, down_proj_bias):
    b, s, h = hidden_states.shape
    x2d = hidden_states.reshape(S, H)

    scores, xa, posT, te = pl.pallas_call(
        _plan_kernel,
        grid=(1,),
        in_specs=[
            pl.BlockSpec((S, H), lambda i: (0, 0)),
            pl.BlockSpec((H, E), lambda i: (0, 0)),
            pl.BlockSpec((E,), lambda i: (0,)),
        ],
        out_specs=[
            pl.BlockSpec((S, E), lambda i: (0, 0)),
            pl.BlockSpec((S, XW), lambda i: (0, 0)),
            pl.BlockSpec((K, S), lambda i: (0, 0)),
            pl.BlockSpec((NT,), lambda i: (0,)),
        ],
        out_shape=[
            jax.ShapeDtypeStruct((S, E), jnp.float32),
            jax.ShapeDtypeStruct((S, XW), jnp.float32),
            jax.ShapeDtypeStruct((K, S), jnp.int32),
            jax.ShapeDtypeStruct((NT,), jnp.int32),
        ],
    )(x2d, router_weight, router_bias)

    posF = posT.reshape(K * S)
    xg = _make_dispatch()(xa, posF)

    gu = gate_up_proj.reshape(E, H, 2 * I)
    dp = down_proj.reshape(E, I, H)

    dg = pl.pallas_call(
        _expert_kernel,
        grid_spec=pltpu.PrefetchScalarGridSpec(
            num_scalar_prefetch=1,
            grid=(NT,),
            in_specs=[
                pl.BlockSpec((TILE, XW), lambda j, te: (j, 0)),
                pl.BlockSpec((1, H, 2 * I), lambda j, te: (te[j], 0, 0)),
                pl.BlockSpec((1, 1, 2 * I), lambda j, te: (te[j], 0, 0)),
                pl.BlockSpec((1, I, H), lambda j, te: (te[j], 0, 0)),
            ],
            out_specs=pl.BlockSpec((TILE, H), lambda j, te: (j, 0)),
        ),
        out_shape=jax.ShapeDtypeStruct((NPAD, H), jnp.float32),
    )(te, xg, gu, gate_up_proj_bias.reshape(E, 1, 2 * I), dp)

    out = _make_combine()(dg, posF, down_proj_bias)

    return (out.reshape(b, s, h), scores)

# --- scband reference (transcript-rebuilt; emitter-appended) ---
"""Pipeline reference for scband-a2a-sparse-stacked-mlp-35983236006084 (READ-ONLY COPY).

The authoritative reference and input builder live on the scoring server;
editing this copy changes nothing except your own understanding.
"""

import jax, jax.numpy as jnp
import numpy as np

B, S, H, E, K, I = 1, 2048, 1024, 8, 2, 512
ALPHA, LIMIT = 1.702, 7.0


def setup_inputs(seed: int = 0) -> dict:
    key = jax.random.key(seed)
    ks = jax.random.split(key, 7)
    return {
        "hidden_states": jax.random.normal(ks[0], (B, S, H), dtype=jnp.float32),
        "router_weight": jax.random.normal(ks[1], (H, E), dtype=jnp.float32) * 0.02,
        "router_bias": jnp.zeros((E,), dtype=jnp.float32),
        "gate_up_proj": jax.random.normal(ks[2], (1, E, H, 2 * I), dtype=jnp.float32) * 0.02,
        "gate_up_proj_bias": jax.random.normal(ks[3], (E, 2 * I), dtype=jnp.float32) * 0.02,
        "down_proj": jax.random.normal(ks[4], (1, E, I, H), dtype=jnp.float32) * 0.02,
        "down_proj_bias": jax.random.normal(ks[5], (H,), dtype=jnp.float32) * 0.02,
    }


def _router(x2d, w, b):
    # gpt-oss style top-k router: linear -> top_k -> softmax over selected logits,
    # scattered back into a dense [T, E] score tensor.
    logits = x2d @ w + b
    top_vals, top_idx = jax.lax.top_k(logits, K)
    top_w = jax.nn.softmax(top_vals, axis=-1)
    T = x2d.shape[0]
    scores = jnp.zeros((T, E), x2d.dtype).at[jnp.arange(T)[:, None], top_idx].set(top_w)
    return scores, top_idx


def reference(hidden_states, router_weight, router_bias, gate_up_proj, gate_up_proj_bias, down_proj, down_proj_bias):
    b, s, h = hidden_states.shape
    x2d = hidden_states.reshape(b * s, h)
    router_scores, router_indices = _router(x2d, router_weight, router_bias)
    # num_devices == 1: all_to_all_dispatch is identity; metadata == router_indices
    BD = b
    metadata_indices = router_indices.reshape(BD, s, 1, K)
    # scatter_(dim=-1, index=metadata_indices, src=ones) -> per-token expert one-hot mask
    sparsity = jnp.max(jax.nn.one_hot(metadata_indices, E, dtype=hidden_states.dtype), axis=-2)  # [BD,s,1,E]
    mask = jnp.swapaxes(sparsity, -1, -2)  # [BD,s,E,1]
    # sparse_matmul (b sparse): masked per-expert gate_up projection, deinterleaved weights
    gate_up_out = jnp.einsum('bsh,ehf->bsef', hidden_states, gate_up_proj[0])  # [BD,s,E,2I]
    gate_up_out = gate_up_out * mask
    gate_up_out = gate_up_out + gate_up_proj_bias
    # gpt_oss activation, interleaved=False (contiguous gate/up halves)
    gate = jnp.minimum(gate_up_out[..., :I], LIMIT)
    up = jnp.clip(gate_up_out[..., I:], -LIMIT, LIMIT)
    glu = gate * jax.nn.sigmoid(gate * ALPHA)
    activated = (up + 1.0) * glu  # [BD,s,E,I]
    # sparse_matmul (a sparse): masked per-expert down projection
    down_out = jnp.einsum('bsei,eih->bseh', activated, down_proj[0])
    down_out = down_out * mask
    down_out = down_out + down_proj_bias  # [BD,s,E,H]
    # all_to_all_combine (num_devices=1): gather each token's routed expert outputs -> [K,b,s,H]
    idx = router_indices.reshape(b, s, K)
    combined = jnp.take_along_axis(down_out, idx[..., None], axis=2)  # [b,s,K,H]
    combined = jnp.transpose(combined, (2, 0, 1, 3))  # [K,b,s,H]
    topk_weights = jnp.take_along_axis(router_scores, router_indices, axis=-1).reshape(b, s, K)
    topk_weights = jnp.transpose(topk_weights, (2, 0, 1))[..., None]  # [K,b,s,1]
    output = (combined * topk_weights).sum(axis=0).reshape(b, s, h)
    return (output, router_scores)

if __name__ == "__main__":
    import jax
    _d = setup_inputs()
    print(jax.jit(kernel)(*tuple(_d.values())))

</pallas_src>

<mosaic_0001>
#map = affine_map<(d0, d1) -> (0, 0)>
#map1 = affine_map<(d0, d1) -> (0)>
module attributes {stable_mosaic.version = 14 : i64} {
  func.func @combine(%arg0: i32, %arg1: i32, %arg2: memref<5120x1024xf32, #tpu.memory_space<hbm>>, %arg3: memref<4096xi32, #tpu.memory_space<hbm>>, %arg4: memref<1024xf32, #tpu.memory_space<hbm>>, %arg5: memref<2048x1024xf32, #tpu.memory_space<hbm>>, %arg6: memref<64xi32, #tpu.memory_space<vmem>>, %arg7: memref<64xi32, #tpu.memory_space<vmem>>, %arg8: memref<2x16x1024xf32, #tpu.memory_space<vmem>>, %arg9: memref<2x16x1024xf32, #tpu.memory_space<vmem>>, %arg10: memref<1024xf32, #tpu.memory_space<vmem>>, %arg11: memref<!tpu.dma_semaphore, #tpu.memory_space<semaphore_mem>>, %arg12: memref<!tpu.dma_semaphore, #tpu.memory_space<semaphore_mem>>) attributes {dimension_semantics = [#tpu.dimension_semantics<core_parallel>, #tpu.dimension_semantics<subcore_parallel>], iteration_bounds = array<i64: 2, 16>, scalar_prefetch = 0 : i64, scratch_operands = 7 : i64, tpu.core_type = #tpu.core_type<sc_vector_subcore>, window_params = [{transform_indices = #map}, {transform_indices = #map1}, {transform_indices = #map1}, {transform_indices = #map}]} {
    %mul3A = arith.constant 2 : i32
    %mul3A_0 = arith.muli %arg1, %mul3A : i32
    %add3A = arith.addi %mul3A_0, %arg0 : i32
    %mul3A_1 = arith.constant 64 : i32
    %mul3A_2 = arith.muli %add3A, %mul3A_1 : i32
    "tpu.region"() ({
      %run_scoped3A = tpu.sem_alloc : memref<!tpu.dma_semaphore, #tpu.memory_space<semaphore_mem>>
      tpu.enqueue_dma source(%arg4 : memref<1024xf32, #tpu.memory_space<hbm>>) target(%arg10 : memref<1024xf32, #tpu.memory_space<vmem>>) target_semaphore(%run_scoped3A : memref<!tpu.dma_semaphore, #tpu.memory_space<semaphore_mem>>)
      tpu.wait_dma2 semaphore(%run_scoped3A : memref<!tpu.dma_semaphore, #tpu.memory_space<semaphore_mem>>) src(%arg4 : memref<1024xf32, #tpu.memory_space<hbm>>) dst(%arg10 : memref<1024xf32, #tpu.memory_space<vmem>>)
      tpu.yield
    }) : () -> ()
    "tpu.region"() ({
      %run_scoped3A = tpu.sem_alloc : memref<!tpu.dma_semaphore, #tpu.memory_space<semaphore_mem>>
      %dma_start3A_30 = tpu.memref_slice %arg3[%mul3A_2] : memref<4096xi32, #tpu.memory_space<hbm>> -> memref<64xi32, #tpu.memory_space<hbm>>
      %dma_start3A_31 = tpu.memref_slice %arg3[%mul3A_2] : memref<4096xi32, #tpu.memory_space<hbm>> -> memref<64xi32, #tpu.memory_space<hbm>>
      tpu.enqueue_dma source(%dma_start3A_31 : memref<64xi32, #tpu.memory_space<hbm>>) target(%arg6 : memref<64xi32, #tpu.memory_space<vmem>>) target_semaphore(%run_scoped3A : memref<!tpu.dma_semaphore, #tpu.memory_space<semaphore_mem>>)
      %dma_wait3A = tpu.memref_slice %arg3[%mul3A_2] : memref<4096xi32, #tpu.memory_space<hbm>> -> memref<64xi32, #tpu.memory_space<hbm>>
      %dma_wait3A_32 = tpu.memref_slice %arg3[%mul3A_2] : memref<4096xi32, #tpu.memory_space<hbm>> -> memref<64xi32, #tpu.memory_space<hbm>>
      tpu.wait_dma2 semaphore(%run_scoped3A : memref<!tpu.dma_semaphore, #tpu.memory_space<semaphore_mem>>) src(%dma_wait3A_32 : memref<64xi32, #tpu.memory_space<hbm>>) dst(%arg6 : memref<64xi32, #tpu.memory_space<vmem>>)
      tpu.yield
    }) : () -> ()
    %add3A_3 = arith.constant 2048 : i32
    %add3A_4 = arith.addi %add3A_3, %mul3A_2 : i32
    "tpu.region"() ({
      %run_scoped3A = tpu.sem_alloc : memref<!tpu.dma_semaphore, #tpu.memory_space<semaphore_mem>>
      %dma_start3A_30 = tpu.memref_slice %arg3[%add3A_4] : memref<4096xi32, #tpu.memory_space<hbm>> -> memref<64xi32, #tpu.memory_space<hbm>>
      %dma_start3A_31 = tpu.memref_slice %arg3[%add3A_4] : memref<4096xi32, #tpu.memory_space<hbm>> -> memref<64xi32, #tpu.memory_space<hbm>>
      tpu.enqueue_dma source(%dma_start3A_31 : memref<64xi32, #tpu.memory_space<hbm>>) target(%arg7 : memref<64xi32, #tpu.memory_space<vmem>>) target_semaphore(%run_scoped3A : memref<!tpu.dma_semaphore, #tpu.memory_space<semaphore_mem>>)
      %dma_wait3A = tpu.memref_slice %arg3[%add3A_4] : memref<4096xi32, #tpu.memory_space<hbm>> -> memref<64xi32, #tpu.memory_space<hbm>>
      %dma_wait3A_32 = tpu.memref_slice %arg3[%add3A_4] : memref<4096xi32, #tpu.memory_space<hbm>> -> memref<64xi32, #tpu.memory_space<hbm>>
      tpu.wait_dma2 semaphore(%run_scoped3A : memref<!tpu.dma_semaphore, #tpu.memory_space<semaphore_mem>>) src(%dma_wait3A_32 : memref<64xi32, #tpu.memory_space<hbm>>) dst(%arg7 : memref<64xi32, #tpu.memory_space<vmem>>)
      tpu.yield
    }) : () -> ()
    %dma_start3A = arith.constant 0 : i32
    %dma_start3A_5 = arith.constant 0 : i32
    %dma_start3A_6 = arith.constant 0 : i32
    %dma_start3A_7 = tpu.memref_slice %arg8[%dma_start3A, %dma_start3A_5, %dma_start3A_6] : memref<2x16x1024xf32, #tpu.memory_space<vmem>> -> memref<1x16x1024xf32, #tpu.memory_space<vmem>>
    %dma_start3A_8 = tpu.memref_squeeze %dma_start3A_7 : memref<1x16x1024xf32, #tpu.memory_space<vmem>> -> memref<16x1024xf32, #tpu.memory_space<vmem>>
    %dma_start3A_9 = arith.constant 0 : i32
    %dma_start3A_10 = tpu.memref_slice %arg6[%dma_start3A_9] : memref<64xi32, #tpu.memory_space<vmem>> -> memref<16xi32, #tpu.memory_space<vmem>>
    %dma_start3A_11 = arith.constant 0 : i32
    %dma_start3A_12 = arith.constant 0 : i32
    %dma_start3A_13 = tpu.memref_slice %arg2[%dma_start3A_11, %dma_start3A_12] : memref<5120x1024xf32, #tpu.memory_space<hbm>> -> memref<5120x1024xf32, #tpu.memory_space<hbm>>
    tpu.enqueue_indirect_dma source(%dma_start3A_13 : memref<5120x1024xf32, #tpu.memory_space<hbm>>) target(%dma_start3A_8 : memref<16x1024xf32, #tpu.memory_space<vmem>>) offsets(%dma_start3A_10 : memref<16xi32, #tpu.memory_space<vmem>>) semaphore(%arg11 : memref<!tpu.dma_semaphore, #tpu.memory_space<semaphore_mem>>)
    %dma_start3A_14 = arith.constant 0 : i32
    %dma_start3A_15 = arith.constant 0 : i32
    %dma_start3A_16 = arith.constant 0 : i32
    %dma_start3A_17 = tpu.memref_slice %arg9[%dma_start3A_14, %dma_start3A_15, %dma_start3A_16] : memref<2x16x1024xf32, #tpu.memory_space<vmem>> -> memref<1x16x1024xf32, #tpu.memory_space<vmem>>
    %dma_start3A_18 = tpu.memref_squeeze %dma_start3A_17 : memref<1x16x1024xf32, #tpu.memory_space<vmem>> -> memref<16x1024xf32, #tpu.memory_space<vmem>>
    %dma_start3A_19 = arith.constant 0 : i32
    %dma_start3A_20 = tpu.memref_slice %arg7[%dma_start3A_19] : memref<64xi32, #tpu.memory_space<vmem>> -> memref<16xi32, #tpu.memory_space<vmem>>
    %dma_start3A_21 = arith.constant 0 : i32
    %dma_start3A_22 = arith.constant 0 : i32
    %dma_start3A_23 = tpu.memref_slice %arg2[%dma_start3A_21, %dma_start3A_22] : memref<5120x1024xf32, #tpu.memory_space<hbm>> -> memref<5120x1024xf32, #tpu.memory_space<hbm>>
    tpu.enqueue_indirect_dma source(%dma_start3A_23 : memref<5120x1024xf32, #tpu.memory_space<hbm>>) target(%dma_start3A_18 : memref<16x1024xf32, #tpu.memory_space<vmem>>) offsets(%dma_start3A_20 : memref<16xi32, #tpu.memory_space<vmem>>) semaphore(%arg12 : memref<!tpu.dma_semaphore, #tpu.memory_space<semaphore_mem>>)
    %scan3A = arith.constant 0 : i32
    %scan3A_24 = arith.constant 0 : i32
    %scan3A_25 = arith.constant 4 : i32
    %scan3A_26 = arith.addi %scan3A_24, %scan3A_25 : i32
    %scan3A_27 = arith.constant 1 : i32
    %scan3A_28 = scf.for %scan3A_30 = %scan3A_24 to %scan3A_26 step %scan3A_27 iter_args(%scan3A_31 = %scan3A) -> (i32)  : i32 {
      %add3A_32 = arith.constant 1 : i32
      %add3A_33 = arith.addi %scan3A_30, %add3A_32 : i32
      %lt3A = arith.constant 4 : i32
      %lt3A_34 = arith.cmpi slt, %add3A_33, %lt3A : i32
      %convert_element_type3A = arith.extui %lt3A_34 : i1 to i32
      %cond3A = arith.constant 0 : i32
      %cond3A_35 = arith.cmpi ne, %convert_element_type3A, %cond3A : i32
      scf.if %cond3A_35 {
        %add3A_90 = arith.constant 1 : i32
        %add3A_91 = arith.addi %scan3A_30, %add3A_90 : i32
        %add3A_92 = arith.constant 1 : i32
        %add3A_93 = arith.addi %scan3A_30, %add3A_92 : i32
        %jit3A_94 = arith.constant 2 : i32
        %eq3A_95 = arith.constant 0 : i32
        %eq3A_96 = arith.cmpi eq, %jit3A_94, %eq3A_95 : i32
        %jit3A_97 = arith.constant 1 : i32
        %select_n3A_98 = arith.select %eq3A_96, %jit3A_97, %jit3A_94 : i32
        %rem3A_99 = arith.remsi %add3A_93, %select_n3A_98 : i32
        %ne3A_100 = arith.constant 0 : i32
        %ne3A_101 = arith.cmpi ne, %rem3A_99, %ne3A_100 : i32
        %lt3A_102 = arith.constant 0 : i32
        %lt3A_103 = arith.cmpi slt, %rem3A_99, %lt3A_102 : i32
        %lt3A_104 = arith.constant 0 : i32
        %lt3A_105 = arith.cmpi slt, %select_n3A_98, %lt3A_104 : i32
        %ne3A_106 = arith.xori %lt3A_103, %lt3A_105 : i1
        %and3A_107 = arith.andi %ne3A_106, %ne3A_101 : i1
        %add3A_108 = arith.addi %rem3A_99, %select_n3A_98 : i32
        %select_n3A_109 = arith.select %and3A_107, %add3A_108, %rem3A_99 : i32
        %mul3A_110 = arith.constant 16 : i32
        %mul3A_111 = arith.muli %add3A_91, %mul3A_110 : i32
        %dma_start3A_112 = arith.constant 0 : i32
        %dma_start3A_113 = arith.constant 0 : i32
        %dma_start3A_114 = tpu.memref_slice %arg8[%select_n3A_109, %dma_start3A_112, %dma_start3A_113] : memref<2x16x1024xf32, #tpu.memory_space<vmem>> -> memref<1x16x1024xf32, #tpu.memory_space<vmem>>
        %dma_start3A_115 = tpu.memref_squeeze %dma_start3A_114 : memref<1x16x1024xf32, #tpu.memory_space<vmem>> -> memref<16x1024xf32, #tpu.memory_space<vmem>>
        %dma_start3A_116 = tpu.memref_slice %arg6[%mul3A_111] : memref<64xi32, #tpu.memory_space<vmem>> -> memref<16xi32, #tpu.memory_space<vmem>>
        %dma_start3A_117 = arith.constant 0 : i32
        %dma_start3A_118 = arith.constant 0 : i32
        %dma_start3A_119 = tpu.memref_slice %arg2[%dma_start3A_117, %dma_start3A_118] : memref<5120x1024xf32, #tpu.memory_space<hbm>> -> memref<5120x1024xf32, #tpu.memory_space<hbm>>
        tpu.enqueue_indirect_dma source(%dma_start3A_119 : memref<5120x1024xf32, #tpu.memory_space<hbm>>) target(%dma_start3A_115 : memref<16x1024xf32, #tpu.memory_space<vmem>>) offsets(%dma_start3A_116 : memref<16xi32, #tpu.memory_space<vmem>>) semaphore(%arg11 : memref<!tpu.dma_semaphore, #tpu.memory_space<semaphore_mem>>)
        %mul3A_120 = arith.constant 16 : i32
        %mul3A_121 = arith.muli %add3A_91, %mul3A_120 : i32
        %dma_start3A_122 = arith.constant 0 : i32
        %dma_start3A_123 = arith.constant 0 : i32
        %dma_start3A_124 = tpu.memref_slice %arg9[%select_n3A_109, %dma_start3A_122, %dma_start3A_123] : memref<2x16x1024xf32, #tpu.memory_space<vmem>> -> memref<1x16x1024xf32, #tpu.memory_space<vmem>>
        %dma_start3A_125 = tpu.memref_squeeze %dma_start3A_124 : memref<1x16x1024xf32, #tpu.memory_space<vmem>> -> memref<16x1024xf32, #tpu.memory_space<vmem>>
        %dma_start3A_126 = tpu.memref_slice %arg7[%mul3A_121] : memref<64xi32, #tpu.memory_space<vmem>> -> memref<16xi32, #tpu.memory_space<vmem>>
        %dma_start3A_127 = arith.constant 0 : i32
        %dma_start3A_128 = arith.constant 0 : i32
        %dma_start3A_129 = tpu.memref_slice %arg2[%dma_start3A_127, %dma_start3A_128] : memref<5120x1024xf32, #tpu.memory_space<hbm>> -> memref<5120x1024xf32, #tpu.memory_space<hbm>>
        tpu.enqueue_indirect_dma source(%dma_start3A_129 : memref<5120x1024xf32, #tpu.memory_space<hbm>>) target(%dma_start3A_125 : memref<16x1024xf32, #tpu.memory_space<vmem>>) offsets(%dma_start3A_126 : memref<16xi32, #tpu.memory_space<vmem>>) semaphore(%arg12 : memref<!tpu.dma_semaphore, #tpu.memory_space<semaphore_mem>>)
      } else {
      }
      %jit3A = arith.constant 2 : i32
      %eq3A = arith.constant 0 : i32
      %eq3A_36 = arith.cmpi eq, %jit3A, %eq3A : i32
      %jit3A_37 = arith.constant 1 : i32
      %select_n3A = arith.select %eq3A_36, %jit3A_37, %jit3A : i32
      %rem3A = arith.remsi %scan3A_30, %select_n3A : i32
      %ne3A = arith.constant 0 : i32
      %ne3A_38 = arith.cmpi ne, %rem3A, %ne3A : i32
      %lt3A_39 = arith.constant 0 : i32
      %lt3A_40 = arith.cmpi slt, %rem3A, %lt3A_39 : i32
      %lt3A_41 = arith.constant 0 : i32
      %lt3A_42 = arith.cmpi slt, %select_n3A, %lt3A_41 : i32
      %ne3A_43 = arith.xori %lt3A_40, %lt3A_42 : i1
      %and3A = arith.andi %ne3A_43, %ne3A_38 : i1
      %add3A_44 = arith.addi %rem3A, %select_n3A : i32
      %select_n3A_45 = arith.select %and3A, %add3A_44, %rem3A : i32
      %dma_wait3A = arith.constant 0 : i32
      %dma_wait3A_46 = arith.constant 0 : i32
      %dma_wait3A_47 = tpu.memref_slice %arg8[%select_n3A_45, %dma_wait3A, %dma_wait3A_46] : memref<2x16x1024xf32, #tpu.memory_space<vmem>> -> memref<1x16x1024xf32, #tpu.memory_space<vmem>>
      %dma_wait3A_48 = tpu.memref_squeeze %dma_wait3A_47 : memref<1x16x1024xf32, #tpu.memory_space<vmem>> -> memref<16x1024xf32, #tpu.memory_space<vmem>>
      %dma_wait3A_49 = arith.constant 0 : i32
      %dma_wait3A_50 = tpu.memref_slice %arg6[%dma_wait3A_49] : memref<64xi32, #tpu.memory_space<vmem>> -> memref<16xi32, #tpu.memory_space<vmem>>
      %dma_wait3A_51 = arith.constant 0 : i32
      %dma_wait3A_52 = arith.constant 0 : i32
      %dma_wait3A_53 = tpu.memref_slice %arg2[%dma_wait3A_51, %dma_wait3A_52] : memref<5120x1024xf32, #tpu.memory_space<hbm>> -> memref<5120x1024xf32, #tpu.memory_space<hbm>>
      tpu.wait_indirect_dma semaphore(%arg11 : memref<!tpu.dma_semaphore, #tpu.memory_space<semaphore_mem>>) src(%dma_wait3A_53 : memref<5120x1024xf32, #tpu.memory_space<hbm>>) dst(%dma_wait3A_48 : memref<16x1024xf32, #tpu.memory_space<vmem>>)
      %dma_wait3A_54 = arith.constant 0 : i32
      %dma_wait3A_55 = arith.constant 0 : i32
      %dma_wait3A_56 = tpu.memref_slice %arg9[%select_n3A_45, %dma_wait3A_54, %dma_wait3A_55] : memref<2x16x1024xf32, #tpu.memory_space<vmem>> -> memref<1x16x1024xf32, #tpu.memory_space<vmem>>
      %dma_wait3A_57 = tpu.memref_squeeze %dma_wait3A_56 : memref<1x16x1024xf32, #tpu.memory_space<vmem>> -> memref<16x1024xf32, #tpu.memory_space<vmem>>
      %dma_wait3A_58 = arith.constant 0 : i32
      %dma_wait3A_59 = tpu.memref_slice %arg7[%dma_wait3A_58] : memref<64xi32, #tpu.memory_space<vmem>> -> memref<16xi32, #tpu.memory_space<vmem>>
      %dma_wait3A_60 = arith.constant 0 : i32
      %dma_wait3A_61 = arith.constant 0 : i32
      %dma_wait3A_62 = tpu.memref_slice %arg2[%dma_wait3A_60, %dma_wait3A_61] : memref<5120x1024xf32, #tpu.memory_space<hbm>> -> memref<5120x1024xf32, #tpu.memory_space<hbm>>
      tpu.wait_indirect_dma semaphore(%arg12 : memref<!tpu.dma_semaphore, #tpu.memory_space<semaphore_mem>>) src(%dma_wait3A_62 : memref<5120x1024xf32, #tpu.memory_space<hbm>>) dst(%dma_wait3A_57 : memref<16x1024xf32, #tpu.memory_space<vmem>>)
      %scan3A_63 = arith.constant 0 : i32
      %scan3A_64 = arith.constant 0 : i32
      %scan3A_65 = arith.constant 16 : i32
      %scan3A_66 = arith.addi %scan3A_64, %scan3A_65 : i32
      %scan3A_67 = arith.constant 1 : i32
      %scan3A_68 = scf.for %scan3A_90 = %scan3A_64 to %scan3A_66 step %scan3A_67 iter_args(%scan3A_91 = %scan3A_63) -> (i32)  : i32 {
        %scan3A_92 = arith.constant 0 : i32
        %scan3A_93 = arith.constant 0 : i32
        %scan3A_94 = arith.constant 64 : i32
        %scan3A_95 = arith.addi %scan3A_93, %scan3A_94 : i32
        %scan3A_96 = arith.constant 16 : i32
        %scan3A_97 = scf.for %scan3A_100 = %scan3A_93 to %scan3A_95 step %scan3A_96 iter_args(%scan3A_101 = %scan3A_92) -> (i32)  : i32 {
          %mul3A_102 = arith.constant 16 : i32
          %mul3A_103 = arith.muli %scan3A_100, %mul3A_102 : i32
          %jit3A_104 = arith.constant 2 : i32
          %eq3A_105 = arith.constant 0 : i32
          %eq3A_106 = arith.cmpi eq, %jit3A_104, %eq3A_105 : i32
          %jit3A_107 = arith.constant 1 : i32
          %select_n3A_108 = arith.select %eq3A_106, %jit3A_107, %jit3A_104 : i32
          %rem3A_109 = arith.remsi %scan3A_30, %select_n3A_108 : i32
          %ne3A_110 = arith.constant 0 : i32
          %ne3A_111 = arith.cmpi ne, %rem3A_109, %ne3A_110 : i32
          %lt3A_112 = arith.constant 0 : i32
          %lt3A_113 = arith.cmpi slt, %rem3A_109, %lt3A_112 : i32
          %lt3A_114 = arith.constant 0 : i32
          %lt3A_115 = arith.cmpi slt, %select_n3A_108, %lt3A_114 : i32
          %ne3A_116 = arith.xori %lt3A_113, %lt3A_115 : i1
          %and3A_117 = arith.andi %ne3A_116, %ne3A_111 : i1
          %add3A_118 = arith.addi %rem3A_109, %select_n3A_108 : i32
          %select_n3A_119 = arith.select %and3A_117, %add3A_118, %rem3A_109 : i32
          %get3A = arith.index_cast %select_n3A_119 : i32 to index
          %get3A_120 = arith.index_cast %scan3A_90 : i32 to index
          %get3A_121 = arith.index_cast %mul3A_103 : i32 to index
          %get3A_122 = tpu.vector_load %arg8[%get3A, %get3A_120, %get3A_121] {strides = array<i32>} : memref<2x16x1024xf32, #tpu.memory_space<vmem>>, vector<1x1x16xf32>,
          %get3A_123 = vector.shape_cast %get3A_122 : vector<1x1x16xf32> to vector<16xf32>
          %jit3A_124 = arith.constant 2 : i32
          %eq3A_125 = arith.constant 0 : i32
          %eq3A_126 = arith.cmpi eq, %jit3A_124, %eq3A_125 : i32
          %jit3A_127 = arith.constant 1 : i32
          %select_n3A_128 = arith.select %eq3A_126, %jit3A_127, %jit3A_124 : i32
          %rem3A_129 = arith.remsi %scan3A_30, %select_n3A_128 : i32
          %ne3A_130 = arith.constant 0 : i32
          %ne3A_131 = arith.cmpi ne, %rem3A_129, %ne3A_130 : i32
          %lt3A_132 = arith.constant 0 : i32
          %lt3A_133 = arith.cmpi slt, %rem3A_129, %lt3A_132 : i32
          %lt3A_134 = arith.constant 0 : i32
          %lt3A_135 = arith.cmpi slt, %select_n3A_128, %lt3A_134 : i32
          %ne3A_136 = arith.xori %lt3A_133, %lt3A_135 : i1
          %and3A_137 = arith.andi %ne3A_136, %ne3A_131 : i1
          %add3A_138 = arith.addi %rem3A_129, %select_n3A_128 : i32
          %select_n3A_139 = arith.select %and3A_137, %add3A_138, %rem3A_129 : i32
          %get3A_140 = arith.index_cast %select_n3A_139 : i32 to index
          %get3A_141 = arith.index_cast %scan3A_90 : i32 to index
          %get3A_142 = arith.index_cast %mul3A_103 : i32 to index
          %get3A_143 = tpu.vector_load %arg9[%get3A_140, %get3A_141, %get3A_142] {strides = array<i32>} : memref<2x16x1024xf32, #tpu.memory_space<vmem>>, vector<1x1x16xf32>,
          %get3A_144 = vector.shape_cast %get3A_143 : vector<1x1x16xf32> to vector<16xf32>
          %add3A_145 = arith.addf %get3A_123, %get3A_144 : vector<16xf32>
          %get3A_146 = arith.index_cast %mul3A_103 : i32 to index
          %get3A_147 = tpu.vector_load %arg10[%get3A_146] {strides = array<i32>} : memref<1024xf32, #tpu.memory_space<vmem>>, vector<16xf32>,
          %get3A_148 = vector.shape_cast %get3A_147 : vector<16xf32> to vector<16xf32>
          %add3A_149 = arith.addf %add3A_145, %get3A_148 : vector<16xf32>
          %jit3A_150 = arith.constant 2 : i32
          %eq3A_151 = arith.constant 0 : i32
          %eq3A_152 = arith.cmpi eq, %jit3A_150, %eq3A_151 : i32
          %jit3A_153 = arith.constant 1 : i32
          %select_n3A_154 = arith.select %eq3A_152, %jit3A_153, %jit3A_150 : i32
          %rem3A_155 = arith.remsi %scan3A_30, %select_n3A_154 : i32
          %ne3A_156 = arith.constant 0 : i32
          %ne3A_157 = arith.cmpi ne, %rem3A_155, %ne3A_156 : i32
          %lt3A_158 = arith.constant 0 : i32
          %lt3A_159 = arith.cmpi slt, %rem3A_155, %lt3A_158 : i32
          %lt3A_160 = arith.constant 0 : i32
          %lt3A_161 = arith.cmpi slt, %select_n3A_154, %lt3A_160 : i32
          %ne3A_162 = arith.xori %lt3A_159, %lt3A_161 : i1
          %and3A_163 = arith.andi %ne3A_162, %ne3A_157 : i1
          %add3A_164 = arith.addi %rem3A_155, %select_n3A_154 : i32
          %select_n3A_165 = arith.select %and3A_163, %add3A_164, %rem3A_155 : i32
          %swap3A = arith.index_cast %select_n3A_165 : i32 to index
          %swap3A_166 = arith.index_cast %scan3A_90 : i32 to index
          %swap3A_167 = arith.index_cast %mul3A_103 : i32 to index
          %swap3A_168 = tpu.vector_load %arg8[%swap3A, %swap3A_166, %swap3A_167] {strides = array<i32>} : memref<2x16x1024xf32, #tpu.memory_space<vmem>>, vector<1x1x16xf32>,
          %swap3A_169 = vector.shape_cast %swap3A_168 : vector<1x1x16xf32> to vector<16xf32>
          %swap3A_170 = vector.shape_cast %add3A_149 : vector<16xf32> to vector<1x1x16xf32>
          tpu.vector_store %arg8[%swap3A, %swap3A_166, %swap3A_167], %swap3A_170 {strides = array<i32>} : memref<2x16x1024xf32, #tpu.memory_space<vmem>>, vector<1x1x16xf32>,
          %scan3A_171 = arith.constant 0 : i32
          %scan3A_172 = arith.constant 1 : i32
          %scan3A_173 = arith.addi %scan3A_100, %scan3A_172 : i32
          %mul3A_174 = arith.constant 16 : i32
          %mul3A_175 = arith.muli %scan3A_173, %mul3A_174 : i32
          %jit3A_176 = arith.constant 2 : i32
          %eq3A_177 = arith.constant 0 : i32
          %eq3A_178 = arith.cmpi eq, %jit3A_176, %eq3A_177 : i32
          %jit3A_179 = arith.constant 1 : i32
          %select_n3A_180 = arith.select %eq3A_178, %jit3A_179, %jit3A_176 : i32
          %rem3A_181 = arith.remsi %scan3A_30, %select_n3A_180 : i32
          %ne3A_182 = arith.constant 0 : i32
          %ne3A_183 = arith.cmpi ne, %rem3A_181, %ne3A_182 : i32
          %lt3A_184 = arith.constant 0 : i32
          %lt3A_185 = arith.cmpi slt, %rem3A_181, %lt3A_184 : i32
          %lt3A_186 = arith.constant 0 : i32
          %lt3A_187 = arith.cmpi slt, %select_n3A_180, %lt3A_186 : i32
          %ne3A_188 = arith.xori %lt3A_185, %lt3A_187 : i1
          %and3A_189 = arith.andi %ne3A_188, %ne3A_183 : i1
          %add3A_190 = arith.addi %rem3A_181, %select_n3A_180 : i32
          %select_n3A_191 = arith.select %and3A_189, %add3A_190, %rem3A_181 : i32
          %get3A_192 = arith.index_cast %select_n3A_191 : i32 to index
          %get3A_193 = arith.index_cast %scan3A_90 : i32 to index
          %get3A_194 = arith.index_cast %mul3A_175 : i32 to index
          %get3A_195 = tpu.vector_load %arg8[%get3A_192, %get3A_193, %get3A_194] {strides = array<i32>} : memref<2x16x1024xf32, #tpu.memory_space<vmem>>, vector<1x1x16xf32>,
          %get3A_196 = vector.shape_cast %get3A_195 : vector<1x1x16xf32> to vector<16xf32>
          %jit3A_197 = arith.constant 2 : i32
          %eq3A_198 = arith.constant 0 : i32
          %eq3A_199 = arith.cmpi eq, %jit3A_197, %eq3A_198 : i32
          %jit3A_200 = arith.constant 1 : i32
          %select_n3A_201 = arith.select %eq3A_199, %jit3A_200, %jit3A_197 : i32
          %rem3A_202 = arith.remsi %scan3A_30, %select_n3A_201 : i32
          %ne3A_203 = arith.constant 0 : i32
          %ne3A_204 = arith.cmpi ne, %rem3A_202, %ne3A_203 : i32
          %lt3A_205 = arith.constant 0 : i32
          %lt3A_206 = arith.cmpi slt, %rem3A_202, %lt3A_205 : i32
          %lt3A_207 = arith.constant 0 : i32
          %lt3A_208 = arith.cmpi slt, %select_n3A_201, %lt3A_207 : i32
          %ne3A_209 = arith.xori %lt3A_206, %lt3A_208 : i1
          %and3A_210 = arith.andi %ne3A_209, %ne3A_204 : i1
          %add3A_211 = arith.addi %rem3A_202, %select_n3A_201 : i32
          %select_n3A_212 = arith.select %and3A_210, %add3A_211, %rem3A_202 : i32
          %get3A_213 = arith.index_cast %select_n3A_212 : i32 to index
          %get3A_214 = arith.index_cast %scan3A_90 : i32 to index
          %get3A_215 = arith.index_cast %mul3A_175 : i32 to index
          %get3A_216 = tpu.vector_load %arg9[%get3A_213, %get3A_214, %get3A_215] {strides = array<i32>} : memref<2x16x1024xf32, #tpu.memory_space<vmem>>, vector<1x1x16xf32>,
          %get3A_217 = vector.shape_cast %get3A_216 : vector<1x1x16xf32> to vector<16xf32>
          %add3A_218 = arith.addf %get3A_196, %get3A_217 : vector<16xf32>
          %get3A_219 = arith.index_cast %mul3A_175 : i32 to index
          %get3A_220 = tpu.vector_load %arg10[%get3A_219] {strides = array<i32>} : memref<1024xf32, #tpu.memory_space<vmem>>, vector<16xf32>,
          %get3A_221 = vector.shape_cast %get3A_220 : vector<16xf32> to vector<16xf32>
          %add3A_222 = arith.addf %add3A_218, %get3A_221 : vector<16xf32>
          %jit3A_223 = arith.constant 2 : i32
          %eq3A_224 = arith.constant 0 : i32
          %eq3A_225 = arith.cmpi eq, %jit3A_223, %eq3A_224 : i32
          %jit3A_226 = arith.constant 1 : i32
          %select_n3A_227 = arith.select %eq3A_225, %jit3A_226, %jit3A_223 : i32
          %rem3A_228 = arith.remsi %scan3A_30, %select_n3A_227 : i32
          %ne3A_229 = arith.constant 0 : i32
          %ne3A_230 = arith.cmpi ne, %rem3A_228, %ne3A_229 : i32
          %lt3A_231 = arith.constant 0 : i32
          %lt3A_232 = arith.cmpi slt, %rem3A_228, %lt3A_231 : i32
          %lt3A_233 = arith.constant 0 : i32
          %lt3A_234 = arith.cmpi slt, %select_n3A_227, %lt3A_233 : i32
          %ne3A_235 = arith.xori %lt3A_232, %lt3A_234 : i1
          %and3A_236 = arith.andi %ne3A_235, %ne3A_230 : i1
          %add3A_237 = arith.addi %rem3A_228, %select_n3A_227 : i32
          %select_n3A_238 = arith.select %and3A_236, %add3A_237, %rem3A_228 : i32
          %swap3A_239 = arith.index_cast %select_n3A_238 : i32 to index
          %swap3A_240 = arith.index_cast %scan3A_90 : i32 to index
          %swap3A_241 = arith.index_cast %mul3A_175 : i32 to index
          %swap3A_242 = tpu.vector_load %arg8[%swap3A_239, %swap3A_240, %swap3A_241] {strides = array<i32>} : memref<2x16x1024xf32, #tpu.memory_space<vmem>>, vector<1x1x16xf32>,
          %swap3A_243 = vector.shape_cast %swap3A_242 : vector<1x1x16xf32> to vector<16xf32>
          %swap3A_244 = vector.shape_cast %add3A_222 : vector<16xf32> to vector<1x1x16xf32>
          tpu.vector_store %arg8[%swap3A_239, %swap3A_240, %swap3A_241], %swap3A_244 {strides = array<i32>} : memref<2x16x1024xf32, #tpu.memory_space<vmem>>, vector<1x1x16xf32>,
          %scan3A_245 = arith.constant 0 : i32
          %scan3A_246 = arith.constant 2 : i32
          %scan3A_247 = arith.addi %scan3A_100, %scan3A_246 : i32
          %mul3A_248 = arith.constant 16 : i32
          %mul3A_249 = arith.muli %scan3A_247, %mul3A_248 : i32
          %jit3A_250 = arith.constant 2 : i32
          %eq3A_251 = arith.constant 0 : i32
          %eq3A_252 = arith.cmpi eq, %jit3A_250, %eq3A_251 : i32
          %jit3A_253 = arith.constant 1 : i32
          %select_n3A_254 = arith.select %eq3A_252, %jit3A_253, %jit3A_250 : i32
          %rem3A_255 = arith.remsi %scan3A_30, %select_n3A_254 : i32
          %ne3A_256 = arith.constant 0 : i32
          %ne3A_257 = arith.cmpi ne, %rem3A_255, %ne3A_256 : i32
          %lt3A_258 = arith.constant 0 : i32
          %lt3A_259 = arith.cmpi slt, %rem3A_255, %lt3A_258 : i32
          %lt3A_260 = arith.constant 0 : i32
          %lt3A_261 = arith.cmpi slt, %select_n3A_254, %lt3A_260 : i32
          %ne3A_262 = arith.xori %lt3A_259, %lt3A_261 : i1
          %and3A_263 = arith.andi %ne3A_262, %ne3A_257 : i1
          %add3A_264 = arith.addi %rem3A_255, %select_n3A_254 : i32
          %select_n3A_265 = arith.select %and3A_263, %add3A_264, %rem3A_255 : i32
          %get3A_266 = arith.index_cast %select_n3A_265 : i32 to index
          %get3A_267 = arith.index_cast %scan3A_90 : i32 to index
          %get3A_268 = arith.index_cast %mul3A_249 : i32 to index
          %get3A_269 = tpu.vector_load %arg8[%get3A_266, %get3A_267, %get3A_268] {strides = array<i32>} : memref<2x16x1024xf32, #tpu.memory_space<vmem>>, vector<1x1x16xf32>,
          %get3A_270 = vector.shape_cast %get3A_269 : vector<1x1x16xf32> to vector<16xf32>
          %jit3A_271 = arith.constant 2 : i32
          %eq3A_272 = arith.constant 0 : i32
          %eq3A_273 = arith.cmpi eq, %jit3A_271, %eq3A_272 : i32
          %jit3A_274 = arith.constant 1 : i32
          %select_n3A_275 = arith.select %eq3A_273, %jit3A_274, %jit3A_271 : i32
          %rem3A_276 = arith.remsi %scan3A_30, %select_n3A_275 : i32
          %ne3A_277 = arith.constant 0 : i32
          %ne3A_278 = arith.cmpi ne, %rem3A_276, %ne3A_277 : i32
          %lt3A_279 = arith.constant 0 : i32
          %lt3A_280 = arith.cmpi slt, %rem3A_276, %lt3A_279 : i32
          %lt3A_281 = arith.constant 0 : i32
          %lt3A_282 = arith.cmpi slt, %select_n3A_275, %lt3A_281 : i32
          %ne3A_283 = arith.xori %lt3A_280, %lt3A_282 : i1
          %and3A_284 = arith.andi %ne3A_283, %ne3A_278 : i1
          %add3A_285 = arith.addi %rem3A_276, %select_n3A_275 : i32
          %select_n3A_286 = arith.select %and3A_284, %add3A_285, %rem3A_276 : i32
          %get3A_287 = arith.index_cast %select_n3A_286 : i32 to index
          %get3A_288 = arith.index_cast %scan3A_90 : i32 to index
          %get3A_289 = arith.index_cast %mul3A_249 : i32 to index
          %get3A_290 = tpu.vector_load %arg9[%get3A_287, %get3A_288, %get3A_289] {strides = array<i32>} : memref<2x16x1024xf32, #tpu.memory_space<vmem>>, vector<1x1x16xf32>,
          %get3A_291 = vector.shape_cast %get3A_290 : vector<1x1x16xf32> to vector<16xf32>
          %add3A_292 = arith.addf %get3A_270, %get3A_291 : vector<16xf32>
          %get3A_293 = arith.index_cast %mul3A_249 : i32 to index
          %get3A_294 = tpu.vector_load %arg10[%get3A_293] {strides = array<i32>} : memref<1024xf32, #tpu.memory_space<vmem>>, vector<16xf32>,
          %get3A_295 = vector.shape_cast %get3A_294 : vector<16xf32> to vector<16xf32>
          %add3A_296 = arith.addf %add3A_292, %get3A_295 : vector<16xf32>
          %jit3A_297 = arith.constant 2 : i32
          %eq3A_298 = arith.constant 0 : i32
          %eq3A_299 = arith.cmpi eq, %jit3A_297, %eq3A_298 : i32
          %jit3A_300 = arith.constant 1 : i32
          %select_n3A_301 = arith.select %eq3A_299, %jit3A_300, %jit3A_297 : i32
          %rem3A_302 = arith.remsi %scan3A_30, %select_n3A_301 : i32
          %ne3A_303 = arith.constant 0 : i32
          %ne3A_304 = arith.cmpi ne, %rem3A_302, %ne3A_303 : i32
          %lt3A_305 = arith.constant 0 : i32
          %lt3A_306 = arith.cmpi slt, %rem3A_302, %lt3A_305 : i32
          %lt3A_307 = arith.constant 0 : i32
          %lt3A_308 = arith.cmpi slt, %select_n3A_301, %lt3A_307 : i32
          %ne3A_309 = arith.xori %lt3A_306, %lt3A_308 : i1
          %and3A_310 = arith.andi %ne3A_309, %ne3A_304 : i1
          %add3A_311 = arith.addi %rem3A_302, %select_n3A_301 : i32
          %select_n3A_312 = arith.select %and3A_310, %add3A_311, %rem3A_302 : i32
          %swap3A_313 = arith.index_cast %select_n3A_312 : i32 to index
          %swap3A_314 = arith.index_cast %scan3A_90 : i32 to index
          %swap3A_315 = arith.index_cast %mul3A_249 : i32 to index
          %swap3A_316 = tpu.vector_load %arg8[%swap3A_313, %swap3A_314, %swap3A_315] {strides = array<i32>} : memref<2x16x1024xf32, #tpu.memory_space<vmem>>, vector<1x1x16xf32>,
          %swap3A_317 = vector.shape_cast %swap3A_316 : vector<1x1x16xf32> to vector<16xf32>
          %swap3A_318 = vector.shape_cast %add3A_296 : vector<16xf32> to vector<1x1x16xf32>
          tpu.vector_store %arg8[%swap3A_313, %swap3A_314, %swap3A_315], %swap3A_318 {strides = array<i32>} : memref<2x16x1024xf32, #tpu.memory_space<vmem>>, vector<1x1x16xf32>,
          %scan3A_319 = arith.constant 0 : i32
          %scan3A_320 = arith.constant 3 : i32
          %scan3A_321 = arith.addi %scan3A_100, %scan3A_320 : i32
          %mul3A_322 = arith.constant 16 : i32
          %mul3A_323 = arith.muli %scan3A_321, %mul3A_322 : i32
          %jit3A_324 = arith.constant 2 : i32
          %eq3A_325 = arith.constant 0 : i32
          %eq3A_326 = arith.cmpi eq, %jit3A_324, %eq3A_325 : i32
          %jit3A_327 = arith.constant 1 : i32
          %select_n3A_328 = arith.select %eq3A_326, %jit3A_327, %jit3A_324 : i32
          %rem3A_329 = arith.remsi %scan3A_30, %select_n3A_328 : i32
          %ne3A_330 = arith.constant 0 : i32
          %ne3A_331 = arith.cmpi ne, %rem3A_329, %ne3A_330 : i32
          %lt3A_332 = arith.constant 0 : i32
          %lt3A_333 = arith.cmpi slt, %rem3A_329, %lt3A_332 : i32
          %lt3A_334 = arith.constant 0 : i32
          %lt3A_335 = arith.cmpi slt, %select_n3A_328, %lt3A_334 : i32
          %ne3A_336 = arith.xori %lt3A_333, %lt3A_335 : i1
          %and3A_337 = arith.andi %ne3A_336, %ne3A_331 : i1
          %add3A_338 = arith.addi %rem3A_329, %select_n3A_328 : i32
          %select_n3A_339 = arith.select %and3A_337, %add3A_338, %rem3A_329 : i32
          %get3A_340 = arith.index_cast %select_n3A_339 : i32 to index
          %get3A_341 = arith.index_cast %scan3A_90 : i32 to index
          %get3A_342 = arith.index_cast %mul3A_323 : i32 to index
          %get3A_343 = tpu.vector_load %arg8[%get3A_340, %get3A_341, %get3A_342] {strides = array<i32>} : memref<2x16x1024xf32, #tpu.memory_space<vmem>>, vector<1x1x16xf32>,
          %get3A_344 = vector.shape_cast %get3A_343 : vector<1x1x16xf32> to vector<16xf32>
          %jit3A_345 = arith.constant 2 : i32
          %eq3A_346 = arith.constant 0 : i32
          %eq3A_347 = arith.cmpi eq, %jit3A_345, %eq3A_346 : i32
          %jit3A_348 = arith.constant 1 : i32
          %select_n3A_349 = arith.select %eq3A_347, %jit3A_348, %jit3A_345 : i32
          %rem3A_350 = arith.remsi %scan3A_30, %select_n3A_349 : i32
          %ne3A_351 = arith.constant 0 : i32
          %ne3A_352 = arith.cmpi ne, %rem3A_350, %ne3A_351 : i32
          %lt3A_353 = arith.constant 0 : i32
          %lt3A_354 = arith.cmpi slt, %rem3A_350, %lt3A_353 : i32
          %lt3A_355 = arith.constant 0 : i32
          %lt3A_356 = arith.cmpi slt, %select_n3A_349, %lt3A_355 : i32
          %ne3A_357 = arith.xori %lt3A_354, %lt3A_356 : i1
          %and3A_358 = arith.andi %ne3A_357, %ne3A_352 : i1
          %add3A_359 = arith.addi %rem3A_350, %select_n3A_349 : i32
          %select_n3A_360 = arith.select %and3A_358, %add3A_359, %rem3A_350 : i32
          %get3A_361 = arith.index_cast %select_n3A_360 : i32 to index
          %get3A_362 = arith.index_cast %scan3A_90 : i32 to index
          %get3A_363 = arith.index_cast %mul3A_323 : i32 to index
          %get3A_364 = tpu.vector_load %arg9[%get3A_361, %get3A_362, %get3A_363] {strides = array<i32>} : memref<2x16x1024xf32, #tpu.memory_space<vmem>>, vector<1x1x16xf32>,
          %get3A_365 = vector.shape_cast %get3A_364 : vector<1x1x16xf32> to vector<16xf32>
          %add3A_366 = arith.addf %get3A_344, %get3A_365 : vector<16xf32>
          %get3A_367 = arith.index_cast %mul3A_323 : i32 to index
          %get3A_368 = tpu.vector_load %arg10[%get3A_367] {strides = array<i32>} : memref<1024xf32, #tpu.memory_space<vmem>>, vector<16xf32>,
          %get3A_369 = vector.shape_cast %get3A_368 : vector<16xf32> to vector<16xf32>
          %add3A_370 = arith.addf %add3A_366, %get3A_369 : vector<16xf32>
          %jit3A_371 = arith.constant 2 : i32
          %eq3A_372 = arith.constant 0 : i32
          %eq3A_373 = arith.cmpi eq, %jit3A_371, %eq3A_372 : i32
          %jit3A_374 = arith.constant 1 : i32
          %select_n3A_375 = arith.select %eq3A_373, %jit3A_374, %jit3A_371 : i32
          %rem3A_376 = arith.remsi %scan3A_30, %select_n3A_375 : i32
          %ne3A_377 = arith.constant 0 : i32
          %ne3A_378 = arith.cmpi ne, %rem3A_376, %ne3A_377 : i32
          %lt3A_379 = arith.constant 0 : i32
          %lt3A_380 = arith.cmpi slt, %rem3A_376, %lt3A_379 : i32
          %lt3A_381 = arith.constant 0 : i32
          %lt3A_382 = arith.cmpi slt, %select_n3A_375, %lt3A_381 : i32
          %ne3A_383 = arith.xori %lt3A_380, %lt3A_382 : i1
          %and3A_384 = arith.andi %ne3A_383, %ne3A_378 : i1
          %add3A_385 = arith.addi %rem3A_376, %select_n3A_375 : i32
          %select_n3A_386 = arith.select %and3A_384, %add3A_385, %rem3A_376 : i32
          %swap3A_387 = arith.index_cast %select_n3A_386 : i32 to index
          %swap3A_388 = arith.index_cast %scan3A_90 : i32 to index
          %swap3A_389 = arith.index_cast %mul3A_323 : i32 to index
          %swap3A_390 = tpu.vector_load %arg8[%swap3A_387, %swap3A_388, %swap3A_389] {strides = array<i32>} : memref<2x16x1024xf32, #tpu.memory_space<vmem>>, vector<1x1x16xf32>,
          %swap3A_391 = vector.shape_cast %swap3A_390 : vector<1x1x16xf32> to vector<16xf32>
          %swap3A_392 = vector.shape_cast %add3A_370 : vector<16xf32> to vector<1x1x16xf32>
          tpu.vector_store %arg8[%swap3A_387, %swap3A_388, %swap3A_389], %swap3A_392 {strides = array<i32>} : memref<2x16x1024xf32, #tpu.memory_space<vmem>>, vector<1x1x16xf32>,
          %scan3A_393 = arith.constant 0 : i32
          %scan3A_394 = arith.constant 4 : i32
          %scan3A_395 = arith.addi %scan3A_100, %scan3A_394 : i32
          %mul3A_396 = arith.constant 16 : i32
          %mul3A_397 = arith.muli %scan3A_395, %mul3A_396 : i32
          %jit3A_398 = arith.constant 2 : i32
          %eq3A_399 = arith.constant 0 : i32
          %eq3A_400 = arith.cmpi eq, %jit3A_398, %eq3A_399 : i32
          %jit3A_401 = arith.constant 1 : i32
          %select_n3A_402 = arith.select %eq3A_400, %jit3A_401, %jit3A_398 : i32
          %rem3A_403 = arith.remsi %scan3A_30, %select_n3A_402 : i32
          %ne3A_404 = arith.constant 0 : i32
          %ne3A_405 = arith.cmpi ne, %rem3A_403, %ne3A_404 : i32
          %lt3A_406 = arith.constant 0 : i32
          %lt3A_407 = arith.cmpi slt, %rem3A_403, %lt3A_406 : i32
          %lt3A_408 = arith.constant 0 : i32
          %lt3A_409 = arith.cmpi slt, %select_n3A_402, %lt3A_408 : i32
          %ne3A_410 = arith.xori %lt3A_407, %lt3A_409 : i1
          %and3A_411 = arith.andi %ne3A_410, %ne3A_405 : i1
          %add3A_412 = arith.addi %rem3A_403, %select_n3A_402 : i32
          %select_n3A_413 = arith.select %and3A_411, %add3A_412, %rem3A_403 : i32
          %get3A_414 = arith.index_cast %select_n3A_413 : i32 to index
          %get3A_415 = arith.index_cast %scan3A_90 : i32 to index
          %get3A_416 = arith.index_cast %mul3A_397 : i32 to index
          %get3A_417 = tpu.vector_load %arg8[%get3A_414, %get3A_415, %get3A_416] {strides = array<i32>} : memref<2x16x1024xf32, #tpu.memory_space<vmem>>, vector<1x1x16xf32>,
          %get3A_418 = vector.shape_cast %get3A_417 : vector<1x1x16xf32> to vector<16xf32>
          %jit3A_419 = arith.constant 2 : i32
          %eq3A_420 = arith.constant 0 : i32
          %eq3A_421 = arith.cmpi eq, %jit3A_419, %eq3A_420 : i32
          %jit3A_422 = arith.constant 1 : i32
          %select_n3A_423 = arith.select %eq3A_421, %jit3A_422, %jit3A_419 : i32
          %rem3A_424 = arith.remsi %scan3A_30, %select_n3A_423 : i32
          %ne3A_425 = arith.constant 0 : i32
          %ne3A_426 = arith.cmpi ne, %rem3A_424, %ne3A_425 : i32
          %lt3A_427 = arith.constant 0 : i32
          %lt3A_428 = arith.cmpi slt, %rem3A_424, %lt3A_427 : i32
          %lt3A_429 = arith.constant 0 : i32
          %lt3A_430 = arith.cmpi slt, %select_n3A_423, %lt3A_429 : i32
          %ne3A_431 = arith.xori %lt3A_428, %lt3A_430 : i1
          %and3A_432 = arith.andi %ne3A_431, %ne3A_426 : i1
          %add3A_433 = arith.addi %rem3A_424, %select_n3A_423 : i32
          %select_n3A_434 = arith.select %and3A_432, %add3A_433, %rem3A_424 : i32
          %get3A_435 = arith.index_cast %select_n3A_434 : i32 to index
          %get3A_436 = arith.index_cast %scan3A_90 : i32 to index
          %get3A_437 = arith.index_cast %mul3A_397 : i32 to index
          %get3A_438 = tpu.vector_load %arg9[%get3A_435, %get3A_436, %get3A_437] {strides = array<i32>} : memref<2x16x1024xf32, #tpu.memory_space<vmem>>, vector<1x1x16xf32>,
          %get3A_439 = vector.shape_cast %get3A_438 : vector<1x1x16xf32> to vector<16xf32>
          %add3A_440 = arith.addf %get3A_418, %get3A_439 : vector<16xf32>
          %get3A_441 = arith.index_cast %mul3A_397 : i32 to index
          %get3A_442 = tpu.vector_load %arg10[%get3A_441] {strides = array<i32>} : memref<1024xf32, #tpu.memory_space<vmem>>, vector<16xf32>,
          %get3A_443 = vector.shape_cast %get3A_442 : vector<16xf32> to vector<16xf32>
          %add3A_444 = arith.addf %add3A_440, %get3A_443 : vector<16xf32>
          %jit3A_445 = arith.constant 2 : i32
          %eq3A_446 = arith.constant 0 : i32
          %eq3A_447 = arith.cmpi eq, %jit3A_445, %eq3A_446 : i32
          %jit3A_448 = arith.constant 1 : i32
          %select_n3A_449 = arith.select %eq3A_447, %jit3A_448, %jit3A_445 : i32
          %rem3A_450 = arith.remsi %scan3A_30, %select_n3A_449 : i32
          %ne3A_451 = arith.constant 0 : i32
          %ne3A_452 = arith.cmpi ne, %rem3A_450, %ne3A_451 : i32
          %lt3A_453 = arith.constant 0 : i32
          %lt3A_454 = arith.cmpi slt, %rem3A_450, %lt3A_453 : i32
          %lt3A_455 = arith.constant 0 : i32
          %lt3A_456 = arith.cmpi slt, %select_n3A_449, %lt3A_455 : i32
          %ne3A_457 = arith.xori %lt3A_454, %lt3A_456 : i1
          %and3A_458 = arith.andi %ne3A_457, %ne3A_452 : i1
          %add3A_459 = arith.addi %rem3A_450, %select_n3A_449 : i32
          %select_n3A_460 = arith.select %and3A_458, %add3A_459, %rem3A_450 : i32
          %swap3A_461 = arith.index_cast %select_n3A_460 : i32 to index
          %swap3A_462 = arith.index_cast %scan3A_90 : i32 to index
          %swap3A_463 = arith.index_cast %mul3A_397 : i32 to index
          %swap3A_464 = tpu.vector_load %arg8[%swap3A_461, %swap3A_462, %swap3A_463] {strides = array<i32>} : memref<2x16x1024xf32, #tpu.memory_space<vmem>>, vector<1x1x16xf32>,
          %swap3A_465 = vector.shape_cast %swap3A_464 : vector<1x1x16xf32> to vector<16xf32>
          %swap3A_466 = vector.shape_cast %add3A_444 : vector<16xf32> to vector<1x1x16xf32>
          tpu.vector_store %arg8[%swap3A_461, %swap3A_462, %swap3A_463], %swap3A_466 {strides = array<i32>} : memref<2x16x1024xf32, #tpu.memory_space<vmem>>, vector<1x1x16xf32>,
          %scan3A_467 = arith.constant 0 : i32
          %scan3A_468 = arith.constant 5 : i32
          %scan3A_469 = arith.addi %scan3A_100, %scan3A_468 : i32
          %mul3A_470 = arith.constant 16 : i32
          %mul3A_471 = arith.muli %scan3A_469, %mul3A_470 : i32
          %jit3A_472 = arith.constant 2 : i32
          %eq3A_473 = arith.constant 0 : i32
          %eq3A_474 = arith.cmpi eq, %jit3A_472, %eq3A_473 : i32
          %jit3A_475 = arith.constant 1 : i32
          %select_n3A_476 = arith.select %eq3A_474, %jit3A_475, %jit3A_472 : i32
          %rem3A_477 = arith.remsi %scan3A_30, %select_n3A_476 : i32
          %ne3A_478 = arith.constant 0 : i32
          %ne3A_479 = arith.cmpi ne, %rem3A_477, %ne3A_478 : i32
          %lt3A_480 = arith.constant 0 : i32
          %lt3A_481 = arith.cmpi slt, %rem3A_477, %lt3A_480 : i32
          %lt3A_482 = arith.constant 0 : i32
          %lt3A_483 = arith.cmpi slt, %select_n3A_476, %lt3A_482 : i32
          %ne3A_484 = arith.xori %lt3A_481, %lt3A_483 : i1
          %and3A_485 = arith.andi %ne3A_484, %ne3A_479 : i1
          %add3A_486 = arith.addi %rem3A_477, %select_n3A_476 : i32
          %select_n3A_487 = arith.select %and3A_485, %add3A_486, %rem3A_477 : i32
          %get3A_488 = arith.index_cast %select_n3A_487 : i32 to index
          %get3A_489 = arith.index_cast %scan3A_90 : i32 to index
          %get3A_490 = arith.index_cast %mul3A_471 : i32 to index
          %get3A_491 = tpu.vector_load %arg8[%get3A_488, %get3A_489, %get3A_490] {strides = array<i32>} : memref<2x16x1024xf32, #tpu.memory_space<vmem>>, vector<1x1x16xf32>,
          %get3A_492 = vector.shape_cast %get3A_491 : vector<1x1x16xf32> to vector<16xf32>
          %jit3A_493 = arith.constant 2 : i32
          %eq3A_494 = arith.constant 0 : i32
          %eq3A_495 = arith.cmpi eq, %jit3A_493, %eq3A_494 : i32
          %jit3A_496 = arith.constant 1 : i32
          %select_n3A_497 = arith.select %eq3A_495, %jit3A_496, %jit3A_493 : i32
          %rem3A_498 = arith.remsi %scan3A_30, %select_n3A_497 : i32
          %ne3A_499 = arith.constant 0 : i32
          %ne3A_500 = arith.cmpi ne, %rem3A_498, %ne3A_499 : i32
          %lt3A_501 = arith.constant 0 : i32
          %lt3A_502 = arith.cmpi slt, %rem3A_498, %lt3A_501 : i32
          %lt3A_503 = arith.constant 0 : i32
          %lt3A_504 = arith.cmpi slt, %select_n3A_497, %lt3A_503 : i32
          %ne3A_505 = arith.xori %lt3A_502, %lt3A_504 : i1
          %and3A_506 = arith.andi %ne3A_505, %ne3A_500 : i1
          %add3A_507 = arith.addi %rem3A_498, %select_n3A_497 : i32
          %select_n3A_508 = arith.select %and3A_506, %add3A_507, %rem3A_498 : i32
          %get3A_509 = arith.index_cast %select_n3A_508 : i32 to index
          %get3A_510 = arith.index_cast %scan3A_90 : i32 to index
          %get3A_511 = arith.index_cast %mul3A_471 : i32 to index
          %get3A_512 = tpu.vector_load %arg9[%get3A_509, %get3A_510, %get3A_511] {strides = array<i32>} : memref<2x16x1024xf32, #tpu.memory_space<vmem>>, vector<1x1x16xf32>,
          %get3A_513 = vector.shape_cast %get3A_512 : vector<1x1x16xf32> to vector<16xf32>
          %add3A_514 = arith.addf %get3A_492, %get3A_513 : vector<16xf32>
          %get3A_515 = arith.index_cast %mul3A_471 : i32 to index
          %get3A_516 = tpu.vector_load %arg10[%get3A_515] {strides = array<i32>} : memref<1024xf32, #tpu.memory_space<vmem>>, vector<16xf32>,
          %get3A_517 = vector.shape_cast %get3A_516 : vector<16xf32> to vector<16xf32>
          %add3A_518 = arith.addf %add3A_514, %get3A_517 : vector<16xf32>
          %jit3A_519 = arith.constant 2 : i32
          %eq3A_520 = arith.constant 0 : i32
          %eq3A_521 = arith.cmpi eq, %jit3A_519, %eq3A_520 : i32
          %jit3A_522 = arith.constant 1 : i32
          %select_n3A_523 = arith.select %eq3A_521, %jit3A_522, %jit3A_519 : i32
          %rem3A_524 = arith.remsi %scan3A_30, %select_n3A_523 : i32
          %ne3A_525 = arith.constant 0 : i32
          %ne3A_526 = arith.cmpi ne, %rem3A_524, %ne3A_525 : i32
          %lt3A_527 = arith.constant 0 : i32
          %lt3A_528 = arith.cmpi slt, %rem3A_524, %lt3A_527 : i32
          %lt3A_529 = arith.constant 0 : i32
          %lt3A_530 = arith.cmpi slt, %select_n3A_523, %lt3A_529 : i32
          %ne3A_531 = arith.xori %lt3A_528, %lt3A_530 : i1
          %and3A_532 = arith.andi %ne3A_531, %ne3A_526 : i1
          %add3A_533 = arith.addi %rem3A_524, %select_n3A_523 : i32
          %select_n3A_534 = arith.select %and3A_532, %add3A_533, %rem3A_524 : i32
          %swap3A_535 = arith.index_cast %select_n3A_534 : i32 to index
          %swap3A_536 = arith.index_cast %scan3A_90 : i32 to index
          %swap3A_537 = arith.index_cast %mul3A_471 : i32 to index
          %swap3A_538 = tpu.vector_load %arg8[%swap3A_535, %swap3A_536, %swap3A_537] {strides = array<i32>} : memref<2x16x1024xf32, #tpu.memory_space<vmem>>, vector<1x1x16xf32>,
          %swap3A_539 = vector.shape_cast %swap3A_538 : vector<1x1x16xf32> to vector<16xf32>
          %swap3A_540 = vector.shape_cast %add3A_518 : vector<16xf32> to vector<1x1x16xf32>
          tpu.vector_store %arg8[%swap3A_535, %swap3A_536, %swap3A_537], %swap3A_540 {strides = array<i32>} : memref<2x16x1024xf32, #tpu.memory_space<vmem>>, vector<1x1x16xf32>,
          %scan3A_541 = arith.constant 0 : i32
          %scan3A_542 = arith.constant 6 : i32
          %scan3A_543 = arith.addi %scan3A_100, %scan3A_542 : i32
          %mul3A_544 = arith.constant 16 : i32
          %mul3A_545 = arith.muli %scan3A_543, %mul3A_544 : i32
          %jit3A_546 = arith.constant 2 : i32
          %eq3A_547 = arith.constant 0 : i32
          %eq3A_548 = arith.cmpi eq, %jit3A_546, %eq3A_547 : i32
          %jit3A_549 = arith.constant 1 : i32
          %select_n3A_550 = arith.select %eq3A_548, %jit3A_549, %jit3A_546 : i32
          %rem3A_551 = arith.remsi %scan3A_30, %select_n3A_550 : i32
          %ne3A_552 = arith.constant 0 : i32
          %ne3A_553 = arith.cmpi ne, %rem3A_551, %ne3A_552 : i32
          %lt3A_554 = arith.constant 0 : i32
          %lt3A_555 = arith.cmpi slt, %rem3A_551, %lt3A_554 : i32
          %lt3A_556 = arith.constant 0 : i32
          %lt3A_557 = arith.cmpi slt, %select_n3A_550, %lt3A_556 : i32
          %ne3A_558 = arith.xori %lt3A_555, %lt3A_557 : i1
          %and3A_559 = arith.andi %ne3A_558, %ne3A_553 : i1
          %add3A_560 = arith.addi %rem3A_551, %select_n3A_550 : i32
          %select_n3A_561 = arith.select %and3A_559, %add3A_560, %rem3A_551 : i32
          %get3A_562 = arith.index_cast %select_n3A_561 : i32 to index
          %get3A_563 = arith.index_cast %scan3A_90 : i32 to index
          %get3A_564 = arith.index_cast %mul3A_545 : i32 to index
          %get3A_565 = tpu.vector_load %arg8[%get3A_562, %get3A_563, %get3A_564] {strides = array<i32>} : memref<2x16x1024xf32, #tpu.memory_space<vmem>>, vector<1x1x16xf32>,
          %get3A_566 = vector.shape_cast %get3A_565 : vector<1x1x16xf32> to vector<16xf32>
          %jit3A_567 = arith.constant 2 : i32
          %eq3A_568 = arith.constant 0 : i32
          %eq3A_569 = arith.cmpi eq, %jit3A_567, %eq3A_568 : i32
          %jit3A_570 = arith.constant 1 : i32
          %select_n3A_571 = arith.select %eq3A_569, %jit3A_570, %jit3A_567 : i32
          %rem3A_572 = arith.remsi %scan3A_30, %select_n3A_571 : i32
          %ne3A_573 = arith.constant 0 : i32
          %ne3A_574 = arith.cmpi ne, %rem3A_572, %ne3A_573 : i32
          %lt3A_575 = arith.constant 0 : i32
          %lt3A_576 = arith.cmpi slt, %rem3A_572, %lt3A_575 : i32
          %lt3A_577 = arith.constant 0 : i32
          %lt3A_578 = arith.cmpi slt, %select_n3A_571, %lt3A_577 : i32
          %ne3A_579 = arith.xori %lt3A_576, %lt3A_578 : i1
          %and3A_580 = arith.andi %ne3A_579, %ne3A_574 : i1
          %add3A_581 = arith.addi %rem3A_572, %select_n3A_571 : i32
          %select_n3A_582 = arith.select %and3A_580, %add3A_581, %rem3A_572 : i32
          %get3A_583 = arith.index_cast %select_n3A_582 : i32 to index
          %get3A_584 = arith.index_cast %scan3A_90 : i32 to index
          %get3A_585 = arith.index_cast %mul3A_545 : i32 to index
          %get3A_586 = tpu.vector_load %arg9[%get3A_583, %get3A_584, %get3A_585] {strides = array<i32>} : memref<2x16x1024xf32, #tpu.memory_space<vmem>>, vector<1x1x16xf32>,
          %get3A_587 = vector.shape_cast %get3A_586 : vector<1x1x16xf32> to vector<16xf32>
          %add3A_588 = arith.addf %get3A_566, %get3A_587 : vector<16xf32>
          %get3A_589 = arith.index_cast %mul3A_545 : i32 to index
          %get3A_590 = tpu.vector_load %arg10[%get3A_589] {strides = array<i32>} : memref<1024xf32, #tpu.memory_space<vmem>>, vector<16xf32>,
          %get3A_591 = vector.shape_cast %get3A_590 : vector<16xf32> to vector<16xf32>
          %add3A_592 = arith.addf %add3A_588, %get3A_591 : vector<16xf32>
          %jit3A_593 = arith.constant 2 : i32
          %eq3A_594 = arith.constant 0 : i32
          %eq3A_595 = arith.cmpi eq, %jit3A_593, %eq3A_594 : i32
          %jit3A_596 = arith.constant 1 : i32
          %select_n3A_597 = arith.select %eq3A_595, %jit3A_596, %jit3A_593 : i32
          %rem3A_598 = arith.remsi %scan3A_30, %select_n3A_597 : i32
          %ne3A_599 = arith.constant 0 : i32
          %ne3A_600 = arith.cmpi ne, %rem3A_598, %ne3A_599 : i32
          %lt3A_601 = arith.constant 0 : i32
          %lt3A_602 = arith.cmpi slt, %rem3A_598, %lt3A_601 : i32
          %lt3A_603 = arith.constant 0 : i32
          %lt3A_604 = arith.cmpi slt, %select_n3A_597, %lt3A_603 : i32
          %ne3A_605 = arith.xori %lt3A_602, %lt3A_604 : i1
          %and3A_606 = arith.andi %ne3A_605, %ne3A_600 : i1
          %add3A_607 = arith.addi %rem3A_598, %select_n3A_597 : i32
          %select_n3A_608 = arith.select %and3A_606, %add3A_607, %rem3A_598 : i32
          %swap3A_609 = arith.index_cast %select_n3A_608 : i32 to index
          %swap3A_610 = arith.index_cast %scan3A_90 : i32 to index
          %swap3A_611 = arith.index_cast %mul3A_545 : i32 to index
          %swap3A_612 = tpu.vector_load %arg8[%swap3A_609, %swap3A_610, %swap3A_611] {strides = array<i32>} : memref<2x16x1024xf32, #tpu.memory_space<vmem>>, vector<1x1x16xf32>,
          %swap3A_613 = vector.shape_cast %swap3A_612 : vector<1x1x16xf32> to vector<16xf32>
          %swap3A_614 = vector.shape_cast %add3A_592 : vector<16xf32> to vector<1x1x16xf32>
          tpu.vector_store %arg8[%swap3A_609, %swap3A_610, %swap3A_611], %swap3A_614 {strides = array<i32>} : memref<2x16x1024xf32, #tpu.memory_space<vmem>>, vector<1x1x16xf32>,
          %scan3A_615 = arith.constant 0 : i32
          %scan3A_616 = arith.constant 7 : i32
          %scan3A_617 = arith.addi %scan3A_100, %scan3A_616 : i32
          %mul3A_618 = arith.constant 16 : i32
          %mul3A_619 = arith.muli %scan3A_617, %mul3A_618 : i32
          %jit3A_620 = arith.constant 2 : i32
          %eq3A_621 = arith.constant 0 : i32
          %eq3A_622 = arith.cmpi eq, %jit3A_620, %eq3A_621 : i32
          %jit3A_623 = arith.constant 1 : i32
          %select_n3A_624 = arith.select %eq3A_622, %jit3A_623, %jit3A_620 : i32
          %rem3A_625 = arith.remsi %scan3A_30, %select_n3A_624 : i32
          %ne3A_626 = arith.constant 0 : i32
          %ne3A_627 = arith.cmpi ne, %rem3A_625, %ne3A_626 : i32
          %lt3A_628 = arith.constant 0 : i32
          %lt3A_629 = arith.cmpi slt, %rem3A_625, %lt3A_628 : i32
          %lt3A_630 = arith.constant 0 : i32
          %lt3A_631 = arith.cmpi slt, %select_n3A_624, %lt3A_630 : i32
          %ne3A_632 = arith.xori %lt3A_629, %lt3A_631 : i1
          %and3A_633 = arith.andi %ne3A_632, %ne3A_627 : i1
          %add3A_634 = arith.addi %rem3A_625, %select_n3A_624 : i32
          %select_n3A_635 = arith.select %and3A_633, %add3A_634, %rem3A_625 : i32
          %get3A_636 = arith.index_cast %select_n3A_635 : i32 to index
          %get3A_637 = arith.index_cast %scan3A_90 : i32 to index
          %get3A_638 = arith.index_cast %mul3A_619 : i32 to index
          %get3A_639 = tpu.vector_load %arg8[%get3A_636, %get3A_637, %get3A_638] {strides = array<i32>} : memref<2x16x1024xf32, #tpu.memory_space<vmem>>, vector<1x1x16xf32>,
          %get3A_640 = vector.shape_cast %get3A_639 : vector<1x1x16xf32> to vector<16xf32>
          %jit3A_641 = arith.constant 2 : i32
          %eq3A_642 = arith.constant 0 : i32
          %eq3A_643 = arith.cmpi eq, %jit3A_641, %eq3A_642 : i32
          %jit3A_644 = arith.constant 1 : i32
          %select_n3A_645 = arith.select %eq3A_643, %jit3A_644, %jit3A_641 : i32
          %rem3A_646 = arith.remsi %scan3A_30, %select_n3A_645 : i32
          %ne3A_647 = arith.constant 0 : i32
          %ne3A_648 = arith.cmpi ne, %rem3A_646, %ne3A_647 : i32
          %lt3A_649 = arith.constant 0 : i32
          %lt3A_650 = arith.cmpi slt, %rem3A_646, %lt3A_649 : i32
          %lt3A_651 = arith.constant 0 : i32
          %lt3A_652 = arith.cmpi slt, %select_n3A_645, %lt3A_651 : i32
          %ne3A_653 = arith.xori %lt3A_650, %lt3A_652 : i1
          %and3A_654 = arith.andi %ne3A_653, %ne3A_648 : i1
          %add3A_655 = arith.addi %rem3A_646, %select_n3A_645 : i32
          %select_n3A_656 = arith.select %and3A_654, %add3A_655, %rem3A_646 : i32
          %get3A_657 = arith.index_cast %select_n3A_656 : i32 to index
          %get3A_658 = arith.index_cast %scan3A_90 : i32 to index
          %get3A_659 = arith.index_cast %mul3A_619 : i32 to index
          %get3A_660 = tpu.vector_load %arg9[%get3A_657, %get3A_658, %get3A_659] {strides = array<i32>} : memref<2x16x1024xf32, #tpu.memory_space<vmem>>, vector<1x1x16xf32>,
          %get3A_661 = vector.shape_cast %get3A_660 : vector<1x1x16xf32> to vector<16xf32>
          %add3A_662 = arith.addf %get3A_640, %get3A_661 : vector<16xf32>
          %get3A_663 = arith.index_cast %mul3A_619 : i32 to index
          %get3A_664 = tpu.vector_load %arg10[%get3A_663] {strides = array<i32>} : memref<1024xf32, #tpu.memory_space<vmem>>, vector<16xf32>,
          %get3A_665 = vector.shape_cast %get3A_664 : vector<16xf32> to vector<16xf32>
          %add3A_666 = arith.addf %add3A_662, %get3A_665 : vector<16xf32>
          %jit3A_667 = arith.constant 2 : i32
          %eq3A_668 = arith.constant 0 : i32
          %eq3A_669 = arith.cmpi eq, %jit3A_667, %eq3A_668 : i32
          %jit3A_670 = arith.constant 1 : i32
          %select_n3A_671 = arith.select %eq3A_669, %jit3A_670, %jit3A_667 : i32
          %rem3A_672 = arith.remsi %scan3A_30, %select_n3A_671 : i32
          %ne3A_673 = arith.constant 0 : i32
          %ne3A_674 = arith.cmpi ne, %rem3A_672, %ne3A_673 : i32
          %lt3A_675 = arith.constant 0 : i32
          %lt3A_676 = arith.cmpi slt, %rem3A_672, %lt3A_675 : i32
          %lt3A_677 = arith.constant 0 : i32
          %lt3A_678 = arith.cmpi slt, %select_n3A_671, %lt3A_677 : i32
          %ne3A_679 = arith.xori %lt3A_676, %lt3A_678 : i1
          %and3A_680 = arith.andi %ne3A_679, %ne3A_674 : i1
          %add3A_681 = arith.addi %rem3A_672, %select_n3A_671 : i32
          %select_n3A_682 = arith.select %and3A_680, %add3A_681, %rem3A_672 : i32
          %swap3A_683 = arith.index_cast %select_n3A_682 : i32 to index
          %swap3A_684 = arith.index_cast %scan3A_90 : i32 to index
          %swap3A_685 = arith.index_cast %mul3A_619 : i32 to index
          %swap3A_686 = tpu.vector_load %arg8[%swap3A_683, %swap3A_684, %swap3A_685] {strides = array<i32>} : memref<2x16x1024xf32, #tpu.memory_space<vmem>>, vector<1x1x16xf32>,
          %swap3A_687 = vector.shape_cast %swap3A_686 : vector<1x1x16xf32> to vector<16xf32>
          %swap3A_688 = vector.shape_cast %add3A_666 : vector<16xf32> to vector<1x1x16xf32>
          tpu.vector_store %arg8[%swap3A_683, %swap3A_684, %swap3A_685], %swap3A_688 {strides = array<i32>} : memref<2x16x1024xf32, #tpu.memory_space<vmem>>, vector<1x1x16xf32>,
          %scan3A_689 = arith.constant 0 : i32
          %scan3A_690 = arith.constant 8 : i32
          %scan3A_691 = arith.addi %scan3A_100, %scan3A_690 : i32
          %mul3A_692 = arith.constant 16 : i32
          %mul3A_693 = arith.muli %scan3A_691, %mul3A_692 : i32
          %jit3A_694 = arith.constant 2 : i32
          %eq3A_695 = arith.constant 0 : i32
          %eq3A_696 = arith.cmpi eq, %jit3A_694, %eq3A_695 : i32
          %jit3A_697 = arith.constant 1 : i32
          %select_n3A_698 = arith.select %eq3A_696, %jit3A_697, %jit3A_694 : i32
          %rem3A_699 = arith.remsi %scan3A_30, %select_n3A_698 : i32
          %ne3A_700 = arith.constant 0 : i32
          %ne3A_701 = arith.cmpi ne, %rem3A_699, %ne3A_700 : i32
          %lt3A_702 = arith.constant 0 : i32
          %lt3A_703 = arith.cmpi slt, %rem3A_699, %lt3A_702 : i32
          %lt3A_704 = arith.constant 0 : i32
          %lt3A_705 = arith.cmpi slt, %select_n3A_698, %lt3A_704 : i32
          %ne3A_706 = arith.xori %lt3A_703, %lt3A_705 : i1
          %and3A_707 = arith.andi %ne3A_706, %ne3A_701 : i1
          %add3A_708 = arith.addi %rem3A_699, %select_n3A_698 : i32
          %select_n3A_709 = arith.select %and3A_707, %add3A_708, %rem3A_699 : i32
          %get3A_710 = arith.index_cast %select_n3A_709 : i32 to index
          %get3A_711 = arith.index_cast %scan3A_90 : i32 to index
          %get3A_712 = arith.index_cast %mul3A_693 : i32 to index
          %get3A_713 = tpu.vector_load %arg8[%get3A_710, %get3A_711, %get3A_712] {strides = array<i32>} : memref<2x16x1024xf32, #tpu.memory_space<vmem>>, vector<1x1x16xf32>,
          %get3A_714 = vector.shape_cast %get3A_713 : vector<1x1x16xf32> to vector<16xf32>
          %jit3A_715 = arith.constant 2 : i32
          %eq3A_716 = arith.constant 0 : i32
          %eq3A_717 = arith.cmpi eq, %jit3A_715, %eq3A_716 : i32
          %jit3A_718 = arith.constant 1 : i32
          %select_n3A_719 = arith.select %eq3A_717, %jit3A_718, %jit3A_715 : i32
          %rem3A_720 = arith.remsi %scan3A_30, %select_n3A_719 : i32
          %ne3A_721 = arith.constant 0 : i32
          %ne3A_722 = arith.cmpi ne, %rem3A_720, %ne3A_721 : i32
          %lt3A_723 = arith.constant 0 : i32
          %lt3A_724 = arith.cmpi slt, %rem3A_720, %lt3A_723 : i32
          %lt3A_725 = arith.constant 0 : i32
          %lt3A_726 = arith.cmpi slt, %select_n3A_719, %lt3A_725 : i32
          %ne3A_727 = arith.xori %lt3A_724, %lt3A_726 : i1
          %and3A_728 = arith.andi %ne3A_727, %ne3A_722 : i1
          %add3A_729 = arith.addi %rem3A_720, %select_n3A_719 : i32
          %select_n3A_730 = arith.select %and3A_728, %add3A_729, %rem3A_720 : i32
          %get3A_731 = arith.index_cast %select_n3A_730 : i32 to index
          %get3A_732 = arith.index_cast %scan3A_90 : i32 to index
          %get3A_733 = arith.index_cast %mul3A_693 : i32 to index
          %get3A_734 = tpu.vector_load %arg9[%get3A_731, %get3A_732, %get3A_733] {strides = array<i32>} : memref<2x16x1024xf32, #tpu.memory_space<vmem>>, vector<1x1x16xf32>,
          %get3A_735 = vector.shape_cast %get3A_734 : vector<1x1x16xf32> to vector<16xf32>
          %add3A_736 = arith.addf %get3A_714, %get3A_735 : vector<16xf32>
          %get3A_737 = arith.index_cast %mul3A_693 : i32 to index
          %get3A_738 = tpu.vector_load %arg10[%get3A_737] {strides = array<i32>} : memref<1024xf32, #tpu.memory_space<vmem>>, vector<16xf32>,
          %get3A_739 = vector.shape_cast %get3A_738 : vector<16xf32> to vector<16xf32>
          %add3A_740 = arith.addf %add3A_736, %get3A_739 : vector<16xf32>
          %jit3A_741 = arith.constant 2 : i32
          %eq3A_742 = arith.constant 0 : i32
          %eq3A_743 = arith.cmpi eq, %jit3A_741, %eq3A_742 : i32
          %jit3A_744 = arith.constant 1 : i32
          %select_n3A_745 = arith.select %eq3A_743, %jit3A_744, %jit3A_741 : i32
          %rem3A_746 = arith.remsi %scan3A_30, %select_n3A_745 : i32
          %ne3A_747 = arith.constant 0 : i32
          %ne3A_748 = arith.cmpi ne, %rem3A_746, %ne3A_747 : i32
          %lt3A_749 = arith.constant 0 : i32
          %lt3A_750 = arith.cmpi slt, %rem3A_746, %lt3A_749 : i32
          %lt3A_751 = arith.constant 0 : i32
          %lt3A_752 = arith.cmpi slt, %select_n3A_745, %lt3A_751 : i32
          %ne3A_753 = arith.xori %lt3A_750, %lt3A_752 : i1
          %and3A_754 = arith.andi %ne3A_753, %ne3A_748 : i1
          %add3A_755 = arith.addi %rem3A_746, %select_n3A_745 : i32
          %select_n3A_756 = arith.select %and3A_754, %add3A_755, %rem3A_746 : i32
          %swap3A_757 = arith.index_cast %select_n3A_756 : i32 to index
          %swap3A_758 = arith.index_cast %scan3A_90 : i32 to index
          %swap3A_759 = arith.index_cast %mul3A_693 : i32 to index
          %swap3A_760 = tpu.vector_load %arg8[%swap3A_757, %swap3A_758, %swap3A_759] {strides = array<i32>} : memref<2x16x1024xf32, #tpu.memory_space<vmem>>, vector<1x1x16xf32>,
          %swap3A_761 = vector.shape_cast %swap3A_760 : vector<1x1x16xf32> to vector<16xf32>
          %swap3A_762 = vector.shape_cast %add3A_740 : vector<16xf32> to vector<1x1x16xf32>
          tpu.vector_store %arg8[%swap3A_757, %swap3A_758, %swap3A_759], %swap3A_762 {strides = array<i32>} : memref<2x16x1024xf32, #tpu.memory_space<vmem>>, vector<1x1x16xf32>,
          %scan3A_763 = arith.constant 0 : i32
          %scan3A_764 = arith.constant 9 : i32
          %scan3A_765 = arith.addi %scan3A_100, %scan3A_764 : i32
          %mul3A_766 = arith.constant 16 : i32
          %mul3A_767 = arith.muli %scan3A_765, %mul3A_766 : i32
          %jit3A_768 = arith.constant 2 : i32
          %eq3A_769 = arith.constant 0 : i32
          %eq3A_770 = arith.cmpi eq, %jit3A_768, %eq3A_769 : i32
          %jit3A_771 = arith.constant 1 : i32
          %select_n3A_772 = arith.select %eq3A_770, %jit3A_771, %jit3A_768 : i32
          %rem3A_773 = arith.remsi %scan3A_30, %select_n3A_772 : i32
          %ne3A_774 = arith.constant 0 : i32
          %ne3A_775 = arith.cmpi ne, %rem3A_773, %ne3A_774 : i32
          %lt3A_776 = arith.constant 0 : i32
          %lt3A_777 = arith.cmpi slt, %rem3A_773, %lt3A_776 : i32
          %lt3A_778 = arith.constant 0 : i32
          %lt3A_779 = arith.cmpi slt, %select_n3A_772, %lt3A_778 : i32
          %ne3A_780 = arith.xori %lt3A_777, %lt3A_779 : i1
          %and3A_781 = arith.andi %ne3A_780, %ne3A_775 : i1
          %add3A_782 = arith.addi %rem3A_773, %select_n3A_772 : i32
          %select_n3A_783 = arith.select %and3A_781, %add3A_782, %rem3A_773 : i32
          %get3A_784 = arith.index_cast %select_n3A_783 : i32 to index
          %get3A_785 = arith.index_cast %scan3A_90 : i32 to index
          %get3A_786 = arith.index_cast %mul3A_767 : i32 to index
          %get3A_787 = tpu.vector_load %arg8[%get3A_784, %get3A_785, %get3A_786] {strides = array<i32>} : memref<2x16x1024xf32, #tpu.memory_space<vmem>>, vector<1x1x16xf32>,
          %get3A_788 = vector.shape_cast %get3A_787 : vector<1x1x16xf32> to vector<16xf32>
          %jit3A_789 = arith.constant 2 : i32
          %eq3A_790 = arith.constant 0 : i32
          %eq3A_791 = arith.cmpi eq, %jit3A_789, %eq3A_790 : i32
          %jit3A_792 = arith.constant 1 : i32
          %select_n3A_793 = arith.select %eq3A_791, %jit3A_792, %jit3A_789 : i32
          %rem3A_794 = arith.remsi %scan3A_30, %select_n3A_793 : i32
          %ne3A_795 = arith.constant 0 : i32
          %ne3A_796 = arith.cmpi ne, %rem3A_794, %ne3A_795 : i32
          %lt3A_797 = arith.constant 0 : i32
          %lt3A_798 = arith.cmpi slt, %rem3A_794, %lt3A_797 : i32
          %lt3A_799 = arith.constant 0 : i32
          %lt3A_800 = arith.cmpi slt, %select_n3A_793, %lt3A_799 : i32
          %ne3A_801 = arith.xori %lt3A_798, %lt3A_800 : i1
          %and3A_802 = arith.andi %ne3A_801, %ne3A_796 : i1
          %add3A_803 = arith.addi %rem3A_794, %select_n3A_793 : i32
          %select_n3A_804 = arith.select %and3A_802, %add3A_803, %rem3A_794 : i32
          %get3A_805 = arith.index_cast %select_n3A_804 : i32 to index
          %get3A_806 = arith.index_cast %scan3A_90 : i32 to index
          %get3A_807 = arith.index_cast %mul3A_767 : i32 to index
          %get3A_808 = tpu.vector_load %arg9[%get3A_805, %get3A_806, %get3A_807] {strides = array<i32>} : memref<2x16x1024xf32, #tpu.memory_space<vmem>>, vector<1x1x16xf32>,
          %get3A_809 = vector.shape_cast %get3A_808 : vector<1x1x16xf32> to vector<16xf32>
          %add3A_810 = arith.addf %get3A_788, %get3A_809 : vector<16xf32>
          %get3A_811 = arith.index_cast %mul3A_767 : i32 to index
          %get3A_812 = tpu.vector_load %arg10[%get3A_811] {strides = array<i32>} : memref<1024xf32, #tpu.memory_space<vmem>>, vector<16xf32>,
          %get3A_813 = vector.shape_cast %get3A_812 : vector<16xf32> to vector<16xf32>
          %add3A_814 = arith.addf %add3A_810, %get3A_813 : vector<16xf32>
          %jit3A_815 = arith.constant 2 : i32
          %eq3A_816 = arith.constant 0 : i32
          %eq3A_817 = arith.cmpi eq, %jit3A_815, %eq3A_816 : i32
          %jit3A_818 = arith.constant 1 : i32
          %select_n3A_819 = arith.select %eq3A_817, %jit3A_818, %jit3A_815 : i32
          %rem3A_820 = arith.remsi %scan3A_30, %select_n3A_819 : i32
          %ne3A_821 = arith.constant 0 : i32
          %ne3A_822 = arith.cmpi ne, %rem3A_820, %ne3A_821 : i32
          %lt3A_823 = arith.constant 0 : i32
          %lt3A_824 = arith.cmpi slt, %rem3A_820, %lt3A_823 : i32
          %lt3A_825 = arith.constant 0 : i32
          %lt3A_826 = arith.cmpi slt, %select_n3A_819, %lt3A_825 : i32
          %ne3A_827 = arith.xori %lt3A_824, %lt3A_826 : i1
          %and3A_828 = arith.andi %ne3A_827, %ne3A_822 : i1
          %add3A_829 = arith.addi %rem3A_820, %select_n3A_819 : i32
          %select_n3A_830 = arith.select %and3A_828, %add3A_829, %rem3A_820 : i32
          %swap3A_831 = arith.index_cast %select_n3A_830 : i32 to index
          %swap3A_832 = arith.index_cast %scan3A_90 : i32 to index
          %swap3A_833 = arith.index_cast %mul3A_767 : i32 to index
          %swap3A_834 = tpu.vector_load %arg8[%swap3A_831, %swap3A_832, %swap3A_833] {strides = array<i32>} : memref<2x16x1024xf32, #tpu.memory_space<vmem>>, vector<1x1x16xf32>,
          %swap3A_835 = vector.shape_cast %swap3A_834 : vector<1x1x16xf32> to vector<16xf32>
          %swap3A_836 = vector.shape_cast %add3A_814 : vector<16xf32> to vector<1x1x16xf32>
          tpu.vector_store %arg8[%swap3A_831, %swap3A_832, %swap3A_833], %swap3A_836 {strides = array<i32>} : memref<2x16x1024xf32, #tpu.memory_space<vmem>>, vector<1x1x16xf32>,
          %scan3A_837 = arith.constant 0 : i32
          %scan3A_838 = arith.constant 10 : i32
          %scan3A_839 = arith.addi %scan3A_100, %scan3A_838 : i32
          %mul3A_840 = arith.constant 16 : i32
          %mul3A_841 = arith.muli %scan3A_839, %mul3A_840 : i32
          %jit3A_842 = arith.constant 2 : i32
          %eq3A_843 = arith.constant 0 : i32
          %eq3A_844 = arith.cmpi eq, %jit3A_842, %eq3A_843 : i32
          %jit3A_845 = arith.constant 1 : i32
          %select_n3A_846 = arith.select %eq3A_844, %jit3A_845, %jit3A_842 : i32
          %rem3A_847 = arith.remsi %scan3A_30, %select_n3A_846 : i32
          %ne3A_848 = arith.constant 0 : i32
          %ne3A_849 = arith.cmpi ne, %rem3A_847, %ne3A_848 : i32
          %lt3A_850 = arith.constant 0 : i32
          %lt3A_851 = arith.cmpi slt, %rem3A_847, %lt3A_850 : i32
          %lt3A_852 = arith.constant 0 : i32
          %lt3A_853 = arith.cmpi slt, %select_n3A_846, %lt3A_852 : i32
          %ne3A_854 = arith.xori %lt3A_851, %lt3A_853 : i1
          %and3A_855 = arith.andi %ne3A_854, %ne3A_849 : i1
          %add3A_856 = arith.addi %rem3A_847, %select_n3A_846 : i32
          %select_n3A_857 = arith.select %and3A_855, %add3A_856, %rem3A_847 : i32
          %get3A_858 = arith.index_cast %select_n3A_857 : i32 to index
          %get3A_859 = arith.index_cast %scan3A_90 : i32 to index
          %get3A_860 = arith.index_cast %mul3A_841 : i32 to index
          %get3A_861 = tpu.vector_load %arg8[%get3A_858, %get3A_859, %get3A_860] {strides = array<i32>} : memref<2x16x1024xf32, #tpu.memory_space<vmem>>, vector<1x1x16xf32>,
          %get3A_862 = vector.shape_cast %get3A_861 : vector<1x1x16xf32> to vector<16xf32>
          %jit3A_863 = arith.constant 2 : i32
          %eq3A_864 = arith.constant 0 : i32
          %eq3A_865 = arith.cmpi eq, %jit3A_863, %eq3A_864 : i32
          %jit3A_866 = arith.constant 1 : i32
          %select_n3A_867 = arith.select %eq3A_865, %jit3A_866, %jit3A_863 : i32
          %rem3A_868 = arith.remsi %scan3A_30, %select_n3A_867 : i32
          %ne3A_869 = arith.constant 0 : i32
          %ne3A_870 = arith.cmpi ne, %rem3A_868, %ne3A_869 : i32
          %lt3A_871 = arith.constant 0 : i32
          %lt3A_872 = arith.cmpi slt, %rem3A_868, %lt3A_871 : i32
          %lt3A_873 = arith.constant 0 : i32
          %lt3A_874 = arith.cmpi slt, %select_n3A_867, %lt3A_873 : i32
          %ne3A_875 = arith.xori %lt3A_872, %lt3A_874 : i1
          %and3A_876 = arith.andi %ne3A_875, %ne3A_870 : i1
          %add3A_877 = arith.addi %rem3A_868, %select_n3A_867 : i32
          %select_n3A_878 = arith.select %and3A_876, %add3A_877, %rem3A_868 : i32
          %get3A_879 = arith.index_cast %select_n3A_878 : i32 to index
          %get3A_880 = arith.index_cast %scan3A_90 : i32 to index
          %get3A_881 = arith.index_cast %mul3A_841 : i32 to index
          %get3A_882 = tpu.vector_load %arg9[%get3A_879, %get3A_880, %get3A_881] {strides = array<i32>} : memref<2x16x1024xf32, #tpu.memory_space<vmem>>, vector<1x1x16xf32>,
          %get3A_883 = vector.shape_cast %get3A_882 : vector<1x1x16xf32> to vector<16xf32>
          %add3A_884 = arith.addf %get3A_862, %get3A_883 : vector<16xf32>
          %get3A_885 = arith.index_cast %mul3A_841 : i32 to index
          %get3A_886 = tpu.vector_load %arg10[%get3A_885] {strides = array<i32>} : memref<1024xf32, #tpu.memory_space<vmem>>, vector<16xf32>,
          %get3A_887 = vector.shape_cast %get3A_886 : vector<16xf32> to vector<16xf32>
          %add3A_888 = arith.addf %add3A_884, %get3A_887 : vector<16xf32>
          %jit3A_889 = arith.constant 2 : i32
          %eq3A_890 = arith.constant 0 : i32
          %eq3A_891 = arith.cmpi eq, %jit3A_889, %eq3A_890 : i32
          %jit3A_892 = arith.constant 1 : i32
          %select_n3A_893 = arith.select %eq3A_891, %jit3A_892, %jit3A_889 : i32
          %rem3A_894 = arith.remsi %scan3A_30, %select_n3A_893 : i32
          %ne3A_895 = arith.constant 0 : i32
          %ne3A_896 = arith.cmpi ne, %rem3A_894, %ne3A_895 : i32
          %lt3A_897 = arith.constant 0 : i32
          %lt3A_898 = arith.cmpi slt, %rem3A_894, %lt3A_897 : i32
          %lt3A_899 = arith.constant 0 : i32
          %lt3A_900 = arith.cmpi slt, %select_n3A_893, %lt3A_899 : i32
          %ne3A_901 = arith.xori %lt3A_898, %lt3A_900 : i1
          %and3A_902 = arith.andi %ne3A_901, %ne3A_896 : i1
          %add3A_903 = arith.addi %rem3A_894, %select_n3A_893 : i32
          %select_n3A_904 = arith.select %and3A_902, %add3A_903, %rem3A_894 : i32
          %swap3A_905 = arith.index_cast %select_n3A_904 : i32 to index
          %swap3A_906 = arith.index_cast %scan3A_90 : i32 to index
          %swap3A_907 = arith.index_cast %mul3A_841 : i32 to index
          %swap3A_908 = tpu.vector_load %arg8[%swap3A_905, %swap3A_906, %swap3A_907] {strides = array<i32>} : memref<2x16x1024xf32, #tpu.memory_space<vmem>>, vector<1x1x16xf32>,
          %swap3A_909 = vector.shape_cast %swap3A_908 : vector<1x1x16xf32> to vector<16xf32>
          %swap3A_910 = vector.shape_cast %add3A_888 : vector<16xf32> to vector<1x1x16xf32>
          tpu.vector_store %arg8[%swap3A_905, %swap3A_906, %swap3A_907], %swap3A_910 {strides = array<i32>} : memref<2x16x1024xf32, #tpu.memory_space<vmem>>, vector<1x1x16xf32>,
          %scan3A_911 = arith.constant 0 : i32
          %scan3A_912 = arith.constant 11 : i32
          %scan3A_913 = arith.addi %scan3A_100, %scan3A_912 : i32
          %mul3A_914 = arith.constant 16 : i32
          %mul3A_915 = arith.muli %scan3A_913, %mul3A_914 : i32
          %jit3A_916 = arith.constant 2 : i32
          %eq3A_917 = arith.constant 0 : i32
          %eq3A_918 = arith.cmpi eq, %jit3A_916, %eq3A_917 : i32
          %jit3A_919 = arith.constant 1 : i32
          %select_n3A_920 = arith.select %eq3A_918, %jit3A_919, %jit3A_916 : i32
          %rem3A_921 = arith.remsi %scan3A_30, %select_n3A_920 : i32
          %ne3A_922 = arith.constant 0 : i32
          %ne3A_923 = arith.cmpi ne, %rem3A_921, %ne3A_922 : i32
          %lt3A_924 = arith.constant 0 : i32
          %lt3A_925 = arith.cmpi slt, %rem3A_921, %lt3A_924 : i32
          %lt3A_926 = arith.constant 0 : i32
          %lt3A_927 = arith.cmpi slt, %select_n3A_920, %lt3A_926 : i32
          %ne3A_928 = arith.xori %lt3A_925, %lt3A_927 : i1
          %and3A_929 = arith.andi %ne3A_928, %ne3A_923 : i1
          %add3A_930 = arith.addi %rem3A_921, %select_n3A_920 : i32
          %select_n3A_931 = arith.select %and3A_929, %add3A_930, %rem3A_921 : i32
          %get3A_932 = arith.index_cast %select_n3A_931 : i32 to index
          %get3A_933 = arith.index_cast %scan3A_90 : i32 to index
          %get3A_934 = arith.index_cast %mul3A_915 : i32 to index
          %get3A_935 = tpu.vector_load %arg8[%get3A_932, %get3A_933, %get3A_934] {strides = array<i32>} : memref<2x16x1024xf32, #tpu.memory_space<vmem>>, vector<1x1x16xf32>,
          %get3A_936 = vector.shape_cast %get3A_935 : vector<1x1x16xf32> to vector<16xf32>
          %jit3A_937 = arith.constant 2 : i32
          %eq3A_938 = arith.constant 0 : i32
          %eq3A_939 = arith.cmpi eq, %jit3A_937, %eq3A_938 : i32
          %jit3A_940 = arith.constant 1 : i32
          %select_n3A_941 = arith.select %eq3A_939, %jit3A_940, %jit3A_937 : i32
          %rem3A_942 = arith.remsi %scan3A_30, %select_n3A_941 : i32
          %ne3A_943 = arith.constant 0 : i32
          %ne3A_944 = arith.cmpi ne, %rem3A_942, %ne3A_943 : i32
          %lt3A_945 = arith.constant 0 : i32
          %lt3A_946 = arith.cmpi slt, %rem3A_942, %lt3A_945 : i32
          %lt3A_947 = arith.constant 0 : i32
          %lt3A_948 = arith.cmpi slt, %select_n3A_941, %lt3A_947 : i32
          %ne3A_949 = arith.xori %lt3A_946, %lt3A_948 : i1
          %and3A_950 = arith.andi %ne3A_949, %ne3A_944 : i1
          %add3A_951 = arith.addi %rem3A_942, %select_n3A_941 : i32
          %select_n3A_952 = arith.select %and3A_950, %add3A_951, %rem3A_942 : i32
          %get3A_953 = arith.index_cast %select_n3A_952 : i32 to index
          %get3A_954 = arith.index_cast %scan3A_90 : i32 to index
          %get3A_955 = arith.index_cast %mul3A_915 : i32 to index
          %get3A_956 = tpu.vector_load %arg9[%get3A_953, %get3A_954, %get3A_955] {strides = array<i32>} : memref<2x16x1024xf32, #tpu.memory_space<vmem>>, vector<1x1x16xf32>,
          %get3A_957 = vector.shape_cast %get3A_956 : vector<1x1x16xf32> to vector<16xf32>
          %add3A_958 = arith.addf %get3A_936, %get3A_957 : vector<16xf32>
          %get3A_959 = arith.index_cast %mul3A_915 : i32 to index
          %get3A_960 = tpu.vector_load %arg10[%get3A_959] {strides = array<i32>} : memref<1024xf32, #tpu.memory_space<vmem>>, vector<16xf32>,
          %get3A_961 = vector.shape_cast %get3A_960 : vector<16xf32> to vector<16xf32>
          %add3A_962 = arith.addf %add3A_958, %get3A_961 : vector<16xf32>
          %jit3A_963 = arith.constant 2 : i32
          %eq3A_964 = arith.constant 0 : i32
          %eq3A_965 = arith.cmpi eq, %jit3A_963, %eq3A_964 : i32
          %jit3A_966 = arith.constant 1 : i32
          %select_n3A_967 = arith.select %eq3A_965, %jit3A_966, %jit3A_963 : i32
          %rem3A_968 = arith.remsi %scan3A_30, %select_n3A_967 : i32
          %ne3A_969 = arith.constant 0 : i32
          %ne3A_970 = arith.cmpi ne, %rem3A_968, %ne3A_969 : i32
          %lt3A_971 = arith.constant 0 : i32
          %lt3A_972 = arith.cmpi slt, %rem3A_968, %lt3A_971 : i32
          %lt3A_973 = arith.constant 0 : i32
          %lt3A_974 = arith.cmpi slt, %select_n3A_967, %lt3A_973 : i32
          %ne3A_975 = arith.xori %lt3A_972, %lt3A_974 : i1
          %and3A_976 = arith.andi %ne3A_975, %ne3A_970 : i1
          %add3A_977 = arith.addi %rem3A_968, %select_n3A_967 : i32
          %select_n3A_978 = arith.select %and3A_976, %add3A_977, %rem3A_968 : i32
          %swap3A_979 = arith.index_cast %select_n3A_978 : i32 to index
          %swap3A_980 = arith.index_cast %scan3A_90 : i32 to index
          %swap3A_981 = arith.index_cast %mul3A_915 : i32 to index
          %swap3A_982 = tpu.vector_load %arg8[%swap3A_979, %swap3A_980, %swap3A_981] {strides = array<i32>} : memref<2x16x1024xf32, #tpu.memory_space<vmem>>, vector<1x1x16xf32>,
          %swap3A_983 = vector.shape_cast %swap3A_982 : vector<1x1x16xf32> to vector<16xf32>
          %swap3A_984 = vector.shape_cast %add3A_962 : vector<16xf32> to vector<1x1x16xf32>
          tpu.vector_store %arg8[%swap3A_979, %swap3A_980, %swap3A_981], %swap3A_984 {strides = array<i32>} : memref<2x16x1024xf32, #tpu.memory_space<vmem>>, vector<1x1x16xf32>,
          %scan3A_985 = arith.constant 0 : i32
          %scan3A_986 = arith.constant 12 : i32
          %scan3A_987 = arith.addi %scan3A_100, %scan3A_986 : i32
          %mul3A_988 = arith.constant 16 : i32
          %mul3A_989 = arith.muli %scan3A_987, %mul3A_988 : i32
          %jit3A_990 = arith.constant 2 : i32
          %eq3A_991 = arith.constant 0 : i32
          %eq3A_992 = arith.cmpi eq, %jit3A_990, %eq3A_991 : i32
          %jit3A_993 = arith.constant 1 : i32
          %select_n3A_994 = arith.select %eq3A_992, %jit3A_993, %jit3A_990 : i32
          %rem3A_995 = arith.remsi %scan3A_30, %select_n3A_994 : i32
          %ne3A_996 = arith.constant 0 : i32
          %ne3A_997 = arith.cmpi ne, %rem3A_995, %ne3A_996 : i32
          %lt3A_998 = arith.constant 0 : i32
          %lt3A_999 = arith.cmpi slt, %rem3A_995, %lt3A_998 : i32
          %lt3A_1000 = arith.constant 0 : i32
          %lt3A_1001 = arith.cmpi slt, %select_n3A_994, %lt3A_1000 : i32
          %ne3A_1002 = arith.xori %lt3A_999, %lt3A_1001 : i1
          %and3A_1003 = arith.andi %ne3A_1002, %ne3A_997 : i1
          %add3A_1004 = arith.addi %rem3A_995, %select_n3A_994 : i32
          %select_n3A_1005 = arith.select %and3A_1003, %add3A_1004, %rem3A_995 : i32
          %get3A_1006 = arith.index_cast %select_n3A_1005 : i32 to index
          %get3A_1007 = arith.index_cast %scan3A_90 : i32 to index
          %get3A_1008 = arith.index_cast %mul3A_989 : i32 to index
          %get3A_1009 = tpu.vector_load %arg8[%get3A_1006, %get3A_1007, %get3A_1008] {strides = array<i32>} : memref<2x16x1024xf32, #tpu.memory_space<vmem>>, vector<1x1x16xf32>,
          %get3A_1010 = vector.shape_cast %get3A_1009 : vector<1x1x16xf32> to vector<16xf32>
          %jit3A_1011 = arith.constant 2 : i32
          %eq3A_1012 = arith.constant 0 : i32
          %eq3A_1013 = arith.cmpi eq, %jit3A_1011, %eq3A_1012 : i32
          %jit3A_1014 = arith.constant 1 : i32
          %select_n3A_1015 = arith.select %eq3A_1013, %jit3A_1014, %jit3A_1011 : i32
          %rem3A_1016 = arith.remsi %scan3A_30, %select_n3A_1015 : i32
          %ne3A_1017 = arith.constant 0 : i32
          %ne3A_1018 = arith.cmpi ne, %rem3A_1016, %ne3A_1017 : i32
          %lt3A_1019 = arith.constant 0 : i32
          %lt3A_1020 = arith.cmpi slt, %rem3A_1016, %lt3A_1019 : i32
          %lt3A_1021 = arith.constant 0 : i32
          %lt3A_1022 = arith.cmpi slt, %select_n3A_1015, %lt3A_1021 : i32
          %ne3A_1023 = arith.xori %lt3A_1020, %lt3A_1022 : i1
          %and3A_1024 = arith.andi %ne3A_1023, %ne3A_1018 : i1
          %add3A_1025 = arith.addi %rem3A_1016, %select_n3A_1015 : i32
          %select_n3A_1026 = arith.select %and3A_1024, %add3A_1025, %rem3A_1016 : i32
          %get3A_1027 = arith.index_cast %select_n3A_1026 : i32 to index
          %get3A_1028 = arith.index_cast %scan3A_90 : i32 to index
          %get3A_1029 = arith.index_cast %mul3A_989 : i32 to index
          %get3A_1030 = tpu.vector_load %arg9[%get3A_1027, %get3A_1028, %get3A_1029] {strides = array<i32>} : memref<2x16x1024xf32, #tpu.memory_space<vmem>>, vector<1x1x16xf32>,
          %get3A_1031 = vector.shape_cast %get3A_1030 : vector<1x1x16xf32> to vector<16xf32>
          %add3A_1032 = arith.addf %get3A_1010, %get3A_1031 : vector<16xf32>
          %get3A_1033 = arith.index_cast %mul3A_989 : i32 to index
          %get3A_1034 = tpu.vector_load %arg10[%get3A_1033] {strides = array<i32>} : memref<1024xf32, #tpu.memory_space<vmem>>, vector<16xf32>,
          %get3A_1035 = vector.shape_cast %get3A_1034 : vector<16xf32> to vector<16xf32>
          %add3A_1036 = arith.addf %add3A_1032, %get3A_1035 : vector<16xf32>
          %jit3A_1037 = arith.constant 2 : i32
          %eq3A_1038 = arith.constant 0 : i32
          %eq3A_1039 = arith.cmpi eq, %jit3A_1037, %eq3A_1038 : i32
          %jit3A_1040 = arith.constant 1 : i32
          %select_n3A_1041 = arith.select %eq3A_1039, %jit3A_1040, %jit3A_1037 : i32
          %rem3A_1042 = arith.remsi %scan3A_30, %select_n3A_1041 : i32
          %ne3A_1043 = arith.constant 0 : i32
          %ne3A_1044 = arith.cmpi ne, %rem3A_1042, %ne3A_1043 : i32
          %lt3A_1045 = arith.constant 0 : i32
          %lt3A_1046 = arith.cmpi slt, %rem3A_1042, %lt3A_1045 : i32
          %lt3A_1047 = arith.constant 0 : i32
          %lt3A_1048 = arith.cmpi slt, %select_n3A_1041, %lt3A_1047 : i32
          %ne3A_1049 = arith.xori %lt3A_1046, %lt3A_1048 : i1
          %and3A_1050 = arith.andi %ne3A_1049, %ne3A_1044 : i1
          %add3A_1051 = arith.addi %rem3A_1042, %select_n3A_1041 : i32
          %select_n3A_1052 = arith.select %and3A_1050, %add3A_1051, %rem3A_1042 : i32
          %swap3A_1053 = arith.index_cast %select_n3A_1052 : i32 to index
          %swap3A_1054 = arith.index_cast %scan3A_90 : i32 to index
          %swap3A_1055 = arith.index_cast %mul3A_989 : i32 to index
          %swap3A_1056 = tpu.vector_load %arg8[%swap3A_1053, %swap3A_1054, %swap3A_1055] {strides = array<i32>} : memref<2x16x1024xf32, #tpu.memory_space<vmem>>, vector<1x1x16xf32>,
          %swap3A_1057 = vector.shape_cast %swap3A_1056 : vector<1x1x16xf32> to vector<16xf32>
          %swap3A_1058 = vector.shape_cast %add3A_1036 : vector<16xf32> to vector<1x1x16xf32>
          tpu.vector_store %arg8[%swap3A_1053, %swap3A_1054, %swap3A_1055], %swap3A_1058 {strides = array<i32>} : memref<2x16x1024xf32, #tpu.memory_space<vmem>>, vector<1x1x16xf32>,
          %scan3A_1059 = arith.constant 0 : i32
          %scan3A_1060 = arith.constant 13 : i32
          %scan3A_1061 = arith.addi %scan3A_100, %scan3A_1060 : i32
          %mul3A_1062 = arith.constant 16 : i32
          %mul3A_1063 = arith.muli %scan3A_1061, %mul3A_1062 : i32
          %jit3A_1064 = arith.constant 2 : i32
          %eq3A_1065 = arith.constant 0 : i32
          %eq3A_1066 = arith.cmpi eq, %jit3A_1064, %eq3A_1065 : i32
          %jit3A_1067 = arith.constant 1 : i32
          %select_n3A_1068 = arith.select %eq3A_1066, %jit3A_1067, %jit3A_1064 : i32
          %rem3A_1069 = arith.remsi %scan3A_30, %select_n3A_1068 : i32
          %ne3A_1070 = arith.constant 0 : i32
          %ne3A_1071 = arith.cmpi ne, %rem3A_1069, %ne3A_1070 : i32
          %lt3A_1072 = arith.constant 0 : i32
          %lt3A_1073 = arith.cmpi slt, %rem3A_1069, %lt3A_1072 : i32
          %lt3A_1074 = arith.constant 0 : i32
          %lt3A_1075 = arith.cmpi slt, %select_n3A_1068, %lt3A_1074 : i32
          %ne3A_1076 = arith.xori %lt3A_1073, %lt3A_1075 : i1
          %and3A_1077 = arith.andi %ne3A_1076, %ne3A_1071 : i1
          %add3A_1078 = arith.addi %rem3A_1069, %select_n3A_1068 : i32
          %select_n3A_1079 = arith.select %and3A_1077, %add3A_1078, %rem3A_1069 : i32
          %get3A_1080 = arith.index_cast %select_n3A_1079 : i32 to index
          %get3A_1081 = arith.index_cast %scan3A_90 : i32 to index
          %get3A_1082 = arith.index_cast %mul3A_1063 : i32 to index
          %get3A_1083 = tpu.vector_load %arg8[%get3A_1080, %get3A_1081, %get3A_1082] {strides = array<i32>} : memref<2x16x1024xf32, #tpu.memory_space<vmem>>, vector<1x1x16xf32>,
          %get3A_1084 = vector.shape_cast %get3A_1083 : vector<1x1x16xf32> to vector<16xf32>
          %jit3A_1085 = arith.constant 2 : i32
          %eq3A_1086 = arith.constant 0 : i32
          %eq3A_1087 = arith.cmpi eq, %jit3A_1085, %eq3A_1086 : i32
          %jit3A_1088 = arith.constant 1 : i32
          %select_n3A_1089 = arith.select %eq3A_1087, %jit3A_1088, %jit3A_1085 : i32
          %rem3A_1090 = arith.remsi %scan3A_30, %select_n3A_1089 : i32
          %ne3A_1091 = arith.constant 0 : i32
          %ne3A_1092 = arith.cmpi ne, %rem3A_1090, %ne3A_1091 : i32
          %lt3A_1093 = arith.constant 0 : i32
          %lt3A_1094 = arith.cmpi slt, %rem3A_1090, %lt3A_1093 : i32
          %lt3A_1095 = arith.constant 0 : i32
          %lt3A_1096 = arith.cmpi slt, %select_n3A_1089, %lt3A_1095 : i32
          %ne3A_1097 = arith.xori %lt3A_1094, %lt3A_1096 : i1
          %and3A_1098 = arith.andi %ne3A_1097, %ne3A_1092 : i1
          %add3A_1099 = arith.addi %rem3A_1090, %select_n3A_1089 : i32
          %select_n3A_1100 = arith.select %and3A_1098, %add3A_1099, %rem3A_1090 : i32
          %get3A_1101 = arith.index_cast %select_n3A_1100 : i32 to index
          %get3A_1102 = arith.index_cast %scan3A_90 : i32 to index
          %get3A_1103 = arith.index_cast %mul3A_1063 : i32 to index
          %get3A_1104 = tpu.vector_load %arg9[%get3A_1101, %get3A_1102, %get3A_1103] {strides = array<i32>} : memref<2x16x1024xf32, #tpu.memory_space<vmem>>, vector<1x1x16xf32>,
          %get3A_1105 = vector.shape_cast %get3A_1104 : vector<1x1x16xf32> to vector<16xf32>
          %add3A_1106 = arith.addf %get3A_1084, %get3A_1105 : vector<16xf32>
          %get3A_1107 = arith.index_cast %mul3A_1063 : i32 to index
          %get3A_1108 = tpu.vector_load %arg10[%get3A_1107] {strides = array<i32>} : memref<1024xf32, #tpu.memory_space<vmem>>, vector<16xf32>,
          %get3A_1109 = vector.shape_cast %get3A_1108 : vector<16xf32> to vector<16xf32>
          %add3A_1110 = arith.addf %add3A_1106, %get3A_1109 : vector<16xf32>
          %jit3A_1111 = arith.constant 2 : i32
          %eq3A_1112 = arith.constant 0 : i32
          %eq3A_1113 = arith.cmpi eq, %jit3A_1111, %eq3A_1112 : i32
          %jit3A_1114 = arith.constant 1 : i32
          %select_n3A_1115 = arith.select %eq3A_1113, %jit3A_1114, %jit3A_1111 : i32
          %rem3A_1116 = arith.remsi %scan3A_30, %select_n3A_1115 : i32
          %ne3A_1117 = arith.constant 0 : i32
          %ne3A_1118 = arith.cmpi ne, %rem3A_1116, %ne3A_1117 : i32
          %lt3A_1119 = arith.constant 0 : i32
          %lt3A_1120 = arith.cmpi slt, %rem3A_1116, %lt3A_1119 : i32
          %lt3A_1121 = arith.constant 0 : i32
          %lt3A_1122 = arith.cmpi slt, %select_n3A_1115, %lt3A_1121 : i32
          %ne3A_1123 = arith.xori %lt3A_1120, %lt3A_1122 : i1
          %and3A_1124 = arith.andi %ne3A_1123, %ne3A_1118 : i1
          %add3A_1125 = arith.addi %rem3A_1116, %select_n3A_1115 : i32
          %select_n3A_1126 = arith.select %and3A_1124, %add3A_1125, %rem3A_1116 : i32
          %swap3A_1127 = arith.index_cast %select_n3A_1126 : i32 to index
          %swap3A_1128 = arith.index_cast %scan3A_90 : i32 to index
          %swap3A_1129 = arith.index_cast %mul3A_1063 : i32 to index
          %swap3A_1130 = tpu.vector_load %arg8[%swap3A_1127, %swap3A_1128, %swap3A_1129] {strides = array<i32>} : memref<2x16x1024xf32, #tpu.memory_space<vmem>>, vector<1x1x16xf32>,
          %swap3A_1131 = vector.shape_cast %swap3A_1130 : vector<1x1x16xf32> to vector<16xf32>
          %swap3A_1132 = vector.shape_cast %add3A_1110 : vector<16xf32> to vector<1x1x16xf32>
          tpu.vector_store %arg8[%swap3A_1127, %swap3A_1128, %swap3A_1129], %swap3A_1132 {strides = array<i32>} : memref<2x16x1024xf32, #tpu.memory_space<vmem>>, vector<1x1x16xf32>,
          %scan3A_1133 = arith.constant 0 : i32
          %scan3A_1134 = arith.constant 14 : i32
          %scan3A_1135 = arith.addi %scan3A_100, %scan3A_1134 : i32
          %mul3A_1136 = arith.constant 16 : i32
          %mul3A_1137 = arith.muli %scan3A_1135, %mul3A_1136 : i32
          %jit3A_1138 = arith.constant 2 : i32
          %eq3A_1139 = arith.constant 0 : i32
          %eq3A_1140 = arith.cmpi eq, %jit3A_1138, %eq3A_1139 : i32
          %jit3A_1141 = arith.constant 1 : i32
          %select_n3A_1142 = arith.select %eq3A_1140, %jit3A_1141, %jit3A_1138 : i32
          %rem3A_1143 = arith.remsi %scan3A_30, %select_n3A_1142 : i32
          %ne3A_1144 = arith.constant 0 : i32
          %ne3A_1145 = arith.cmpi ne, %rem3A_1143, %ne3A_1144 : i32
          %lt3A_1146 = arith.constant 0 : i32
          %lt3A_1147 = arith.cmpi slt, %rem3A_1143, %lt3A_1146 : i32
          %lt3A_1148 = arith.constant 0 : i32
          %lt3A_1149 = arith.cmpi slt, %select_n3A_1142, %lt3A_1148 : i32
          %ne3A_1150 = arith.xori %lt3A_1147, %lt3A_1149 : i1
          %and3A_1151 = arith.andi %ne3A_1150, %ne3A_1145 : i1
          %add3A_1152 = arith.addi %rem3A_1143, %select_n3A_1142 : i32
          %select_n3A_1153 = arith.select %and3A_1151, %add3A_1152, %rem3A_1143 : i32
          %get3A_1154 = arith.index_cast %select_n3A_1153 : i32 to index
          %get3A_1155 = arith.index_cast %scan3A_90 : i32 to index
          %get3A_1156 = arith.index_cast %mul3A_1137 : i32 to index
          %get3A_1157 = tpu.vector_load %arg8[%get3A_1154, %get3A_1155, %get3A_1156] {strides = array<i32>} : memref<2x16x1024xf32, #tpu.memory_space<vmem>>, vector<1x1x16xf32>,
          %get3A_1158 = vector.shape_cast %get3A_1157 : vector<1x1x16xf32> to vector<16xf32>
          %jit3A_1159 = arith.constant 2 : i32
          %eq3A_1160 = arith.constant 0 : i32
          %eq3A_1161 = arith.cmpi eq, %jit3A_1159, %eq3A_1160 : i32
          %jit3A_1162 = arith.constant 1 : i32
          %select_n3A_1163 = arith.select %eq3A_1161, %jit3A_1162, %jit3A_1159 : i32
          %rem3A_1164 = arith.remsi %scan3A_30, %select_n3A_1163 : i32
          %ne3A_1165 = arith.constant 0 : i32
          %ne3A_1166 = arith.cmpi ne, %rem3A_1164, %ne3A_1165 : i32
          %lt3A_1167 = arith.constant 0 : i32
          %lt3A_1168 = arith.cmpi slt, %rem3A_1164, %lt3A_1167 : i32
          %lt3A_1169 = arith.constant 0 : i32
          %lt3A_1170 = arith.cmpi slt, %select_n3A_1163, %lt3A_1169 : i32
          %ne3A_1171 = arith.xori %lt3A_1168, %lt3A_1170 : i1
          %and3A_1172 = arith.andi %ne3A_1171, %ne3A_1166 : i1
          %add3A_1173 = arith.addi %rem3A_1164, %select_n3A_1163 : i32
          %select_n3A_1174 = arith.select %and3A_1172, %add3A_1173, %rem3A_1164 : i32
          %get3A_1175 = arith.index_cast %select_n3A_1174 : i32 to index
          %get3A_1176 = arith.index_cast %scan3A_90 : i32 to index
          %get3A_1177 = arith.index_cast %mul3A_1137 : i32 to index
          %get3A_1178 = tpu.vector_load %arg9[%get3A_1175, %get3A_1176, %get3A_1177] {strides = array<i32>} : memref<2x16x1024xf32, #tpu.memory_space<vmem>>, vector<1x1x16xf32>,
          %get3A_1179 = vector.shape_cast %get3A_1178 : vector<1x1x16xf32> to vector<16xf32>
          %add3A_1180 = arith.addf %get3A_1158, %get3A_1179 : vector<16xf32>
          %get3A_1181 = arith.index_cast %mul3A_1137 : i32 to index
          %get3A_1182 = tpu.vector_load %arg10[%get3A_1181] {strides = array<i32>} : memref<1024xf32, #tpu.memory_space<vmem>>, vector<16xf32>,
          %get3A_1183 = vector.shape_cast %get3A_1182 : vector<16xf32> to vector<16xf32>
          %add3A_1184 = arith.addf %add3A_1180, %get3A_1183 : vector<16xf32>
          %jit3A_1185 = arith.constant 2 : i32
          %eq3A_1186 = arith.constant 0 : i32
          %eq3A_1187 = arith.cmpi eq, %jit3A_1185, %eq3A_1186 : i32
          %jit3A_1188 = arith.constant 1 : i32
          %select_n3A_1189 = arith.select %eq3A_1187, %jit3A_1188, %jit3A_1185 : i32
          %rem3A_1190 = arith.remsi %scan3A_30, %select_n3A_1189 : i32
          %ne3A_1191 = arith.constant 0 : i32
          %ne3A_1192 = arith.cmpi ne, %rem3A_1190, %ne3A_1191 : i32
          %lt3A_1193 = arith.constant 0 : i32
          %lt3A_1194 = arith.cmpi slt, %rem3A_1190, %lt3A_1193 : i32
          %lt3A_1195 = arith.constant 0 : i32
          %lt3A_1196 = arith.cmpi slt, %select_n3A_1189, %lt3A_1195 : i32
          %ne3A_1197 = arith.xori %lt3A_1194, %lt3A_1196 : i1
          %and3A_1198 = arith.andi %ne3A_1197, %ne3A_1192 : i1
          %add3A_1199 = arith.addi %rem3A_1190, %select_n3A_1189 : i32
          %select_n3A_1200 = arith.select %and3A_1198, %add3A_1199, %rem3A_1190 : i32
          %swap3A_1201 = arith.index_cast %select_n3A_1200 : i32 to index
          %swap3A_1202 = arith.index_cast %scan3A_90 : i32 to index
          %swap3A_1203 = arith.index_cast %mul3A_1137 : i32 to index
          %swap3A_1204 = tpu.vector_load %arg8[%swap3A_1201, %swap3A_1202, %swap3A_1203] {strides = array<i32>} : memref<2x16x1024xf32, #tpu.memory_space<vmem>>, vector<1x1x16xf32>,
          %swap3A_1205 = vector.shape_cast %swap3A_1204 : vector<1x1x16xf32> to vector<16xf32>
          %swap3A_1206 = vector.shape_cast %add3A_1184 : vector<16xf32> to vector<1x1x16xf32>
          tpu.vector_store %arg8[%swap3A_1201, %swap3A_1202, %swap3A_1203], %swap3A_1206 {strides = array<i32>} : memref<2x16x1024xf32, #tpu.memory_space<vmem>>, vector<1x1x16xf32>,
          %scan3A_1207 = arith.constant 0 : i32
          %scan3A_1208 = arith.constant 15 : i32
          %scan3A_1209 = arith.addi %scan3A_100, %scan3A_1208 : i32
          %mul3A_1210 = arith.constant 16 : i32
          %mul3A_1211 = arith.muli %scan3A_1209, %mul3A_1210 : i32
          %jit3A_1212 = arith.constant 2 : i32
          %eq3A_1213 = arith.constant 0 : i32
          %eq3A_1214 = arith.cmpi eq, %jit3A_1212, %eq3A_1213 : i32
          %jit3A_1215 = arith.constant 1 : i32
          %select_n3A_1216 = arith.select %eq3A_1214, %jit3A_1215, %jit3A_1212 : i32
          %rem3A_1217 = arith.remsi %scan3A_30, %select_n3A_1216 : i32
          %ne3A_1218 = arith.constant 0 : i32
          %ne3A_1219 = arith.cmpi ne, %rem3A_1217, %ne3A_1218 : i32
          %lt3A_1220 = arith.constant 0 : i32
          %lt3A_1221 = arith.cmpi slt, %rem3A_1217, %lt3A_1220 : i32
          %lt3A_1222 = arith.constant 0 : i32
          %lt3A_1223 = arith.cmpi slt, %select_n3A_1216, %lt3A_1222 : i32
          %ne3A_1224 = arith.xori %lt3A_1221, %lt3A_1223 : i1
          %and3A_1225 = arith.andi %ne3A_1224, %ne3A_1219 : i1
          %add3A_1226 = arith.addi %rem3A_1217, %select_n3A_1216 : i32
          %select_n3A_1227 = arith.select %and3A_1225, %add3A_1226, %rem3A_1217 : i32
          %get3A_1228 = arith.index_cast %select_n3A_1227 : i32 to index
          %get3A_1229 = arith.index_cast %scan3A_90 : i32 to index
          %get3A_1230 = arith.index_cast %mul3A_1211 : i32 to index
          %get3A_1231 = tpu.vector_load %arg8[%get3A_1228, %get3A_1229, %get3A_1230] {strides = array<i32>} : memref<2x16x1024xf32, #tpu.memory_space<vmem>>, vector<1x1x16xf32>,
          %get3A_1232 = vector.shape_cast %get3A_1231 : vector<1x1x16xf32> to vector<16xf32>
          %jit3A_1233 = arith.constant 2 : i32
          %eq3A_1234 = arith.constant 0 : i32
          %eq3A_1235 = arith.cmpi eq, %jit3A_1233, %eq3A_1234 : i32
          %jit3A_1236 = arith.constant 1 : i32
          %select_n3A_1237 = arith.select %eq3A_1235, %jit3A_1236, %jit3A_1233 : i32
          %rem3A_1238 = arith.remsi %scan3A_30, %select_n3A_1237 : i32
          %ne3A_1239 = arith.constant 0 : i32
          %ne3A_1240 = arith.cmpi ne, %rem3A_1238, %ne3A_1239 : i32
          %lt3A_1241 = arith.constant 0 : i32
          %lt3A_1242 = arith.cmpi slt, %rem3A_1238, %lt3A_1241 : i32
          %lt3A_1243 = arith.constant 0 : i32
          %lt3A_1244 = arith.cmpi slt, %select_n3A_1237, %lt3A_1243 : i32
          %ne3A_1245 = arith.xori %lt3A_1242, %lt3A_1244 : i1
          %and3A_1246 = arith.andi %ne3A_1245, %ne3A_1240 : i1
          %add3A_1247 = arith.addi %rem3A_1238, %select_n3A_1237 : i32
          %select_n3A_1248 = arith.select %and3A_1246, %add3A_1247, %rem3A_1238 : i32
          %get3A_1249 = arith.index_cast %select_n3A_1248 : i32 to index
          %get3A_1250 = arith.index_cast %scan3A_90 : i32 to index
          %get3A_1251 = arith.index_cast %mul3A_1211 : i32 to index
          %get3A_1252 = tpu.vector_load %arg9[%get3A_1249, %get3A_1250, %get3A_1251] {strides = array<i32>} : memref<2x16x1024xf32, #tpu.memory_space<vmem>>, vector<1x1x16xf32>,
          %get3A_1253 = vector.shape_cast %get3A_1252 : vector<1x1x16xf32> to vector<16xf32>
          %add3A_1254 = arith.addf %get3A_1232, %get3A_1253 : vector<16xf32>
          %get3A_1255 = arith.index_cast %mul3A_1211 : i32 to index
          %get3A_1256 = tpu.vector_load %arg10[%get3A_1255] {strides = array<i32>} : memref<1024xf32, #tpu.memory_space<vmem>>, vector<16xf32>,
          %get3A_1257 = vector.shape_cast %get3A_1256 : vector<16xf32> to vector<16xf32>
          %add3A_1258 = arith.addf %add3A_1254, %get3A_1257 : vector<16xf32>
          %jit3A_1259 = arith.constant 2 : i32
          %eq3A_1260 = arith.constant 0 : i32
          %eq3A_1261 = arith.cmpi eq, %jit3A_1259, %eq3A_1260 : i32
          %jit3A_1262 = arith.constant 1 : i32
          %select_n3A_1263 = arith.select %eq3A_1261, %jit3A_1262, %jit3A_1259 : i32
          %rem3A_1264 = arith.remsi %scan3A_30, %select_n3A_1263 : i32
          %ne3A_1265 = arith.constant 0 : i32
          %ne3A_1266 = arith.cmpi ne, %rem3A_1264, %ne3A_1265 : i32
          %lt3A_1267 = arith.constant 0 : i32
          %lt3A_1268 = arith.cmpi slt, %rem3A_1264, %lt3A_1267 : i32
          %lt3A_1269 = arith.constant 0 : i32
          %lt3A_1270 = arith.cmpi slt, %select_n3A_1263, %lt3A_1269 : i32
          %ne3A_1271 = arith.xori %lt3A_1268, %lt3A_1270 : i1
          %and3A_1272 = arith.andi %ne3A_1271, %ne3A_1266 : i1
          %add3A_1273 = arith.addi %rem3A_1264, %select_n3A_1263 : i32
          %select_n3A_1274 = arith.select %and3A_1272, %add3A_1273, %rem3A_1264 : i32
          %swap3A_1275 = arith.index_cast %select_n3A_1274 : i32 to index
          %swap3A_1276 = arith.index_cast %scan3A_90 : i32 to index
          %swap3A_1277 = arith.index_cast %mul3A_1211 : i32 to index
          %swap3A_1278 = tpu.vector_load %arg8[%swap3A_1275, %swap3A_1276, %swap3A_1277] {strides = array<i32>} : memref<2x16x1024xf32, #tpu.memory_space<vmem>>, vector<1x1x16xf32>,
          %swap3A_1279 = vector.shape_cast %swap3A_1278 : vector<1x1x16xf32> to vector<16xf32>
          %swap3A_1280 = vector.shape_cast %add3A_1258 : vector<16xf32> to vector<1x1x16xf32>
          tpu.vector_store %arg8[%swap3A_1275, %swap3A_1276, %swap3A_1277], %swap3A_1280 {strides = array<i32>} : memref<2x16x1024xf32, #tpu.memory_space<vmem>>, vector<1x1x16xf32>,
          %scan3A_1281 = arith.constant 0 : i32
          scf.yield %scan3A_1281 : i32
        }
        %scan3A_98 = arith.constant 64 : i32
        %scan3A_99 = arith.constant 0 : i32
        scf.yield %scan3A_99 : i32
      }
      %scan3A_69 = arith.constant 16 : i32
      %jit3A_70 = arith.constant 2 : i32
      %eq3A_71 = arith.constant 0 : i32
      %eq3A_72 = arith.cmpi eq, %jit3A_70, %eq3A_71 : i32
      %jit3A_73 = arith.constant 1 : i32
      %select_n3A_74 = arith.select %eq3A_72, %jit3A_73, %jit3A_70 : i32
      %rem3A_75 = arith.remsi %scan3A_30, %select_n3A_74 : i32
      %ne3A_76 = arith.constant 0 : i32
      %ne3A_77 = arith.cmpi ne, %rem3A_75, %ne3A_76 : i32
      %lt3A_78 = arith.constant 0 : i32
      %lt3A_79 = arith.cmpi slt, %rem3A_75, %lt3A_78 : i32
      %lt3A_80 = arith.constant 0 : i32
      %lt3A_81 = arith.cmpi slt, %select_n3A_74, %lt3A_80 : i32
      %ne3A_82 = arith.xori %lt3A_79, %lt3A_81 : i1
      %and3A_83 = arith.andi %ne3A_82, %ne3A_77 : i1
      %add3A_84 = arith.addi %rem3A_75, %select_n3A_74 : i32
      %select_n3A_85 = arith.select %and3A_83, %add3A_84, %rem3A_75 : i32
      %mul3A_86 = arith.constant 16 : i32
      %mul3A_87 = arith.muli %scan3A_30, %mul3A_86 : i32
      %add3A_88 = arith.addi %mul3A_2, %mul3A_87 : i32
      "tpu.region"() ({
        %run_scoped3A = tpu.sem_alloc : memref<!tpu.dma_semaphore, #tpu.memory_space<semaphore_mem>>
        %dma_start3A_90 = arith.constant 0 : i32
        %dma_start3A_91 = arith.constant 0 : i32
        %dma_start3A_92 = tpu.memref_slice %arg8[%select_n3A_85, %dma_start3A_90, %dma_start3A_91] : memref<2x16x1024xf32, #tpu.memory_space<vmem>> -> memref<1x16x1024xf32, #tpu.memory_space<vmem>>
        %dma_start3A_93 = tpu.memref_squeeze %dma_start3A_92 : memref<1x16x1024xf32, #tpu.memory_space<vmem>> -> memref<16x1024xf32, #tpu.memory_space<vmem>>
        %dma_start3A_94 = arith.constant 0 : i32
        %dma_start3A_95 = tpu.memref_slice %arg5[%add3A_88, %dma_start3A_94] : memref<2048x1024xf32, #tpu.memory_space<hbm>> -> memref<16x1024xf32, #tpu.memory_space<hbm>>
        %dma_start3A_96 = arith.constant 0 : i32
        %dma_start3A_97 = tpu.memref_slice %arg5[%add3A_88, %dma_start3A_96] : memref<2048x1024xf32, #tpu.memory_space<hbm>> -> memref<16x1024xf32, #tpu.memory_space<hbm>>
        %dma_start3A_98 = arith.constant 0 : i32
        %dma_start3A_99 = arith.constant 0 : i32
        %dma_start3A_100 = tpu.memref_slice %arg8[%select_n3A_85, %dma_start3A_98, %dma_start3A_99] : memref<2x16x1024xf32, #tpu.memory_space<vmem>> -> memref<1x16x1024xf32, #tpu.memory_space<vmem>>
        %dma_start3A_101 = tpu.memref_squeeze %dma_start3A_100 : memref<1x16x1024xf32, #tpu.memory_space<vmem>> -> memref<16x1024xf32, #tpu.memory_space<vmem>>
        tpu.enqueue_dma source(%dma_start3A_101 : memref<16x1024xf32, #tpu.memory_space<vmem>>) target(%dma_start3A_97 : memref<16x1024xf32, #tpu.memory_space<hbm>>) target_semaphore(%run_scoped3A : memref<!tpu.dma_semaphore, #tpu.memory_space<semaphore_mem>>)
        %dma_wait3A_102 = arith.constant 0 : i32
        %dma_wait3A_103 = arith.constant 0 : i32
        %dma_wait3A_104 = tpu.memref_slice %arg8[%select_n3A_85, %dma_wait3A_102, %dma_wait3A_103] : memref<2x16x1024xf32, #tpu.memory_space<vmem>> -> memref<1x16x1024xf32, #tpu.memory_space<vmem>>
        %dma_wait3A_105 = tpu.memref_squeeze %dma_wait3A_104 : memref<1x16x1024xf32, #tpu.memory_space<vmem>> -> memref<16x1024xf32, #tpu.memory_space<vmem>>
        %dma_wait3A_106 = arith.constant 0 : i32
        %dma_wait3A_107 = tpu.memref_slice %arg5[%add3A_88, %dma_wait3A_106] : memref<2048x1024xf32, #tpu.memory_space<hbm>> -> memref<16x1024xf32, #tpu.memory_space<hbm>>
        %dma_wait3A_108 = arith.constant 0 : i32
        %dma_wait3A_109 = tpu.memref_slice %arg5[%add3A_88, %dma_wait3A_108] : memref<2048x1024xf32, #tpu.memory_space<hbm>> -> memref<16x1024xf32, #tpu.memory_space<hbm>>
        %dma_wait3A_110 = arith.constant 0 : i32
        %dma_wait3A_111 = arith.constant 0 : i32
        %dma_wait3A_112 = tpu.memref_slice %arg8[%select_n3A_85, %dma_wait3A_110, %dma_wait3A_111] : memref<2x16x1024xf32, #tpu.memory_space<vmem>> -> memref<1x16x1024xf32, #tpu.memory_space<vmem>>
        %dma_wait3A_113 = tpu.memref_squeeze %dma_wait3A_112 : memref<1x16x1024xf32, #tpu.memory_space<vmem>> -> memref<16x1024xf32, #tpu.memory_space<vmem>>
        tpu.wait_dma2 semaphore(%run_scoped3A : memref<!tpu.dma_semaphore, #tpu.memory_space<semaphore_mem>>) src(%dma_wait3A_113 : memref<16x1024xf32, #tpu.memory_space<vmem>>) dst(%dma_wait3A_109 : memref<16x1024xf32, #tpu.memory_space<hbm>>)
        tpu.yield
      }) : () -> ()
      %scan3A_89 = arith.constant 0 : i32
      scf.yield %scan3A_89 : i32
    }
    %scan3A_29 = arith.constant 4 : i32
    return
  }
}

#map = affine_map<(d0, d1) -> (0, 0)>
#map1 = affine_map<(d0, d1) -> (0)>
module attributes {stable_mosaic.version = 14 : i64} {
  func.func @dispatch(%arg0: i32, %arg1: i32, %arg2: memref<2048x1152xf32, #tpu.memory_space<hbm>>, %arg3: memref<4096xi32, #tpu.memory_space<hbm>>, %arg4: memref<5120x1152xf32, #tpu.memory_space<hbm>>, %arg5: memref<64xi32, #tpu.memory_space<vmem>>, %arg6: memref<64xi32, #tpu.memory_space<vmem>>, %arg7: memref<64x1152xf32, #tpu.memory_space<vmem>>, %arg8: memref<!tpu.dma_semaphore, #tpu.memory_space<semaphore_mem>>) attributes {dimension_semantics = [#tpu.dimension_semantics<core_parallel>, #tpu.dimension_semantics<subcore_parallel>], iteration_bounds = array<i64: 2, 16>, scalar_prefetch = 0 : i64, scratch_operands = 4 : i64, tpu.core_type = #tpu.core_type<sc_vector_subcore>, window_params = [{transform_indices = #map}, {transform_indices = #map1}, {transform_indices = #map}]} {
    %mul3A = arith.constant 2 : i32
    %mul3A_0 = arith.muli %arg1, %mul3A : i32
    %add3A = arith.addi %mul3A_0, %arg0 : i32
    %mul3A_1 = arith.constant 64 : i32
    %mul3A_2 = arith.muli %add3A, %mul3A_1 : i32
    "tpu.region"() ({
      %run_scoped3A = tpu.sem_alloc : memref<!tpu.dma_semaphore, #tpu.memory_space<semaphore_mem>>
      %dma_start3A_15 = tpu.memref_slice %arg3[%mul3A_2] : memref<4096xi32, #tpu.memory_space<hbm>> -> memref<64xi32, #tpu.memory_space<hbm>>
      %dma_start3A_16 = tpu.memref_slice %arg3[%mul3A_2] : memref<4096xi32, #tpu.memory_space<hbm>> -> memref<64xi32, #tpu.memory_space<hbm>>
      tpu.enqueue_dma source(%dma_start3A_16 : memref<64xi32, #tpu.memory_space<hbm>>) target(%arg5 : memref<64xi32, #tpu.memory_space<vmem>>) target_semaphore(%run_scoped3A : memref<!tpu.dma_semaphore, #tpu.memory_space<semaphore_mem>>)
      %dma_wait3A_17 = tpu.memref_slice %arg3[%mul3A_2] : memref<4096xi32, #tpu.memory_space<hbm>> -> memref<64xi32, #tpu.memory_space<hbm>>
      %dma_wait3A_18 = tpu.memref_slice %arg3[%mul3A_2] : memref<4096xi32, #tpu.memory_space<hbm>> -> memref<64xi32, #tpu.memory_space<hbm>>
      tpu.wait_dma2 semaphore(%run_scoped3A : memref<!tpu.dma_semaphore, #tpu.memory_space<semaphore_mem>>) src(%dma_wait3A_18 : memref<64xi32, #tpu.memory_space<hbm>>) dst(%arg5 : memref<64xi32, #tpu.memory_space<vmem>>)
      tpu.yield
    }) : () -> ()
    %add3A_3 = arith.constant 2048 : i32
    %add3A_4 = arith.addi %add3A_3, %mul3A_2 : i32
    "tpu.region"() ({
      %run_scoped3A = tpu.sem_alloc : memref<!tpu.dma_semaphore, #tpu.memory_space<semaphore_mem>>
      %dma_start3A_15 = tpu.memref_slice %arg3[%add3A_4] : memref<4096xi32, #tpu.memory_space<hbm>> -> memref<64xi32, #tpu.memory_space<hbm>>
      %dma_start3A_16 = tpu.memref_slice %arg3[%add3A_4] : memref<4096xi32, #tpu.memory_space<hbm>> -> memref<64xi32, #tpu.memory_space<hbm>>
      tpu.enqueue_dma source(%dma_start3A_16 : memref<64xi32, #tpu.memory_space<hbm>>) target(%arg6 : memref<64xi32, #tpu.memory_space<vmem>>) target_semaphore(%run_scoped3A : memref<!tpu.dma_semaphore, #tpu.memory_space<semaphore_mem>>)
      %dma_wait3A_17 = tpu.memref_slice %arg3[%add3A_4] : memref<4096xi32, #tpu.memory_space<hbm>> -> memref<64xi32, #tpu.memory_space<hbm>>
      %dma_wait3A_18 = tpu.memref_slice %arg3[%add3A_4] : memref<4096xi32, #tpu.memory_space<hbm>> -> memref<64xi32, #tpu.memory_space<hbm>>
      tpu.wait_dma2 semaphore(%run_scoped3A : memref<!tpu.dma_semaphore, #tpu.memory_space<semaphore_mem>>) src(%dma_wait3A_18 : memref<64xi32, #tpu.memory_space<hbm>>) dst(%arg6 : memref<64xi32, #tpu.memory_space<vmem>>)
      tpu.yield
    }) : () -> ()
    "tpu.region"() ({
      %run_scoped3A = tpu.sem_alloc : memref<!tpu.dma_semaphore, #tpu.memory_space<semaphore_mem>>
      %dma_start3A_15 = arith.constant 0 : i32
      %dma_start3A_16 = tpu.memref_slice %arg2[%mul3A_2, %dma_start3A_15] : memref<2048x1152xf32, #tpu.memory_space<hbm>> -> memref<64x1152xf32, #tpu.memory_space<hbm>>
      %dma_start3A_17 = arith.constant 0 : i32
      %dma_start3A_18 = tpu.memref_slice %arg2[%mul3A_2, %dma_start3A_17] : memref<2048x1152xf32, #tpu.memory_space<hbm>> -> memref<64x1152xf32, #tpu.memory_space<hbm>>
      tpu.enqueue_dma source(%dma_start3A_18 : memref<64x1152xf32, #tpu.memory_space<hbm>>) target(%arg7 : memref<64x1152xf32, #tpu.memory_space<vmem>>) target_semaphore(%run_scoped3A : memref<!tpu.dma_semaphore, #tpu.memory_space<semaphore_mem>>)
      %dma_wait3A_19 = arith.constant 0 : i32
      %dma_wait3A_20 = tpu.memref_slice %arg2[%mul3A_2, %dma_wait3A_19] : memref<2048x1152xf32, #tpu.memory_space<hbm>> -> memref<64x1152xf32, #tpu.memory_space<hbm>>
      %dma_wait3A_21 = arith.constant 0 : i32
      %dma_wait3A_22 = tpu.memref_slice %arg2[%mul3A_2, %dma_wait3A_21] : memref<2048x1152xf32, #tpu.memory_space<hbm>> -> memref<64x1152xf32, #tpu.memory_space<hbm>>
      tpu.wait_dma2 semaphore(%run_scoped3A : memref<!tpu.dma_semaphore, #tpu.memory_space<semaphore_mem>>) src(%dma_wait3A_22 : memref<64x1152xf32, #tpu.memory_space<hbm>>) dst(%arg7 : memref<64x1152xf32, #tpu.memory_space<vmem>>)
      tpu.yield
    }) : () -> ()
    %dma_start3A = arith.constant 0 : i32
    %dma_start3A_5 = arith.constant 0 : i32
    %dma_start3A_6 = tpu.memref_slice %arg4[%dma_start3A, %dma_start3A_5] : memref<5120x1152xf32, #tpu.memory_space<hbm>> -> memref<5120x1152xf32, #tpu.memory_space<hbm>>
    tpu.enqueue_indirect_dma source(%arg7 : memref<64x1152xf32, #tpu.memory_space<vmem>>) target(%dma_start3A_6 : memref<5120x1152xf32, #tpu.memory_space<hbm>>) offsets(%arg5 : memref<64xi32, #tpu.memory_space<vmem>>) semaphore(%arg8 : memref<!tpu.dma_semaphore, #tpu.memory_space<semaphore_mem>>)
    %dma_wait3A = arith.constant 0 : i32
    %dma_wait3A_7 = arith.constant 0 : i32
    %dma_wait3A_8 = tpu.memref_slice %arg4[%dma_wait3A, %dma_wait3A_7] : memref<5120x1152xf32, #tpu.memory_space<hbm>> -> memref<5120x1152xf32, #tpu.memory_space<hbm>>
    tpu.wait_indirect_dma semaphore(%arg8 : memref<!tpu.dma_semaphore, #tpu.memory_space<semaphore_mem>>) src(%arg7 : memref<64x1152xf32, #tpu.memory_space<vmem>>) dst(%dma_wait3A_8 : memref<5120x1152xf32, #tpu.memory_space<hbm>>)
    %dma_start3A_9 = arith.constant 0 : i32
    %dma_start3A_10 = arith.constant 0 : i32
    %dma_start3A_11 = tpu.memref_slice %arg4[%dma_start3A_9, %dma_start3A_10] : memref<5120x1152xf32, #tpu.memory_space<hbm>> -> memref<5120x1152xf32, #tpu.memory_space<hbm>>
    tpu.enqueue_indirect_dma source(%arg7 : memref<64x1152xf32, #tpu.memory_space<vmem>>) target(%dma_start3A_11 : memref<5120x1152xf32, #tpu.memory_space<hbm>>) offsets(%arg6 : memref<64xi32, #tpu.memory_space<vmem>>) semaphore(%arg8 : memref<!tpu.dma_semaphore, #tpu.memory_space<semaphore_mem>>)
    %dma_wait3A_12 = arith.constant 0 : i32
    %dma_wait3A_13 = arith.constant 0 : i32
    %dma_wait3A_14 = tpu.memref_slice %arg4[%dma_wait3A_12, %dma_wait3A_13] : memref<5120x1152xf32, #tpu.memory_space<hbm>> -> memref<5120x1152xf32, #tpu.memory_space<hbm>>
    tpu.wait_indirect_dma semaphore(%arg8 : memref<!tpu.dma_semaphore, #tpu.memory_space<semaphore_mem>>) src(%arg7 : memref<64x1152xf32, #tpu.memory_space<vmem>>) dst(%dma_wait3A_14 : memref<5120x1152xf32, #tpu.memory_space<hbm>>)
    return
  }
}

module attributes {stable_mosaic.version = 14 : i64} {
  func.func @_expert_kernel(%arg0: i32, %arg1: memref<40xi32, #tpu.memory_space<smem>>, %arg2: memref<128x1152xf32, #tpu.memory_space<vmem>>, %arg3: memref<1x1024x1024xf32, #tpu.memory_space<vmem>>, %arg4: memref<1x1x1024xf32, #tpu.memory_space<vmem>>, %arg5: memref<1x512x1024xf32, #tpu.memory_space<vmem>>, %arg6: memref<128x1024xf32, #tpu.memory_space<vmem>>) attributes {dimension_semantics = [#tpu.dimension_semantics<arbitrary>], iteration_bounds = array<i64: 40>, scalar_prefetch = 1 : i64, scratch_operands = 0 : i64, tpu.core_type = #tpu.core_type<tc>, window_params = [{transform_indices = @transform_0, window_bounds = array<i64: 128, 1152>}, {transform_indices = @transform_1, window_bounds = array<i64: 1, 1024, 1024>}, {transform_indices = @transform_2, window_bounds = array<i64: 1, 1, 1024>}, {transform_indices = @transform_3, window_bounds = array<i64: 1, 512, 1024>}, {transform_indices = @transform_4, window_bounds = array<i64: 128, 1024>}]} {
    %get3A = arith.constant 0 : index
    %get3A_0 = arith.constant 0 : index
    %get3A_1 = vector.load %arg2[%get3A, %get3A_0] : memref<128x1152xf32, #tpu.memory_space<vmem>>, vector<128x1152xf32>
    %slice3A = vector.extract_strided_slice %get3A_1 {offsets = [0, 0], sizes = [128, 1024], strides = [1, 1]} : vector<128x1152xf32> to vector<128x1024xf32>
    %convert_element_type3A = arith.truncf %slice3A : vector<128x1024xf32> to vector<128x1024xbf16>
    %get3A_2 = arith.index_cast %arg0 : i32 to index
    %get3A_3 = memref.load %arg1[%get3A_2] : memref<40xi32, #tpu.memory_space<smem>>
    %get3A_4 = arith.constant 0 : index
    %get3A_5 = arith.constant 0 : index
    %get3A_6 = arith.constant 0 : index
    %get3A_7 = vector.load %arg3[%get3A_4, %get3A_5, %get3A_6] : memref<1x1024x1024xf32, #tpu.memory_space<vmem>>, vector<1x1024x1024xf32>
    %get3A_8 = vector.shape_cast %get3A_7 : vector<1x1024x1024xf32> to vector<1024x1024xf32>
    %convert_element_type3A_9 = arith.truncf %get3A_8 : vector<1024x1024xf32> to vector<1024x1024xbf16>
    %dot_general3A = arith.constant dense<0.000000e+00> : vector<128x1024xf32>
    %dot_general3A_10 = tpu.matmul %convert_element_type3A, %convert_element_type3A_9, %dot_general3A {dimension_numbers = #tpu.dot_dimension_numbers<[1], [0], [0], [1], [0, 0, 1, 1], [], []>, transpose_lhs_hint = false} : vector<128x1024xbf16>, vector<1024x1024xbf16>, vector<128x1024xf32> -> vector<128x1024xf32>
    %get3A_11 = arith.constant 0 : index
    %get3A_12 = arith.constant 0 : index
    %get3A_13 = arith.constant 0 : index
    %get3A_14 = vector.load %arg4[%get3A_11, %get3A_12, %get3A_13] : memref<1x1x1024xf32, #tpu.memory_space<vmem>>, vector<1x1x1024xf32>
    %get3A_15 = vector.shape_cast %get3A_14 : vector<1x1x1024xf32> to vector<1x1024xf32>
    %add3A = vector.broadcast %get3A_15 : vector<1x1024xf32> to vector<128x1024xf32>
    %add3A_16 = arith.addf %dot_general3A_10, %add3A : vector<128x1024xf32>
    %slice3A_17 = vector.extract_strided_slice %add3A_16 {offsets = [0, 0], sizes = [128, 512], strides = [1, 1]} : vector<128x1024xf32> to vector<128x512xf32>
    %min3A = arith.constant 7.000000e+00 : f32
    %min3A_18 = vector.broadcast %min3A : f32 to vector<128x512xf32>
    %min3A_19 = arith.minimumf %slice3A_17, %min3A_18 : vector<128x512xf32>
    %slice3A_20 = vector.extract_strided_slice %add3A_16 {offsets = [0, 512], sizes = [128, 512], strides = [1, 1]} : vector<128x1024xf32> to vector<128x512xf32>
    %jit3A = arith.constant -7.000000e+00 : f32
    %jit3A_21 = arith.constant 7.000000e+00 : f32
    %max3A = vector.broadcast %jit3A : f32 to vector<128x512xf32>
    %max3A_22 = arith.maximumf %max3A, %slice3A_20 : vector<128x512xf32>
    %min3A_23 = vector.broadcast %jit3A_21 : f32 to vector<128x512xf32>
    %min3A_24 = arith.minimumf %min3A_23, %max3A_22 : vector<128x512xf32>
    %mul3A = arith.constant 1.702000e+00 : f32
    %mul3A_25 = vector.broadcast %mul3A : f32 to vector<128x512xf32>
    %mul3A_26 = arith.mulf %min3A_19, %mul3A_25 : vector<128x512xf32>
    %logistic3A = arith.negf %mul3A_26 : vector<128x512xf32>
    %logistic3A_27 = math.exp %logistic3A : vector<128x512xf32>
    %logistic3A_28 = arith.constant 1.000000e+00 : f32
    %logistic3A_29 = vector.broadcast %logistic3A_28 : f32 to vector<128x512xf32>
    %logistic3A_30 = arith.addf %logistic3A_29, %logistic3A_27 : vector<128x512xf32>
    %logistic3A_31 = arith.divf %logistic3A_29, %logistic3A_30 : vector<128x512xf32>
    %mul3A_32 = arith.mulf %min3A_19, %logistic3A_31 : vector<128x512xf32>
    %add3A_33 = arith.constant 1.000000e+00 : f32
    %add3A_34 = vector.broadcast %add3A_33 : f32 to vector<128x512xf32>
    %add3A_35 = arith.addf %min3A_24, %add3A_34 : vector<128x512xf32>
    %mul3A_36 = arith.mulf %add3A_35, %mul3A_32 : vector<128x512xf32>
    %convert_element_type3A_37 = arith.truncf %mul3A_36 : vector<128x512xf32> to vector<128x512xbf16>
    %get3A_38 = arith.constant 0 : index
    %get3A_39 = arith.constant 0 : index
    %get3A_40 = arith.constant 0 : index
    %get3A_41 = vector.load %arg5[%get3A_38, %get3A_39, %get3A_40] : memref<1x512x1024xf32, #tpu.memory_space<vmem>>, vector<1x512x1024xf32>
    %get3A_42 = vector.shape_cast %get3A_41 : vector<1x512x1024xf32> to vector<512x1024xf32>
    %convert_element_type3A_43 = arith.truncf %get3A_42 : vector<512x1024xf32> to vector<512x1024xbf16>
    %dot_general3A_44 = arith.constant dense<0.000000e+00> : vector<128x1024xf32>
    %dot_general3A_45 = tpu.matmul %convert_element_type3A_37, %convert_element_type3A_43, %dot_general3A_44 {dimension_numbers = #tpu.dot_dimension_numbers<[1], [0], [0], [1], [0, 0, 1, 1], [], []>, transpose_lhs_hint = false} : vector<128x512xbf16>, vector<512x1024xbf16>, vector<128x1024xf32> -> vector<128x1024xf32>
    %iota3A = tpu.iota {dimensions = array<i32: 1>} : vector<128x8xi32>
    %eq3A = vector.broadcast %get3A_3 : i32 to vector<128x8xi32>
    %eq3A_46 = arith.cmpi eq, %iota3A, %eq3A : vector<128x8xi32>
    %slice3A_47 = vector.extract_strided_slice %get3A_1 {offsets = [0, 1024], sizes = [128, 8], strides = [1, 1]} : vector<128x1152xf32> to vector<128x8xf32>
    %jit3A_48 = arith.constant 0.000000e+00 : f32
    %broadcast_in_dim3A = vector.broadcast %jit3A_48 : f32 to vector<128x8xf32>
    %select_n3A = arith.select %eq3A_46, %slice3A_47, %broadcast_in_dim3A : vector<128x8xi1>, vector<128x8xf32>
    %reduce_sum3A = arith.constant dense<0.000000e+00> : vector<128xf32>
    %reduce_sum3A_49 = vector.multi_reduction <add>, %select_n3A, %reduce_sum3A [1] : vector<128x8xf32> to vector<128xf32>
    %broadcast_in_dim3A_50 = vector.shape_cast %reduce_sum3A_49 : vector<128xf32> to vector<128x1xf32>
    %mul3A_51 = vector.broadcast %broadcast_in_dim3A_50 : vector<128x1xf32> to vector<128x1024xf32>
    %mul3A_52 = arith.mulf %dot_general3A_45, %mul3A_51 : vector<128x1024xf32>
    %swap3A = arith.constant 0 : index
    %swap3A_53 = arith.constant 0 : index
    %swap3A_54 = vector.load %arg6[%swap3A, %swap3A_53] : memref<128x1024xf32, #tpu.memory_space<vmem>>, vector<128x1024xf32>
    tpu.vector_store %arg6[%swap3A, %swap3A_53], %mul3A_52 {strides = array<i32>} : memref<128x1024xf32, #tpu.memory_space<vmem>>, vector<128x1024xf32>,
    return
  }
  func.func @transform_0(%arg0: i32, %arg1: memref<40xi32, #tpu.memory_space<smem>>) -> (i32, i32) {
    %c0_i32 = arith.constant 0 : i32
    %c0_i32_0 = arith.constant 0 : i32
    return %arg0, %c0_i32 : i32, i32
  }
  func.func @transform_1(%arg0: i32, %arg1: memref<40xi32, #tpu.memory_space<smem>>) -> (i32, i32, i32) {
    %get3A = arith.index_cast %arg0 : i32 to index
    %get3A_0 = memref.load %arg1[%get3A] : memref<40xi32, #tpu.memory_space<smem>>
    %c0_i32 = arith.constant 0 : i32
    %c0_i32_1 = arith.constant 0 : i32
    %c0_i32_2 = arith.constant 0 : i32
    return %get3A_0, %c0_i32, %c0_i32_1 : i32, i32, i32
  }
  func.func @transform_2(%arg0: i32, %arg1: memref<40xi32, #tpu.memory_space<smem>>) -> (i32, i32, i32) {
    %get3A = arith.index_cast %arg0 : i32 to index
    %get3A_0 = memref.load %arg1[%get3A] : memref<40xi32, #tpu.memory_space<smem>>
    %c0_i32 = arith.constant 0 : i32
    %c0_i32_1 = arith.constant 0 : i32
    %c0_i32_2 = arith.constant 0 : i32
    return %get3A_0, %c0_i32, %c0_i32_1 : i32, i32, i32
  }
  func.func @transform_3(%arg0: i32, %arg1: memref<40xi32, #tpu.memory_space<smem>>) -> (i32, i32, i32) {
    %get3A = arith.index_cast %arg0 : i32 to index
    %get3A_0 = memref.load %arg1[%get3A] : memref<40xi32, #tpu.memory_space<smem>>
    %c0_i32 = arith.constant 0 : i32
    %c0_i32_1 = arith.constant 0 : i32
    %c0_i32_2 = arith.constant 0 : i32
    return %get3A_0, %c0_i32, %c0_i32_1 : i32, i32, i32
  }
  func.func @transform_4(%arg0: i32, %arg1: memref<40xi32, #tpu.memory_space<smem>>) -> (i32, i32) {
    %c0_i32 = arith.constant 0 : i32
    %c0_i32_0 = arith.constant 0 : i32
    return %arg0, %c0_i32 : i32, i32
  }
}

module attributes {stable_mosaic.version = 14 : i64} {
  func.func @_plan_kernel(%arg0: i32, %arg1: memref<2048x1024xf32, #tpu.memory_space<vmem>>, %arg2: memref<1024x8xf32, #tpu.memory_space<vmem>>, %arg3: memref<8xf32, #tpu.memory_space<vmem>>, %arg4: memref<2048x8xf32, #tpu.memory_space<vmem>>, %arg5: memref<2048x1152xf32, #tpu.memory_space<vmem>>, %arg6: memref<2x2048xi32, #tpu.memory_space<vmem>>, %arg7: memref<40xi32, #tpu.memory_space<vmem>>) attributes {dimension_semantics = [#tpu.dimension_semantics<arbitrary>], iteration_bounds = array<i64: 1>, scalar_prefetch = 0 : i64, scratch_operands = 0 : i64, tpu.core_type = #tpu.core_type<tc>, window_params = [{pipeline_mode = #tpu.pipeline_mode<synchronous>, transform_indices = @transform_0, window_bounds = array<i64: 2048, 1024>}, {pipeline_mode = #tpu.pipeline_mode<synchronous>, transform_indices = @transform_1, window_bounds = array<i64: 1024, 8>}, {pipeline_mode = #tpu.pipeline_mode<synchronous>, transform_indices = @transform_2, window_bounds = array<i64: 8>}, {pipeline_mode = #tpu.pipeline_mode<synchronous>, transform_indices = @transform_3, window_bounds = array<i64: 2048, 8>}, {pipeline_mode = #tpu.pipeline_mode<synchronous>, transform_indices = @transform_4, window_bounds = array<i64: 2048, 1152>}, {pipeline_mode = #tpu.pipeline_mode<synchronous>, transform_indices = @transform_5, window_bounds = array<i64: 2, 2048>}, {pipeline_mode = #tpu.pipeline_mode<synchronous>, transform_indices = @transform_6, window_bounds = array<i64: 40>}]} {
    %get3A = arith.constant 0 : index
    %get3A_0 = arith.constant 0 : index
    %get3A_1 = vector.load %arg1[%get3A, %get3A_0] : memref<2048x1024xf32, #tpu.memory_space<vmem>>, vector<2048x1024xf32>
    %get3A_2 = arith.constant 0 : index
    %get3A_3 = arith.constant 0 : index
    %get3A_4 = vector.load %arg2[%get3A_2, %get3A_3] : memref<1024x8xf32, #tpu.memory_space<vmem>>, vector<1024x8xf32>
    %dot_general3A = arith.constant dense<0.000000e+00> : vector<2048x8xf32>
    %dot_general3A_5 = tpu.matmul %get3A_1, %get3A_4, %dot_general3A {dimension_numbers = #tpu.dot_dimension_numbers<[1], [0], [0], [1], [0, 0, 1, 1], [], []>, transpose_lhs_hint = false} : vector<2048x1024xf32>, vector<1024x8xf32>, vector<2048x8xf32> -> vector<2048x8xf32>
    %get3A_6 = arith.constant 0 : index
    %get3A_7 = vector.load %arg3[%get3A_6] : memref<8xf32, #tpu.memory_space<vmem>>, vector<8xf32>
    %broadcast_in_dim3A = vector.shape_cast %get3A_7 : vector<8xf32> to vector<1x8xf32>
    %add3A = vector.broadcast %broadcast_in_dim3A : vector<1x8xf32> to vector<2048x8xf32>
    %add3A_8 = arith.addf %dot_general3A_5, %add3A : vector<2048x8xf32>
    %iota3A = tpu.iota {dimensions = array<i32: 1>} : vector<2048x8xi32>
    %reduce_max3A = arith.constant dense<0xFF800000> : vector<2048xf32>
    %reduce_max3A_9 = vector.multi_reduction <maximumf>, %add3A_8, %reduce_max3A [1] : vector<2048x8xf32> to vector<2048xf32>
    %broadcast_in_dim3A_10 = vector.shape_cast %reduce_max3A_9 : vector<2048xf32> to vector<2048x1xf32>
    %eq3A = vector.broadcast %broadcast_in_dim3A_10 : vector<2048x1xf32> to vector<2048x8xf32>
    %eq3A_11 = arith.cmpf oeq, %add3A_8, %eq3A : vector<2048x8xf32>
    %jit3A = arith.constant 8 : i32
    %broadcast_in_dim3A_12 = vector.broadcast %jit3A : i32 to vector<2048x8xi32>
    %select_n3A = arith.select %eq3A_11, %iota3A, %broadcast_in_dim3A_12 : vector<2048x8xi1>, vector<2048x8xi32>
    %reduce_min3A = arith.constant dense<2147483647> : vector<2048xi32>
    %reduce_min3A_13 = vector.multi_reduction <minsi>, %select_n3A, %reduce_min3A [1] : vector<2048x8xi32> to vector<2048xi32>
    %broadcast_in_dim3A_14 = vector.shape_cast %reduce_min3A_13 : vector<2048xi32> to vector<2048x1xi32>
    %eq3A_15 = vector.broadcast %broadcast_in_dim3A_14 : vector<2048x1xi32> to vector<2048x8xi32>
    %eq3A_16 = arith.cmpi eq, %iota3A, %eq3A_15 : vector<2048x8xi32>
    %jit3A_17 = arith.constant 0xFF800000 : f32
    %broadcast_in_dim3A_18 = vector.broadcast %jit3A_17 : f32 to vector<2048x8xf32>
    %select_n3A_19 = arith.select %eq3A_16, %broadcast_in_dim3A_18, %add3A_8 : vector<2048x8xi1>, vector<2048x8xf32>
    %reduce_max3A_20 = arith.constant dense<0xFF800000> : vector<2048xf32>
    %reduce_max3A_21 = vector.multi_reduction <maximumf>, %select_n3A_19, %reduce_max3A_20 [1] : vector<2048x8xf32> to vector<2048xf32>
    %broadcast_in_dim3A_22 = vector.shape_cast %reduce_max3A_21 : vector<2048xf32> to vector<2048x1xf32>
    %eq3A_23 = vector.broadcast %broadcast_in_dim3A_22 : vector<2048x1xf32> to vector<2048x8xf32>
    %eq3A_24 = arith.cmpf oeq, %select_n3A_19, %eq3A_23 : vector<2048x8xf32>
    %jit3A_25 = arith.constant 8 : i32
    %broadcast_in_dim3A_26 = vector.broadcast %jit3A_25 : i32 to vector<2048x8xi32>
    %select_n3A_27 = arith.select %eq3A_24, %iota3A, %broadcast_in_dim3A_26 : vector<2048x8xi1>, vector<2048x8xi32>
    %reduce_min3A_28 = arith.constant dense<2147483647> : vector<2048xi32>
    %reduce_min3A_29 = vector.multi_reduction <minsi>, %select_n3A_27, %reduce_min3A_28 [1] : vector<2048x8xi32> to vector<2048xi32>
    %broadcast_in_dim3A_30 = vector.shape_cast %reduce_min3A_29 : vector<2048xi32> to vector<2048x1xi32>
    %sub3A = arith.subf %broadcast_in_dim3A_22, %broadcast_in_dim3A_10 : vector<2048x1xf32>
    %exp3A = math.exp %sub3A : vector<2048x1xf32>
    %add3A_31 = arith.constant 1.000000e+00 : f32
    %add3A_32 = vector.broadcast %add3A_31 : f32 to vector<2048x1xf32>
    %add3A_33 = arith.addf %add3A_32, %exp3A : vector<2048x1xf32>
    %div3A = arith.constant 1.000000e+00 : f32
    %div3A_34 = vector.broadcast %div3A : f32 to vector<2048x1xf32>
    %div3A_35 = arith.divf %div3A_34, %add3A_33 : vector<2048x1xf32>
    %add3A_36 = arith.constant 1.000000e+00 : f32
    %add3A_37 = vector.broadcast %add3A_36 : f32 to vector<2048x1xf32>
    %add3A_38 = arith.addf %add3A_37, %exp3A : vector<2048x1xf32>
    %div3A_39 = arith.divf %exp3A, %add3A_38 : vector<2048x1xf32>
    %eq3A_40 = vector.broadcast %broadcast_in_dim3A_14 : vector<2048x1xi32> to vector<2048x8xi32>
    %eq3A_41 = arith.cmpi eq, %iota3A, %eq3A_40 : vector<2048x8xi32>
    %jit3A_42 = arith.constant 0.000000e+00 : f32
    %broadcast_in_dim3A_43 = vector.shape_cast %div3A_35 : vector<2048x1xf32> to vector<2048x1xf32>
    %broadcast_in_dim3A_44 = vector.broadcast %broadcast_in_dim3A_43 : vector<2048x1xf32> to vector<2048x8xf32>
    %broadcast_in_dim3A_45 = vector.broadcast %jit3A_42 : f32 to vector<2048x8xf32>
    %select_n3A_46 = arith.select %eq3A_41, %broadcast_in_dim3A_44, %broadcast_in_dim3A_45 : vector<2048x8xi1>, vector<2048x8xf32>
    %eq3A_47 = vector.broadcast %broadcast_in_dim3A_30 : vector<2048x1xi32> to vector<2048x8xi32>
    %eq3A_48 = arith.cmpi eq, %iota3A, %eq3A_47 : vector<2048x8xi32>
    %jit3A_49 = arith.constant 0.000000e+00 : f32
    %broadcast_in_dim3A_50 = vector.shape_cast %div3A_39 : vector<2048x1xf32> to vector<2048x1xf32>
    %broadcast_in_dim3A_51 = vector.broadcast %broadcast_in_dim3A_50 : vector<2048x1xf32> to vector<2048x8xf32>
    %broadcast_in_dim3A_52 = vector.broadcast %jit3A_49 : f32 to vector<2048x8xf32>
    %select_n3A_53 = arith.select %eq3A_48, %broadcast_in_dim3A_51, %broadcast_in_dim3A_52 : vector<2048x8xi1>, vector<2048x8xf32>
    %add3A_54 = arith.addf %select_n3A_46, %select_n3A_53 : vector<2048x8xf32>
    %swap3A = arith.constant 0 : index
    %swap3A_55 = arith.constant 0 : index
    %swap3A_56 = vector.load %arg4[%swap3A, %swap3A_55] : memref<2048x8xf32, #tpu.memory_space<vmem>>, vector<2048x8xf32>
    tpu.vector_store %arg4[%swap3A, %swap3A_55], %add3A_54 {strides = array<i32>} : memref<2048x8xf32, #tpu.memory_space<vmem>>, vector<2048x8xf32>,
    %swap3A_57 = arith.constant 0 : index
    %swap3A_58 = arith.constant 0 : index
    %swap3A_59 = vector.load %arg5[%swap3A_57, %swap3A_58] : memref<2048x1152xf32, #tpu.memory_space<vmem>>, vector<2048x1024xf32>
    tpu.vector_store %arg5[%swap3A_57, %swap3A_58], %get3A_1 {strides = array<i32>} : memref<2048x1152xf32, #tpu.memory_space<vmem>>, vector<2048x1024xf32>,
    %swap3A_60 = arith.constant 0 : index
    %swap3A_61 = arith.constant 1024 : index
    %swap3A_62 = vector.load %arg5[%swap3A_60, %swap3A_61] : memref<2048x1152xf32, #tpu.memory_space<vmem>>, vector<2048x8xf32>
    tpu.vector_store %arg5[%swap3A_60, %swap3A_61], %add3A_54 {strides = array<i32>} : memref<2048x1152xf32, #tpu.memory_space<vmem>>, vector<2048x8xf32>,
    %broadcast_in_dim3A_63 = arith.constant 0.000000e+00 : f32
    %broadcast_in_dim3A_64 = vector.broadcast %broadcast_in_dim3A_63 : f32 to vector<2048x120xf32>
    %swap3A_65 = arith.constant 0 : index
    %swap3A_66 = arith.constant 1032 : index
    %swap3A_67 = vector.load %arg5[%swap3A_65, %swap3A_66] : memref<2048x1152xf32, #tpu.memory_space<vmem>>, vector<2048x120xf32>
    tpu.vector_store %arg5[%swap3A_65, %swap3A_66], %broadcast_in_dim3A_64 {strides = array<i32>} : memref<2048x1152xf32, #tpu.memory_space<vmem>>, vector<2048x120xf32>,
    %eq3A_68 = vector.broadcast %broadcast_in_dim3A_14 : vector<2048x1xi32> to vector<2048x8xi32>
    %eq3A_69 = arith.cmpi eq, %iota3A, %eq3A_68 : vector<2048x8xi32>
    %eq3A_70 = vector.broadcast %broadcast_in_dim3A_30 : vector<2048x1xi32> to vector<2048x8xi32>
    %eq3A_71 = arith.cmpi eq, %iota3A, %eq3A_70 : vector<2048x8xi32>
    %or3A = arith.ori %eq3A_69, %eq3A_71 : vector<2048x8xi1>
    %convert_element_type3A = arith.extui %or3A : vector<2048x8xi1> to vector<2048x8xi32>
    %iota3A_72 = tpu.iota {dimensions = array<i32: 0>} : vector<2048x8xi32>
    %roll3A = arith.constant 1 : i32
    %roll3A_73 = tpu.dynamic_rotate %convert_element_type3A by %roll3A dim 0 : vector<2048x8xi32>, i32 -> vector<2048x8xi32>
    %ge3A = arith.constant 1 : i32
    %ge3A_74 = vector.broadcast %ge3A : i32 to vector<2048x8xi32>
    %ge3A_75 = arith.cmpi sge, %iota3A_72, %ge3A_74 : vector<2048x8xi32>
    %jit3A_76 = arith.constant 0 : i32
    %broadcast_in_dim3A_77 = vector.broadcast %jit3A_76 : i32 to vector<2048x8xi32>
    %select_n3A_78 = arith.select %ge3A_75, %roll3A_73, %broadcast_in_dim3A_77 : vector<2048x8xi1>, vector<2048x8xi32>
    %add3A_79 = arith.addi %convert_element_type3A, %select_n3A_78 : vector<2048x8xi32>
    %roll3A_80 = arith.constant 2 : i32
    %roll3A_81 = tpu.dynamic_rotate %add3A_79 by %roll3A_80 dim 0 : vector<2048x8xi32>, i32 -> vector<2048x8xi32>
    %ge3A_82 = arith.constant 2 : i32
    %ge3A_83 = vector.broadcast %ge3A_82 : i32 to vector<2048x8xi32>
    %ge3A_84 = arith.cmpi sge, %iota3A_72, %ge3A_83 : vector<2048x8xi32>
    %jit3A_85 = arith.constant 0 : i32
    %broadcast_in_dim3A_86 = vector.broadcast %jit3A_85 : i32 to vector<2048x8xi32>
    %select_n3A_87 = arith.select %ge3A_84, %roll3A_81, %broadcast_in_dim3A_86 : vector<2048x8xi1>, vector<2048x8xi32>
    %add3A_88 = arith.addi %add3A_79, %select_n3A_87 : vector<2048x8xi32>
    %roll3A_89 = arith.constant 4 : i32
    %roll3A_90 = tpu.dynamic_rotate %add3A_88 by %roll3A_89 dim 0 : vector<2048x8xi32>, i32 -> vector<2048x8xi32>
    %ge3A_91 = arith.constant 4 : i32
    %ge3A_92 = vector.broadcast %ge3A_91 : i32 to vector<2048x8xi32>
    %ge3A_93 = arith.cmpi sge, %iota3A_72, %ge3A_92 : vector<2048x8xi32>
    %jit3A_94 = arith.constant 0 : i32
    %broadcast_in_dim3A_95 = vector.broadcast %jit3A_94 : i32 to vector<2048x8xi32>
    %select_n3A_96 = arith.select %ge3A_93, %roll3A_90, %broadcast_in_dim3A_95 : vector<2048x8xi1>, vector<2048x8xi32>
    %add3A_97 = arith.addi %add3A_88, %select_n3A_96 : vector<2048x8xi32>
    %roll3A_98 = arith.constant 8 : i32
    %roll3A_99 = tpu.dynamic_rotate %add3A_97 by %roll3A_98 dim 0 : vector<2048x8xi32>, i32 -> vector<2048x8xi32>
    %ge3A_100 = arith.constant 8 : i32
    %ge3A_101 = vector.broadcast %ge3A_100 : i32 to vector<2048x8xi32>
    %ge3A_102 = arith.cmpi sge, %iota3A_72, %ge3A_101 : vector<2048x8xi32>
    %jit3A_103 = arith.constant 0 : i32
    %broadcast_in_dim3A_104 = vector.broadcast %jit3A_103 : i32 to vector<2048x8xi32>
    %select_n3A_105 = arith.select %ge3A_102, %roll3A_99, %broadcast_in_dim3A_104 : vector<2048x8xi1>, vector<2048x8xi32>
    %add3A_106 = arith.addi %add3A_97, %select_n3A_105 : vector<2048x8xi32>
    %roll3A_107 = arith.constant 16 : i32
    %roll3A_108 = tpu.dynamic_rotate %add3A_106 by %roll3A_107 dim 0 : vector<2048x8xi32>, i32 -> vector<2048x8xi32>
    %ge3A_109 = arith.constant 16 : i32
    %ge3A_110 = vector.broadcast %ge3A_109 : i32 to vector<2048x8xi32>
    %ge3A_111 = arith.cmpi sge, %iota3A_72, %ge3A_110 : vector<2048x8xi32>
    %jit3A_112 = arith.constant 0 : i32
    %broadcast_in_dim3A_113 = vector.broadcast %jit3A_112 : i32 to vector<2048x8xi32>
    %select_n3A_114 = arith.select %ge3A_111, %roll3A_108, %broadcast_in_dim3A_113 : vector<2048x8xi1>, vector<2048x8xi32>
    %add3A_115 = arith.addi %add3A_106, %select_n3A_114 : vector<2048x8xi32>
    %roll3A_116 = arith.constant 32 : i32
    %roll3A_117 = tpu.dynamic_rotate %add3A_115 by %roll3A_116 dim 0 : vector<2048x8xi32>, i32 -> vector<2048x8xi32>
    %ge3A_118 = arith.constant 32 : i32
    %ge3A_119 = vector.broadcast %ge3A_118 : i32 to vector<2048x8xi32>
    %ge3A_120 = arith.cmpi sge, %iota3A_72, %ge3A_119 : vector<2048x8xi32>
    %jit3A_121 = arith.constant 0 : i32
    %broadcast_in_dim3A_122 = vector.broadcast %jit3A_121 : i32 to vector<2048x8xi32>
    %select_n3A_123 = arith.select %ge3A_120, %roll3A_117, %broadcast_in_dim3A_122 : vector<2048x8xi1>, vector<2048x8xi32>
    %add3A_124 = arith.addi %add3A_115, %select_n3A_123 : vector<2048x8xi32>
    %roll3A_125 = arith.constant 64 : i32
    %roll3A_126 = tpu.dynamic_rotate %add3A_124 by %roll3A_125 dim 0 : vector<2048x8xi32>, i32 -> vector<2048x8xi32>
    %ge3A_127 = arith.constant 64 : i32
    %ge3A_128 = vector.broadcast %ge3A_127 : i32 to vector<2048x8xi32>
    %ge3A_129 = arith.cmpi sge, %iota3A_72, %ge3A_128 : vector<2048x8xi32>
    %jit3A_130 = arith.constant 0 : i32
    %broadcast_in_dim3A_131 = vector.broadcast %jit3A_130 : i32 to vector<2048x8xi32>
    %select_n3A_132 = arith.select %ge3A_129, %roll3A_126, %broadcast_in_dim3A_131 : vector<2048x8xi1>, vector<2048x8xi32>
    %add3A_133 = arith.addi %add3A_124, %select_n3A_132 : vector<2048x8xi32>
    %roll3A_134 = arith.constant 128 : i32
    %roll3A_135 = tpu.dynamic_rotate %add3A_133 by %roll3A_134 dim 0 : vector<2048x8xi32>, i32 -> vector<2048x8xi32>
    %ge3A_136 = arith.constant 128 : i32
    %ge3A_137 = vector.broadcast %ge3A_136 : i32 to vector<2048x8xi32>
    %ge3A_138 = arith.cmpi sge, %iota3A_72, %ge3A_137 : vector<2048x8xi32>
    %jit3A_139 = arith.constant 0 : i32
    %broadcast_in_dim3A_140 = vector.broadcast %jit3A_139 : i32 to vector<2048x8xi32>
    %select_n3A_141 = arith.select %ge3A_138, %roll3A_135, %broadcast_in_dim3A_140 : vector<2048x8xi1>, vector<2048x8xi32>
    %add3A_142 = arith.addi %add3A_133, %select_n3A_141 : vector<2048x8xi32>
    %roll3A_143 = arith.constant 256 : i32
    %roll3A_144 = tpu.dynamic_rotate %add3A_142 by %roll3A_143 dim 0 : vector<2048x8xi32>, i32 -> vector<2048x8xi32>
    %ge3A_145 = arith.constant 256 : i32
    %ge3A_146 = vector.broadcast %ge3A_145 : i32 to vector<2048x8xi32>
    %ge3A_147 = arith.cmpi sge, %iota3A_72, %ge3A_146 : vector<2048x8xi32>
    %jit3A_148 = arith.constant 0 : i32
    %broadcast_in_dim3A_149 = vector.broadcast %jit3A_148 : i32 to vector<2048x8xi32>
    %select_n3A_150 = arith.select %ge3A_147, %roll3A_144, %broadcast_in_dim3A_149 : vector<2048x8xi1>, vector<2048x8xi32>
    %add3A_151 = arith.addi %add3A_142, %select_n3A_150 : vector<2048x8xi32>
    %roll3A_152 = arith.constant 512 : i32
    %roll3A_153 = tpu.dynamic_rotate %add3A_151 by %roll3A_152 dim 0 : vector<2048x8xi32>, i32 -> vector<2048x8xi32>
    %ge3A_154 = arith.constant 512 : i32
    %ge3A_155 = vector.broadcast %ge3A_154 : i32 to vector<2048x8xi32>
    %ge3A_156 = arith.cmpi sge, %iota3A_72, %ge3A_155 : vector<2048x8xi32>
    %jit3A_157 = arith.constant 0 : i32
    %broadcast_in_dim3A_158 = vector.broadcast %jit3A_157 : i32 to vector<2048x8xi32>
    %select_n3A_159 = arith.select %ge3A_156, %roll3A_153, %broadcast_in_dim3A_158 : vector<2048x8xi1>, vector<2048x8xi32>
    %add3A_160 = arith.addi %add3A_151, %select_n3A_159 : vector<2048x8xi32>
    %roll3A_161 = arith.constant 1024 : i32
    %roll3A_162 = tpu.dynamic_rotate %add3A_160 by %roll3A_161 dim 0 : vector<2048x8xi32>, i32 -> vector<2048x8xi32>
    %ge3A_163 = arith.constant 1024 : i32
    %ge3A_164 = vector.broadcast %ge3A_163 : i32 to vector<2048x8xi32>
    %ge3A_165 = arith.cmpi sge, %iota3A_72, %ge3A_164 : vector<2048x8xi32>
    %jit3A_166 = arith.constant 0 : i32
    %broadcast_in_dim3A_167 = vector.broadcast %jit3A_166 : i32 to vector<2048x8xi32>
    %select_n3A_168 = arith.select %ge3A_165, %roll3A_162, %broadcast_in_dim3A_167 : vector<2048x8xi1>, vector<2048x8xi32>
    %add3A_169 = arith.addi %add3A_160, %select_n3A_168 : vector<2048x8xi32>
    %sub3A_170 = arith.subi %add3A_169, %convert_element_type3A : vector<2048x8xi32>
    %slice3A = vector.extract_strided_slice %add3A_169 {offsets = [2047, 0], sizes = [1, 8], strides = [1, 1]} : vector<2048x8xi32> to vector<1x8xi32>
    %add3A_171 = arith.constant 127 : i32
    %add3A_172 = vector.broadcast %add3A_171 : i32 to vector<1x8xi32>
    %add3A_173 = arith.addi %slice3A, %add3A_172 : vector<1x8xi32>
    %jit3A_174 = arith.constant 128 : i32
    %div3A_175 = vector.broadcast %jit3A_174 : i32 to vector<1x8xi32>
    %div3A_176 = arith.divsi %add3A_173, %div3A_175 : vector<1x8xi32>
    %sign3A = arith.constant 0 : i32
    %sign3A_177 = vector.broadcast %sign3A : i32 to vector<1x8xi32>
    %sign3A_178 = arith.cmpi sgt, %add3A_173, %sign3A_177 : vector<1x8xi32>
    %sign3A_179 = arith.extui %sign3A_178 : vector<1x8xi1> to vector<1x8xi32>
    %sign3A_180 = arith.constant 0 : i32
    %sign3A_181 = vector.broadcast %sign3A_180 : i32 to vector<1x8xi32>
    %sign3A_182 = arith.cmpi slt, %add3A_173, %sign3A_181 : vector<1x8xi32>
    %sign3A_183 = arith.extui %sign3A_182 : vector<1x8xi1> to vector<1x8xi32>
    %sign3A_184 = arith.subi %sign3A_179, %sign3A_183 : vector<1x8xi32>
    %sign3A_185 = arith.constant 0 : i32
    %sign3A_186 = arith.cmpi sgt, %jit3A_174, %sign3A_185 : i32
    %sign3A_187 = arith.extui %sign3A_186 : i1 to i32
    %sign3A_188 = arith.constant 0 : i32
    %sign3A_189 = arith.cmpi slt, %jit3A_174, %sign3A_188 : i32
    %sign3A_190 = arith.extui %sign3A_189 : i1 to i32
    %sign3A_191 = arith.subi %sign3A_187, %sign3A_190 : i32
    %ne3A = vector.broadcast %sign3A_191 : i32 to vector<1x8xi32>
    %ne3A_192 = arith.cmpi ne, %sign3A_184, %ne3A : vector<1x8xi32>
    %rem3A = vector.broadcast %jit3A_174 : i32 to vector<1x8xi32>
    %rem3A_193 = arith.remsi %add3A_173, %rem3A : vector<1x8xi32>
    %ne3A_194 = arith.constant 0 : i32
    %ne3A_195 = vector.broadcast %ne3A_194 : i32 to vector<1x8xi32>
    %ne3A_196 = arith.cmpi ne, %rem3A_193, %ne3A_195 : vector<1x8xi32>
    %and3A = arith.andi %ne3A_192, %ne3A_196 : vector<1x8xi1>
    %sub3A_197 = arith.constant 1 : i32
    %sub3A_198 = vector.broadcast %sub3A_197 : i32 to vector<1x8xi32>
    %sub3A_199 = arith.subi %div3A_176, %sub3A_198 : vector<1x8xi32>
    %select_n3A_200 = arith.select %and3A, %sub3A_199, %div3A_176 : vector<1x8xi1>, vector<1x8xi32>
    %iota3A_201 = tpu.iota {dimensions = array<i32: 0>} : vector<8x8xi32>
    %iota3A_202 = tpu.iota {dimensions = array<i32: 1>} : vector<8x8xi32>
    %lt3A = arith.cmpi slt, %iota3A_201, %iota3A_202 : vector<8x8xi32>
    %convert_element_type3A_203 = arith.extui %lt3A : vector<8x8xi1> to vector<8x8xi32>
    %convert_element_type3A_204 = arith.sitofp %convert_element_type3A_203 : vector<8x8xi32> to vector<8x8xf32>
    %convert_element_type3A_205 = arith.sitofp %select_n3A_200 : vector<1x8xi32> to vector<1x8xf32>
    %dot_general3A_206 = arith.constant dense<0.000000e+00> : vector<1x8xf32>
    %dot_general3A_207 = tpu.matmul %convert_element_type3A_205, %convert_element_type3A_204, %dot_general3A_206 {dimension_numbers = #tpu.dot_dimension_numbers<[1], [0], [0], [1], [0, 0, 1, 1], [], []>, transpose_lhs_hint = false} : vector<1x8xf32>, vector<8x8xf32>, vector<1x8xf32> -> vector<1x8xf32>
    %convert_element_type3A_208 = arith.fptosi %dot_general3A_207 : vector<1x8xf32> to vector<1x8xi32>
    %mul3A = arith.constant 128 : i32
    %mul3A_209 = vector.broadcast %mul3A : i32 to vector<1x8xi32>
    %mul3A_210 = arith.muli %convert_element_type3A_208, %mul3A_209 : vector<1x8xi32>
    %add3A_211 = vector.broadcast %mul3A_210 : vector<1x8xi32> to vector<2048x8xi32>
    %add3A_212 = arith.addi %add3A_211, %sub3A_170 : vector<2048x8xi32>
    %eq3A_213 = vector.broadcast %broadcast_in_dim3A_14 : vector<2048x1xi32> to vector<2048x8xi32>
    %eq3A_214 = arith.cmpi eq, %iota3A, %eq3A_213 : vector<2048x8xi32>
    %jit3A_215 = arith.constant 0 : i32
    %broadcast_in_dim3A_216 = vector.broadcast %jit3A_215 : i32 to vector<2048x8xi32>
    %select_n3A_217 = arith.select %eq3A_214, %add3A_212, %broadcast_in_dim3A_216 : vector<2048x8xi1>, vector<2048x8xi32>
    %reduce_sum3A = arith.constant dense<0> : vector<2048xi32>
    %reduce_sum3A_218 = vector.multi_reduction <add>, %select_n3A_217, %reduce_sum3A [1] : vector<2048x8xi32> to vector<2048xi32>
    %broadcast_in_dim3A_219 = vector.shape_cast %reduce_sum3A_218 : vector<2048xi32> to vector<2048x1xi32>
    %eq3A_220 = vector.broadcast %broadcast_in_dim3A_30 : vector<2048x1xi32> to vector<2048x8xi32>
    %eq3A_221 = arith.cmpi eq, %iota3A, %eq3A_220 : vector<2048x8xi32>
    %jit3A_222 = arith.constant 0 : i32
    %broadcast_in_dim3A_223 = vector.broadcast %jit3A_222 : i32 to vector<2048x8xi32>
    %select_n3A_224 = arith.select %eq3A_221, %add3A_212, %broadcast_in_dim3A_223 : vector<2048x8xi1>, vector<2048x8xi32>
    %reduce_sum3A_225 = arith.constant dense<0> : vector<2048xi32>
    %reduce_sum3A_226 = vector.multi_reduction <add>, %select_n3A_224, %reduce_sum3A_225 [1] : vector<2048x8xi32> to vector<2048xi32>
    %broadcast_in_dim3A_227 = vector.shape_cast %reduce_sum3A_226 : vector<2048xi32> to vector<2048x1xi32>
    %concatenate3A = tpu.concatenate %broadcast_in_dim3A_219, %broadcast_in_dim3A_227 in 1 : vector<2048x1xi32>, vector<2048x1xi32> -> vector<2048x2xi32>
    %transpose3A = tpu.transpose %concatenate3A, [1, 0] : vector<2048x2xi32> -> vector<2x2048xi32>
    %swap3A_228 = arith.constant 0 : index
    %swap3A_229 = arith.constant 0 : index
    %swap3A_230 = vector.load %arg6[%swap3A_228, %swap3A_229] : memref<2x2048xi32, #tpu.memory_space<vmem>>, vector<2x2048xi32>
    tpu.vector_store %arg6[%swap3A_228, %swap3A_229], %transpose3A {strides = array<i32>} : memref<2x2048xi32, #tpu.memory_space<vmem>>, vector<2x2048xi32>,
    %transpose3A_231 = tpu.transpose %convert_element_type3A_208, [1, 0] : vector<1x8xi32> -> vector<8x1xi32>
    %iota3A_232 = tpu.iota {dimensions = array<i32: 1>} : vector<8x40xi32>
    %le3A = vector.broadcast %transpose3A_231 : vector<8x1xi32> to vector<8x40xi32>
    %le3A_233 = arith.cmpi sle, %le3A, %iota3A_232 : vector<8x40xi32>
    %convert_element_type3A_234 = arith.extui %le3A_233 : vector<8x40xi1> to vector<8x40xi32>
    %reduce_sum3A_235 = arith.constant dense<0> : vector<40xi32>
    %reduce_sum3A_236 = vector.multi_reduction <add>, %convert_element_type3A_234, %reduce_sum3A_235 [0] : vector<8x40xi32> to vector<40xi32>
    %broadcast_in_dim3A_237 = vector.shape_cast %reduce_sum3A_236 : vector<40xi32> to vector<1x40xi32>
    %sub3A_238 = arith.constant 1 : i32
    %sub3A_239 = vector.broadcast %sub3A_238 : i32 to vector<1x40xi32>
    %sub3A_240 = arith.subi %broadcast_in_dim3A_237, %sub3A_239 : vector<1x40xi32>
    %squeeze3A = vector.shape_cast %sub3A_240 : vector<1x40xi32> to vector<40xi32>
    %swap3A_241 = arith.constant 0 : index
    %swap3A_242 = vector.load %arg7[%swap3A_241] : memref<40xi32, #tpu.memory_space<vmem>>, vector<40xi32>
    tpu.vector_store %arg7[%swap3A_241], %squeeze3A {strides = array<i32>} : memref<40xi32, #tpu.memory_space<vmem>>, vector<40xi32>,
    return
  }
  func.func @transform_0(%arg0: i32) -> (i32, i32) {
    %c0_i32 = arith.constant 0 : i32
    %c0_i32_0 = arith.constant 0 : i32
    %c0_i32_1 = arith.constant 0 : i32
    return %c0_i32, %c0_i32_0 : i32, i32
  }
  func.func @transform_1(%arg0: i32) -> (i32, i32) {
    %c0_i32 = arith.constant 0 : i32
    %c0_i32_0 = arith.constant 0 : i32
    %c0_i32_1 = arith.constant 0 : i32
    return %c0_i32, %c0_i32_0 : i32, i32
  }
  func.func @transform_2(%arg0: i32) -> i32 {
    %c0_i32 = arith.constant 0 : i32
    %c0_i32_0 = arith.constant 0 : i32
    return %c0_i32 : i32
  }
  func.func @transform_3(%arg0: i32) -> (i32, i32) {
    %c0_i32 = arith.constant 0 : i32
    %c0_i32_0 = arith.constant 0 : i32
    %c0_i32_1 = arith.constant 0 : i32
    return %c0_i32, %c0_i32_0 : i32, i32
  }
  func.func @transform_4(%arg0: i32) -> (i32, i32) {
    %c0_i32 = arith.constant 0 : i32
    %c0_i32_0 = arith.constant 0 : i32
    %c0_i32_1 = arith.constant 0 : i32
    return %c0_i32, %c0_i32_0 : i32, i32
  }
  func.func @transform_5(%arg0: i32) -> (i32, i32) {
    %c0_i32 = arith.constant 0 : i32
    %c0_i32_0 = arith.constant 0 : i32
    %c0_i32_1 = arith.constant 0 : i32
    return %c0_i32, %c0_i32_0 : i32, i32
  }
  func.func @transform_6(%arg0: i32) -> i32 {
    %c0_i32 = arith.constant 0 : i32
    %c0_i32_0 = arith.constant 0 : i32
    return %c0_i32 : i32
  }
}

</mosaic_0001>

<sc_bundles>
// kernel: kernel.6.cloned.1.call-start
scs
__scs_entry_jumppad:
0x0: {  	(pc) =	sbr.rel $0x88, $3  }
0x1: {  	(tag) =	ssettag $0x0;
	lr =	simm.s32 $0x1  }
0x2: {  	[smem:$0x3F9A] =	sst lr;
	_ =	strace $0xD0000000  }
0x3: {  	_ = 	snop  }
0x4: {  	_ = 	snop  }
0x5: {  	_ = 	snop  }
0x6: {  	_ = 	snop  }
0x7: {  	_ = 	snop  }
__scs_overlays_trampoline_lowered:
0x8: {  	[smem:$0x3FA9] =	sst s0  }
0x9: {  	[smem:$0x3FAA] =	sst s1  }
0xa: {  	[smem:$0x3FAB] =	sst s2  }
0xb: {  	[smem:$0x3FAC] =	sst s3  }
0xc: {  	[smem:$0x3FAD] =	sst s4  }
0xd: {  	[smem:$0x3FAE] =	sst s5  }
0xe: {  	[smem:$0x3FAF] =	sst s6  }
0xf: {  	[smem:$0x3FB0] =	sst s7  }
0x10: {  	[smem:$0x3FB1] =	sst s8  }
0x11: {  	[smem:$0x3FB2] =	sst s9;
	s0 =	simm.s32 @!p0 $0x0  }
0x12: {  	s1 =	sld [smem:$0x3F98];
	s0 =	simm.s32 @p0 $0x1  }
0x13: {  	[smem:$0x3FB3] =	sst s0;
	s0 =	simm.s32 @!p1 $0x0  }
0x14: {  	s2 =	sld [smem:$0x3F97];
	s0 =	simm.s32 @p1 $0x1  }
0x15: {  	[smem:$0x3FB4] =	sst s0;
	s0 =	simm.s32 @!p2 $0x0  }
0x16: {  	s3 =	sld [smem:$0x3FDB];
	s0 =	simm.s32 @p2 $0x1  }
0x17: {  	s4 =	simm.s32 $0x1BF5;
	[smem:$0x3FB6] =	sst s0  }
0x18: {  	s0 =	sld [smem:$0x3F99];
	_ =	swait.ge [sflag:s4], $0x0  }
0x19: {  	s7 =	sld [smem:$0x3F9A]  }
0x1a: {  	s8 =	sadd.s32 $0xFFFFE003, lr  }
0x1b: {  	s9 =	sadd.s32 $0xFFFFFEF7, lr;
	s5 =	simm.s32 $0xFFFFFFFF;
	p2 =	slt.u32 s8, $0xFFFFF086  }
0x1c: {  	p1 =	slt.u32 s9, $0xF7A;
	s5 =	simm.s32 @!p2 $0x0  }
0x1d: {  	s5 =	simm.s32 @p1 $0x1;
	p0 =	seq.s32 s7, s2  }
0x1e: {  	s7 =	smul.u32 @!p0 $0xF7A, s2;
	p2 =	seq.s32 @!p0 s5, $0x0  }
0x1f: {  	s9 =	smul.u32 $0xF7A, s1;
	s8 =	simm.s32 @!p0 $0x1BF5;
	p2 =	por !p2, p0  }
0x20: {  	[sflag:s8] =	ssyncset.s32 @!p0 $0xFFFFF086;
	s6 =	sadd.s32 @!p0 s3, s7;
	s7 =	simm.s32 @!p0 $0x108  }
0x21: {  	s3 =	sadd.s32 s3, s9;
	s6 =	sadd.s32 @!p0 $0x88, s6;
	s7 =	simm.s32 @p2 $0x1082  }
0x22: {  	[simem:s7], [sflag:s8] =	dma.local @!p0 [hbm:s6], $0xF7A  }
0x23: {  	s9 =	sor.u32 $0xD0000000, s2;
	s6 =	simm.s32 $0x108;
	_ =	swait.ge @!p0 [sflag:s8], $0x0  }
0x24: {  	s3 =	sadd.s32 $0x88, s3;
	s6 =	simm.s32 @!p1 $0x1082;
	[sflag:s4] =	ssyncset.s32 $0xFFFFF086  }
0x25: {  	[simem:s6], [sflag:s4] =	dma.local [hbm:s3], $0xF7A  }
0x26: {  	[smem:$0x3F9A] =	sst s1;
	(tag) =	ssettag s2;
	_ =	strace s9  }
0x27: {  	s1 =	sld [smem:$0x3FAA]  }
0x28: {  	s2 =	sld [smem:$0x3FAB]  }
0x29: {  	s4 =	sld [smem:$0x3FAD]  }
0x2a: {  	p0 =	seq.s32 s5, $0x0;
	s5 =	sld [smem:$0x3FAE]  }
0x2b: {  	s6 =	sld [smem:$0x3FAF]  }
0x2c: {  	s7 =	sld [smem:$0x3FB0]  }
0x2d: {  	s3 =	simm.s32 $0x108;
	s8 =	sld [smem:$0x3FB1]  }
0x2e: {  	s3 =	simm.s32 @!p0 $0x1082;
	s9 =	sld [smem:$0x3FB2]  }
0x2f: {  	lr =	sadd.s32 s0, s3;
	s0 =	sld [smem:$0x3FA9]  }
0x30: {  	s3 =	sld [smem:$0x3FAC]  }
0x31: {  	[smem:$0x3FB5] =	sst s10  }
0x32: {  	s10 =	sld [smem:$0x3FB3];
	_ =	sdelay $0x3  }
0x33: {  	p0 =	seq.s32 s10, $0x1;
	s10 =	sld [smem:$0x3FB5];
	_ =	sdelay $0x3  }
0x34: {  	[smem:$0x3FB5] =	sst s10  }
0x35: {  	s10 =	sld [smem:$0x3FB4];
	_ =	sdelay $0x3  }
0x36: {  	p1 =	seq.s32 s10, $0x1;
	s10 =	sld [smem:$0x3FB5];
	_ =	sdelay $0x3  }
0x37: {  	[smem:$0x3FB5] =	sst s10  }
0x38: {  	s10 =	sld [smem:$0x3FB6]  }
0x39: {  	_ = 	snop;
	(pc) =	sbr.ind lr, $3  }
0x3a: {  	_ = 	snop  }
0x3b: {  	_ = 	snop  }
0x3c: {  	p2 =	seq.s32 s10, $0x1;
	s10 =	sld [smem:$0x3FB5]  }
0x3d: {  	_ =	shalt  }
0x3e: {  	_ =	shalt  }
0x3f: {  	_ =	shalt  }
0x40: {  	_ =	shalt  }
0x41: {  	_ =	shalt  }
0x42: {  	_ =	shalt  }
0x43: {  	_ =	shalt  }
0x44: {  	_ =	shalt  }
0x45: {  	_ =	shalt  }
0x46: {  	_ =	shalt  }
0x47: {  	_ =	shalt  }
0x48: {  	_ =	shalt  }
0x49: {  	_ =	shalt  }
0x4a: {  	_ =	shalt  }
0x4b: {  	_ =	shalt  }
0x4c: {  	_ =	shalt  }
0x4d: {  	_ =	shalt  }
0x4e: {  	_ =	shalt  }
0x4f: {  	_ =	shalt  }
0x50: {  	_ =	shalt  }
0x51: {  	_ =	shalt  }
0x52: {  	_ =	shalt  }
0x53: {  	_ =	shalt  }
0x54: {  	_ =	shalt  }
0x55: {  	_ =	shalt  }
0x56: {  	_ =	shalt  }
0x57: {  	_ =	shalt  }
0x58: {  	_ =	shalt  }
0x59: {  	_ =	shalt  }
0x5a: {  	_ =	shalt  }
0x5b: {  	_ =	shalt  }
0x5c: {  	_ =	shalt  }
0x5d: {  	_ =	shalt  }
0x5e: {  	_ =	shalt  }
0x5f: {  	_ =	shalt  }
0x60: {  	_ =	shalt  }
0x61: {  	_ =	shalt  }
0x62: {  	_ =	shalt  }
0x63: {  	_ =	shalt  }
0x64: {  	_ =	shalt  }
0x65: {  	_ =	shalt  }
0x66: {  	_ =	shalt  }
0x67: {  	_ =	shalt  }
0x68: {  	_ =	shalt  }
0x69: {  	_ =	shalt  }
0x6a: {  	_ =	shalt  }
0x6b: {  	_ =	shalt  }
0x6c: {  	_ =	shalt  }
0x6d: {  	_ =	shalt  }
0x6e: {  	_ =	shalt  }
0x6f: {  	_ =	shalt  }
0x70: {  	_ =	shalt  }
0x71: {  	_ =	shalt  }
0x72: {  	_ =	shalt  }
0x73: {  	_ =	shalt  }
0x74: {  	_ =	shalt  }
0x75: {  	_ =	shalt  }
0x76: {  	_ =	shalt  }
0x77: {  	_ =	shalt  }
0x78: {  	_ =	shalt  }
0x79: {  	_ =	shalt  }
0x7a: {  	_ =	shalt  }
0x7b: {  	_ =	shalt  }
0x7c: {  	_ =	shalt  }
0x7d: {  	_ =	shalt  }
0x7e: {  	_ =	shalt  }
0x7f: {  	_ =	shalt  }
0x80: {  	_ =	shalt  }
0x81: {  	_ =	shalt  }
0x82: {  	_ =	shalt  }
0x83: {  	_ =	shalt  }
0x84: {  	_ =	shalt  }
0x85: {  	_ =	shalt  }
0x86: {  	_ =	shalt  }
0x87: {  	_ =	shalt  }
.Lfunc_end0:
.L_simem_size_0:
called_computation_lowered:
.L_overlay_start_0:
0x88: {  	s2 =	sld [smem:$0x3FD9]  }
0x89: {  	s3 =	sld [smem:$0x3FFE];
	_ =	sdelay $0x1  }
0x8a: {  	s1 =	srdreg.scid  }
0x8b: {  	s0 =	sand.u32 $0x1, s1  }
0x8c: {  	s16 =	sshll.u32 s0, $0xA;
	s2 =	sadd.s32 s3, s2  }
0x8d: {  	s2 =	sadd.s32 s2, s16  }
0x8e: {  	[smem:$0x3FC1] =	sst s2  }
0x8f: {  	_ = 	snop  }
0x90: {  	(tm) =	ssettm $0x1  }
0x91: {  	s17 =	sld [smem:$0x3FFB];
	_ =	sdelay $0x3  }
0x92: {  	_ =	strace s17  }
0x93: {  	s2 =	sld [smem:$0x3FFC];
	_ =	sdelay $0x3  }
0x94: {  	_ =	strace s2  }
0x95: {  	s2 =	sld [smem:$0x3FFD];
	_ =	sdelay $0x3  }
0x96: {  	_ =	strace s2  }
0x97: {  	_ =	strace $0x8FFFFFFF  }
0x98: {  	s18 =	sld [smem:$0x3FDB];
	_ =	sdelay $0x1  }
0x99: {  	s19 =	simm.s32 $_scs_section_size  }
0x9a: {  	s4 =	simm.s32 $_size__tile_overlayer_lowered;
	s5 =	simm.s32 $_tile_overlayer_lowered  }
0x9b: {  	s22 =	simm.s32 $0x1BFF;
	s21 =	sshll.u32 s5, $0x1;
	s2 =	sadd.s32 s19, s18  }
0x9c: {  	s6 =	simm.s32 $0x0;
	s20 =	sshll.u32 s4, $0x1;
	s4 =	sadd.s32 s21, s2  }
0x9d: {  	[timem:s6], [sflag:s22] =	dma.local [hbm:s4], s20  }
0x9e: {  	_ =	swait.ge [sflag:s22], s20  }
0x9f: {  	s3 =	ssub.s32 $0x0, s20;
	[sflag:s22] =	ssyncset.done $0x0  }
0xa0: {  	[sflag:s22] =	ssyncadd.s32 s3;
	_ =	sdelay $0x1  }
0xa1: {  	s23 =	simm.s32 $0x1B8B  }
0xa2: {  	_ =	swait.ge [sflag:s23], $0x1  }
0xa3: {  	[sflag:s23] =	ssyncset.done $0x0  }
0xa4: {  	s25 =	simm.s32 $0x1B8E;
	s24 =	sld [smem:$0x3FFE];
	[sflag:s23] =	ssyncadd.s32 $0xFFFFFFFF  }
0xa5: {  	s26 =	simm.s32 $execute0_lowered;
	[smem:$0x3FD2] =	sst s25  }
0xa6: {  	s4 =	sshll.u32 s26, $0x1;
	_ =	strace $0x80000046;
	[dreg:$0x1] =	wrdreg $0xFFFFFFFF  }
0xa7: {  	s28 =	simm.s32 $_size_execute0_lowered;
	s2 =	sadd.s32 s2, s4;
	[dreg:$0x0] =	wrdreg $0x0  }
0xa8: {  	s4 =	sshll.u32 s28, $0x1;
	[dreg:$0x2] =	wrdreg s2  }
0xa9: {  	[dreg:$0x3] =	wrdreg s4  }
0xaa: {  	[dreg:$0x4] =	wrdreg $0xC0  }
0xab: {  	_ =	task [dreg:s6], $0x5FFFF  }
0xac: {  	[dreg:$0x1] =	wrdreg $0xFFFFFFFF  }
0xad: {  	[dreg:$0x0] =	wrdreg $0x60  }
0xae: {  	[dreg:$0x2] =	wrdreg s24  }
0xaf: {  	[dreg:$0x3] =	wrdreg $0x9  }
0xb0: {  	_ =	task.clear_ibuf [dreg:s6], $0x4FFFF;
	_ =	strace $0x90000046  }
0xb1: {  	s29 =	simm.s32 $0x9;
	_ =	strace $0x80000048  }
0xb2: {  	_ =	swait.ge [sflag:s29], $0x1  }
0xb3: {  	[sflag:s29] =	ssyncadd.s32 $0xFFFFFFFF  }
0xb4: {  	_ =	strace $0x90000048  }
0xb5: {  	_ =	sfence  }
0xb6: {  	s30 =	sld [smem:$0x0];
	_ =	sdelay $0x2  }
0xb7: {  	s31 =	sshll.u32 s1, $0xD;
	s1 =	sshrl.u32 s1, $0x2  }
0xb8: {  	s3 =	sand.u32 $0x4000, s31;
	s1 =	sadd.s32 s1, s30  }
0xb9: {  	s0 =	sor.u32 s3, s0;
	s1 =	sshll.u32 s1, $0x11  }
0xba: {  	s0 =	sor.u32 s1, s0  }
0xbb: {  	s0 =	sadd.s32 $0x8F2B, s0  }
0xbc: {  	[sflag:s0] =	ssyncadd.remote.s32 $0x1  }
0xbd: {  	_ =	sfence.sel $0xFFFF  }
0xbe: {  	[dreg:$0x0] =	wrdreg $0xFFFFFFFF;
	(pc) =	sbr.abs _section_cstart, $3  }
0xbf: {  	[dreg:$0x1] =	wrdreg $0xFFFFFFFF  }
0xc0: {  	_ =	task.clear_ibuf [dreg:s6], $0x2FFFF;
	_ =	strace $0x9FFFFFFF  }
0xc1: {  	(tm) =	ssettm $0x7FFFFFFF  }
tec
execute0_lowered:
.L_overlay_start_1:
0x0: {  	(tag) =	ssettag $0x1  }
0x1: {  	s0 =	srdreg.scid  }
0x2: {  	s2 =	stileid.u32;
	s1 =	rddreg [dreg:$0x0];
	s9 =	simm.s32 $0x2  }
0x3: {  	s31 =	simm.s32 $0x80;
	s29 =	simm.s32 $0x1;
	s11 =	simm.s32 $0x2500  }
0x4: {  	s12 =	simm.s32 $0x2D00;
	s13 =	simm.s32 $0x3500;
	s14 =	simm.s32 $0x3D00  }
0x5: {  	s15 =	simm.s32 $0x4500;
	s16 =	simm.s32 $0x4900;
	s17 =	simm.s32 $0x5100  }
0x6: {  	s18 =	simm.s32 $0x5900;
	s19 =	simm.s32 $0x6100;
	s20 =	simm.s32 $0x6900  }
0x7: {  	s21 =	simm.s32 $0x6D00;
	s22 =	simm.s32 $0x7500;
	s23 =	simm.s32 $0x7D00  }
0x8: {  	s24 =	simm.s32 $0x8500;
	s25 =	simm.s32 $0x8D00;
	s26 =	simm.s32 $0x9100  }
0x9: {  	s28 =	simm.s32 $0x9900;
	s0 =	sand.u32 $0x1, s0;
	s3 =	sshll.u32 s2, $0x4  }
0xa: {  	s2 =	simm.s32 $0x0;
	s7 =	sadd.s32 $0x4A800, s1;
	s4 =	sshll.u32 s0, $0x3  }
0xb: {  	[smem:$0x7FF] =	sst s2;
	s0 =	ssub.s32 $0x2, s0;
	s3 =	sor.u32 s4, s3  }
0xc: {  	_ =	strace $0x80000047;
	s30 =	sshrl.u32 s0, $0x1;
	[dreg:$0x5] =	wrdreg s31  }
0xd: {  	s4 =	smul.u32 $0x480, s3;
	s5 =	sadd.s32 s3, s1;
	s3 =	sadd.s32 $0x4A400, s1  }
0xe: {  	s0 =	ssub.s32 s0, s30;
	s6 =	sadd.s32 $0x4A200, s5;
	s5 =	sadd.s32 $0x4A300, s5  }
0xf: {  	v2 =	vlaneseq.u32;
	s8 =	smax.u32 s0, $0x1;
	s4 =	sadd.s32 s4, s1;
	[dreg:$0x2] =	wrdreg s6  }
0x10: {  	vm0 =	vmmov $0xffff;
	vm1 =	vmmov $0xff;
	v1 =	vshrl.u32 v2, $0x3;
	[dreg:$0x3] =	wrdreg s5;
	s5 =	sadd.s32 $0x4A600, s1;
	s4 =	sadd.s32 $0x2200, s4  }
0x11: {  	v0 =	vand.u32 $0x7, v2;
	v2 =	vor.u32 $0x8, v2;
	v1 =	vmul.u32 $0x8, v1;
	s6 =	sadd.s32 $0x4A700, s1;
	[dreg:$0x4] =	wrdreg s4;
	s4 =	sadd.s32 $0x4A500, s1  }
.LBB2_1:
0x12: {  	s30 =	rddreg [dreg:$0x2]  }
0x13: {  	[tilespmem:s2], [sflag:$0x2] =	stream.linear.gather [hbm4b:s30+s2], $0x40, $0x38;
	[tilespmem:$0x12100] =	vst v63  }
0x14: {  	_ =	swait.ge [sflag:s9], $0x40  }
0x15: {  	s1 =	rddreg [dreg:$0x3];
	[sflag:s9] =	ssyncset.done $0x0  }
0x16: {  	s31 =	rddreg [dreg:$0x5];
	[sflag:s9] =	ssyncadd.s32 $0xFFFFFFC0  }
0x17: {  	[tilespmem:s31], [sflag:$0x2] =	stream.linear.gather [hbm4b:s1+s2], $0x40, $0x38;
	[tilespmem:$0x12100] =	vst v63  }
0x18: {  	_ =	swait.ge [sflag:s9], $0x40  }
0x19: {  	[sflag:s9] =	ssyncset.done $0x0  }
0x1a: {  	s0 =	simm.s32 $0x100;
	s10 =	rddreg [dreg:$0x4];
	[sflag:s9] =	ssyncadd.s32 $0xFFFFFFC0  }
0x1b: {  	[tilespmem:s0], [sflag:$0x2] =	stream.linear.gather [hbm4b:s10+s2], $0x12000, $0x38;
	[tilespmem:$0x12100] =	vst v63  }
0x1c: {  	_ =	swait.ge [sflag:s9], $0x12000  }
0x1d: {  	[sflag:s9] =	ssyncset.done $0x0  }
0x1e: {  	[sflag:s9] =	ssyncadd.s32 $0xFFFEE000  }
0x1f: {  	v3 =	vld [tilespmem:$0x0];
	_ =	sdelay $0x4  }
0x20: {  	v4 =	vshrl.u32 v3, $0x3  }
0x21: {  	v4 =	vmul.u32 $0x48, v4  }
0x22: {  	v3 =	vand.u32 $0x7, v3  }
0x23: {  	v3 =	vor.u32 v3, v4  }
0x24: {  	v4 =	vperm.xlane v3, v0;
	_ =	sdelay $0x1  }
0x25: {  	v4 =	vadd.s32 v1, v4;
	_ =	sdelay $0x4  }
0x26: {  	[hbm4b:s3+s2] =	stream.indirect_vreg.scatter [tilespmem:s0], [sflag:$0x1], $0x80, v4, vm0, $0xb8;
	[tilespmem:$0x12100] =	vst v63  }
0x27: {  	s30 =	simm.s32 $0x900  }
0x28: {  	[hbm4b:s4+s2] =	stream.indirect_vreg.scatter [tilespmem:s30], [sflag:$0x1], $0x80, v4, vm0, $0xb8;
	[tilespmem:$0x12100] =	vst v63  }
0x29: {  	s31 =	simm.s32 $0x1100;
	v3 =	vperm.xlane v3, v2  }
0x2a: {  	[hbm4b:s5+s2] =	stream.indirect_vreg.scatter [tilespmem:s31], [sflag:$0x1], $0x80, v4, vm0, $0xb8;
	[tilespmem:$0x12100] =	vst v63  }
0x2b: {  	s1 =	simm.s32 $0x1900;
	v3 =	vadd.s32 v1, v3  }
0x2c: {  	[hbm4b:s6+s2] =	stream.indirect_vreg.scatter [tilespmem:s1], [sflag:$0x1], $0x80, v4, vm0, $0xb8;
	[tilespmem:$0x12100] =	vst v63  }
0x2d: {  	s10 =	simm.s32 $0x2100  }
0x2e: {  	[hbm4b:s7+s2] =	stream.indirect_vreg.scatter [tilespmem:s10], [sflag:$0x1], $0x80, v4, vm1, $0xb8;
	[tilespmem:$0x12100] =	vst v63  }
0x2f: {  	_ = 	snop  }
0x30: {  	[hbm4b:s3+s2] =	stream.indirect_vreg.scatter [tilespmem:s11], [sflag:$0x1], $0x80, v3, vm0, $0xb8;
	[tilespmem:$0x12100] =	vst v63  }
0x31: {  	_ = 	snop  }
0x32: {  	[hbm4b:s4+s2] =	stream.indirect_vreg.scatter [tilespmem:s12], [sflag:$0x1], $0x80, v3, vm0, $0xb8;
	[tilespmem:$0x12100] =	vst v63  }
0x33: {  	_ = 	snop  }
0x34: {  	[hbm4b:s5+s2] =	stream.indirect_vreg.scatter [tilespmem:s13], [sflag:$0x1], $0x80, v3, vm0, $0xb8;
	[tilespmem:$0x12100] =	vst v63  }
0x35: {  	_ = 	snop  }
0x36: {  	[hbm4b:s6+s2] =	stream.indirect_vreg.scatter [tilespmem:s14], [sflag:$0x1], $0x80, v3, vm0, $0xb8;
	[tilespmem:$0x12100] =	vst v63  }
0x37: {  	_ = 	snop  }
0x38: {  	[hbm4b:s7+s2] =	stream.indirect_vreg.scatter [tilespmem:s15], [sflag:$0x1], $0x80, v3, vm1, $0xb8;
	[tilespmem:$0x12100] =	vst v63  }
0x39: {  	v3 =	vld [tilespmem:$0x10];
	_ =	sdelay $0x4  }
0x3a: {  	v57 =	vshrl.u32 v3, $0x3  }
0x3b: {  	v4 =	vmul.u32 $0x48, v57  }
0x3c: {  	v3 =	vand.u32 $0x7, v3  }
0x3d: {  	v3 =	vor.u32 v3, v4  }
0x3e: {  	v4 =	vperm.xlane v3, v0;
	_ =	sdelay $0x1  }
0x3f: {  	v4 =	vadd.s32 v1, v4;
	_ =	sdelay $0x4  }
0x40: {  	[hbm4b:s3+s2] =	stream.indirect_vreg.scatter [tilespmem:s16], [sflag:$0x1], $0x80, v4, vm0, $0xb8;
	[tilespmem:$0x12100] =	vst v63  }
0x41: {  	_ = 	snop  }
0x42: {  	[hbm4b:s4+s2] =	stream.indirect_vreg.scatter [tilespmem:s17], [sflag:$0x1], $0x80, v4, vm0, $0xb8;
	[tilespmem:$0x12100] =	vst v63  }
0x43: {  	v3 =	vperm.xlane v3, v2  }
0x44: {  	[hbm4b:s5+s2] =	stream.indirect_vreg.scatter [tilespmem:s18], [sflag:$0x1], $0x80, v4, vm0, $0xb8;
	[tilespmem:$0x12100] =	vst v63  }
0x45: {  	v3 =	vadd.s32 v1, v3  }
0x46: {  	[hbm4b:s6+s2] =	stream.indirect_vreg.scatter [tilespmem:s19], [sflag:$0x1], $0x80, v4, vm0, $0xb8;
	[tilespmem:$0x12100] =	vst v63  }
0x47: {  	_ = 	snop  }
0x48: {  	[hbm4b:s7+s2] =	stream.indirect_vreg.scatter [tilespmem:s20], [sflag:$0x1], $0x80, v4, vm1, $0xb8;
	[tilespmem:$0x12100] =	vst v63  }
0x49: {  	_ = 	snop  }
0x4a: {  	[hbm4b:s3+s2] =	stream.indirect_vreg.scatter [tilespmem:s21], [sflag:$0x1], $0x80, v3, vm0, $0xb8;
	[tilespmem:$0x12100] =	vst v63  }
0x4b: {  	_ = 	snop  }
0x4c: {  	[hbm4b:s4+s2] =	stream.indirect_vreg.scatter [tilespmem:s22], [sflag:$0x1], $0x80, v3, vm0, $0xb8;
	[tilespmem:$0x12100] =	vst v63  }
0x4d: {  	_ = 	snop  }
0x4e: {  	[hbm4b:s5+s2] =	stream.indirect_vreg.scatter [tilespmem:s23], [sflag:$0x1], $0x80, v3, vm0, $0xb8;
	[tilespmem:$0x12100] =	vst v63  }
0x4f: {  	_ = 	snop  }
0x50: {  	[hbm4b:s6+s2] =	stream.indirect_vreg.scatter [tilespmem:s24], [sflag:$0x1], $0x80, v3, vm0, $0xb8;
	[tilespmem:$0x12100] =	vst v63  }
0x51: {  	_ = 	snop  }
0x52: {  	[hbm4b:s7+s2] =	stream.indirect_vreg.scatter [tilespmem:s25], [sflag:$0x1], $0x80, v3, vm1, $0xb8;
	[tilespmem:$0x12100] =	vst v63  }
0x53: {  	v3 =	vld [tilespmem:$0x20];
	_ =	sdelay $0x4  }
0x54: {  	v58 =	vshrl.u32 v3, $0x3  }
0x55: {  	v4 =	vmul.u32 $0x48, v58  }
0x56: {  	v3 =	vand.u32 $0x7, v3  }
0x57: {  	v3 =	vor.u32 v3, v4  }
0x58: {  	v4 =	vperm.xlane v3, v0;
	_ =	sdelay $0x1  }
0x59: {  	v4 =	vadd.s32 v1, v4;
	_ =	sdelay $0x4  }
0x5a: {  	[hbm4b:s3+s2] =	stream.indirect_vreg.scatter [tilespmem:s26], [sflag:$0x1], $0x80, v4, vm0, $0xb8;
	[tilespmem:$0x12100] =	vst v63  }
0x5b: {  	_ = 	snop  }
0x5c: {  	[hbm4b:s4+s2] =	stream.indirect_vreg.scatter [tilespmem:s28], [sflag:$0x1], $0x80, v4, vm0, $0xb8;
	[tilespmem:$0x12100] =	vst v63  }
0x5d: {  	s10 =	simm.s32 $0xA100;
	v3 =	vperm.xlane v3, v2  }
0x5e: {  	[hbm4b:s5+s2] =	stream.indirect_vreg.scatter [tilespmem:s10], [sflag:$0x1], $0x80, v4, vm0, $0xb8;
	[tilespmem:$0x12100] =	vst v63  }
0x5f: {  	s1 =	simm.s32 $0xA900;
	v3 =	vadd.s32 v1, v3  }
0x60: {  	[hbm4b:s6+s2] =	stream.indirect_vreg.scatter [tilespmem:s1], [sflag:$0x1], $0x80, v4, vm0, $0xb8;
	[tilespmem:$0x12100] =	vst v63  }
0x61: {  	s1 =	simm.s32 $0xB100  }
0x62: {  	[hbm4b:s7+s2] =	stream.indirect_vreg.scatter [tilespmem:s1], [sflag:$0x1], $0x80, v4, vm1, $0xb8;
	[tilespmem:$0x12100] =	vst v63  }
0x63: {  	s1 =	simm.s32 $0xB500  }
0x64: {  	[hbm4b:s3+s2] =	stream.indirect_vreg.scatter [tilespmem:s1], [sflag:$0x1], $0x80, v3, vm0, $0xb8;
	[tilespmem:$0x12100] =	vst v63  }
0x65: {  	s1 =	simm.s32 $0xBD00  }
0x66: {  	[hbm4b:s4+s2] =	stream.indirect_vreg.scatter [tilespmem:s1], [sflag:$0x1], $0x80, v3, vm0, $0xb8;
	[tilespmem:$0x12100] =	vst v63  }
0x67: {  	s1 =	simm.s32 $0xC500  }
0x68: {  	[hbm4b:s5+s2] =	stream.indirect_vreg.scatter [tilespmem:s1], [sflag:$0x1], $0x80, v3, vm0, $0xb8;
	[tilespmem:$0x12100] =	vst v63  }
0x69: {  	s1 =	simm.s32 $0xCD00  }
0x6a: {  	[hbm4b:s6+s2] =	stream.indirect_vreg.scatter [tilespmem:s1], [sflag:$0x1], $0x80, v3, vm0, $0xb8;
	[tilespmem:$0x12100] =	vst v63  }
0x6b: {  	s1 =	simm.s32 $0xD500  }
0x6c: {  	[hbm4b:s7+s2] =	stream.indirect_vreg.scatter [tilespmem:s1], [sflag:$0x1], $0x80, v3, vm1, $0xb8;
	[tilespmem:$0x12100] =	vst v63  }
0x6d: {  	v3 =	vld [tilespmem:$0x30];
	_ =	sdelay $0x4  }
0x6e: {  	v59 =	vshrl.u32 v3, $0x3  }
0x6f: {  	v4 =	vmul.u32 $0x48, v59  }
0x70: {  	v3 =	vand.u32 $0x7, v3  }
0x71: {  	v3 =	vor.u32 v3, v4  }
0x72: {  	v4 =	vperm.xlane v3, v0;
	_ =	sdelay $0x1  }
0x73: {  	v4 =	vadd.s32 v1, v4;
	_ =	sdelay $0x3  }
0x74: {  	s1 =	simm.s32 $0xD900  }
0x75: {  	[hbm4b:s3+s2] =	stream.indirect_vreg.scatter [tilespmem:s1], [sflag:$0x1], $0x80, v4, vm0, $0xb8;
	[tilespmem:$0x12100] =	vst v63  }
0x76: {  	s1 =	simm.s32 $0xE100  }
0x77: {  	[hbm4b:s4+s2] =	stream.indirect_vreg.scatter [tilespmem:s1], [sflag:$0x1], $0x80, v4, vm0, $0xb8;
	[tilespmem:$0x12100] =	vst v63  }
0x78: {  	v3 =	vperm.xlane v3, v2;
	s1 =	simm.s32 $0xE900  }
0x79: {  	[hbm4b:s5+s2] =	stream.indirect_vreg.scatter [tilespmem:s1], [sflag:$0x1], $0x80, v4, vm0, $0xb8;
	[tilespmem:$0x12100] =	vst v63  }
0x7a: {  	v3 =	vadd.s32 v1, v3;
	s1 =	simm.s32 $0xF100  }
0x7b: {  	[hbm4b:s6+s2] =	stream.indirect_vreg.scatter [tilespmem:s1], [sflag:$0x1], $0x80, v4, vm0, $0xb8;
	[tilespmem:$0x12100] =	vst v63  }
0x7c: {  	s1 =	simm.s32 $0xF900  }
0x7d: {  	[hbm4b:s7+s2] =	stream.indirect_vreg.scatter [tilespmem:s1], [sflag:$0x1], $0x80, v4, vm1, $0xb8;
	[tilespmem:$0x12100] =	vst v63  }
0x7e: {  	s1 =	simm.s32 $0xFD00  }
0x7f: {  	[hbm4b:s3+s2] =	stream.indirect_vreg.scatter [tilespmem:s1], [sflag:$0x1], $0x80, v3, vm0, $0xb8;
	[tilespmem:$0x12100] =	vst v63  }
0x80: {  	s1 =	simm.s32 $0x10500  }
0x81: {  	[hbm4b:s4+s2] =	stream.indirect_vreg.scatter [tilespmem:s1], [sflag:$0x1], $0x80, v3, vm0, $0xb8;
	[tilespmem:$0x12100] =	vst v63  }
0x82: {  	s1 =	simm.s32 $0x10D00  }
0x83: {  	[hbm4b:s5+s2] =	stream.indirect_vreg.scatter [tilespmem:s1], [sflag:$0x1], $0x80, v3, vm0, $0xb8;
	[tilespmem:$0x12100] =	vst v63  }
0x84: {  	s1 =	simm.s32 $0x11500  }
0x85: {  	[hbm4b:s6+s2] =	stream.indirect_vreg.scatter [tilespmem:s1], [sflag:$0x1], $0x80, v3, vm0, $0xb8;
	[tilespmem:$0x12100] =	vst v63  }
0x86: {  	s1 =	simm.s32 $0x11D00  }
0x87: {  	[hbm4b:s7+s2] =	stream.indirect_vreg.scatter [tilespmem:s1], [sflag:$0x1], $0x80, v3, vm1, $0xb8;
	[tilespmem:$0x12100] =	vst v63  }
0x88: {  	_ =	swait.ge [sflag:s29], $0x12000  }
0x89: {  	[sflag:s29] =	ssyncset.done $0x0  }
0x8a: {  	[sflag:s29] =	ssyncadd.s32 $0xFFFEE000  }
0x8b: {  	v3 =	vld [tilespmem:$0x80];
	_ =	sdelay $0x4  }
0x8c: {  	v60 =	vshrl.u32 v3, $0x3  }
0x8d: {  	v4 =	vmul.u32 $0x48, v60  }
0x8e: {  	v3 =	vand.u32 $0x7, v3  }
0x8f: {  	v3 =	vor.u32 v3, v4  }
0x90: {  	v4 =	vperm.xlane v3, v0;
	_ =	sdelay $0x1  }
0x91: {  	v4 =	vadd.s32 v1, v4;
	_ =	sdelay $0x4  }
0x92: {  	[hbm4b:s3+s2] =	stream.indirect_vreg.scatter [tilespmem:s0], [sflag:$0x1], $0x80, v4, vm0, $0xb8;
	[tilespmem:$0x12100] =	vst v63  }
0x93: {  	_ = 	snop  }
0x94: {  	[hbm4b:s4+s2] =	stream.indirect_vreg.scatter [tilespmem:s30], [sflag:$0x1], $0x80, v4, vm0, $0xb8;
	[tilespmem:$0x12100] =	vst v63  }
0x95: {  	v3 =	vperm.xlane v3, v2  }
0x96: {  	[hbm4b:s5+s2] =	stream.indirect_vreg.scatter [tilespmem:s31], [sflag:$0x1], $0x80, v4, vm0, $0xb8;
	[tilespmem:$0x12100] =	vst v63  }
0x97: {  	v3 =	vadd.s32 v1, v3;
	s31 =	simm.s32 $0x1900  }
0x98: {  	[hbm4b:s6+s2] =	stream.indirect_vreg.scatter [tilespmem:s31], [sflag:$0x1], $0x80, v4, vm0, $0xb8;
	[tilespmem:$0x12100] =	vst v63  }
0x99: {  	s30 =	simm.s32 $0x2100  }
0x9a: {  	[hbm4b:s7+s2] =	stream.indirect_vreg.scatter [tilespmem:s30], [sflag:$0x1], $0x80, v4, vm1, $0xb8;
	[tilespmem:$0x12100] =	vst v63  }
0x9b: {  	_ = 	snop  }
0x9c: {  	[hbm4b:s3+s2] =	stream.indirect_vreg.scatter [tilespmem:s11], [sflag:$0x1], $0x80, v3, vm0, $0xb8;
	[tilespmem:$0x12100] =	vst v63  }
0x9d: {  	_ = 	snop  }
0x9e: {  	[hbm4b:s4+s2] =	stream.indirect_vreg.scatter [tilespmem:s12], [sflag:$0x1], $0x80, v3, vm0, $0xb8;
	[tilespmem:$0x12100] =	vst v63  }
0x9f: {  	_ = 	snop  }
0xa0: {  	[hbm4b:s5+s2] =	stream.indirect_vreg.scatter [tilespmem:s13], [sflag:$0x1], $0x80, v3, vm0, $0xb8;
	[tilespmem:$0x12100] =	vst v63  }
0xa1: {  	_ = 	snop  }
0xa2: {  	[hbm4b:s6+s2] =	stream.indirect_vreg.scatter [tilespmem:s14], [sflag:$0x1], $0x80, v3, vm0, $0xb8;
	[tilespmem:$0x12100] =	vst v63  }
0xa3: {  	_ = 	snop  }
0xa4: {  	[hbm4b:s7+s2] =	stream.indirect_vreg.scatter [tilespmem:s15], [sflag:$0x1], $0x80, v3, vm1, $0xb8;
	[tilespmem:$0x12100] =	vst v63  }
0xa5: {  	v3 =	vld [tilespmem:$0x90];
	_ =	sdelay $0x4  }
0xa6: {  	v61 =	vshrl.u32 v3, $0x3  }
0xa7: {  	v4 =	vmul.u32 $0x48, v61  }
0xa8: {  	v3 =	vand.u32 $0x7, v3  }
0xa9: {  	v3 =	vor.u32 v3, v4  }
0xaa: {  	v4 =	vperm.xlane v3, v0;
	_ =	sdelay $0x1  }
0xab: {  	v4 =	vadd.s32 v1, v4;
	_ =	sdelay $0x4  }
0xac: {  	[hbm4b:s3+s2] =	stream.indirect_vreg.scatter [tilespmem:s16], [sflag:$0x1], $0x80, v4, vm0, $0xb8;
	[tilespmem:$0x12100] =	vst v63  }
0xad: {  	_ = 	snop  }
0xae: {  	[hbm4b:s4+s2] =	stream.indirect_vreg.scatter [tilespmem:s17], [sflag:$0x1], $0x80, v4, vm0, $0xb8;
	[tilespmem:$0x12100] =	vst v63  }
0xaf: {  	v3 =	vperm.xlane v3, v2  }
0xb0: {  	[hbm4b:s5+s2] =	stream.indirect_vreg.scatter [tilespmem:s18], [sflag:$0x1], $0x80, v4, vm0, $0xb8;
	[tilespmem:$0x12100] =	vst v63  }
0xb1: {  	v3 =	vadd.s32 v1, v3  }
0xb2: {  	[hbm4b:s6+s2] =	stream.indirect_vreg.scatter [tilespmem:s19], [sflag:$0x1], $0x80, v4, vm0, $0xb8;
	[tilespmem:$0x12100] =	vst v63  }
0xb3: {  	_ = 	snop  }
0xb4: {  	[hbm4b:s7+s2] =	stream.indirect_vreg.scatter [tilespmem:s20], [sflag:$0x1], $0x80, v4, vm1, $0xb8;
	[tilespmem:$0x12100] =	vst v63  }
0xb5: {  	_ = 	snop  }
0xb6: {  	[hbm4b:s3+s2] =	stream.indirect_vreg.scatter [tilespmem:s21], [sflag:$0x1], $0x80, v3, vm0, $0xb8;
	[tilespmem:$0x12100] =	vst v63  }
0xb7: {  	_ = 	snop  }
0xb8: {  	[hbm4b:s4+s2] =	stream.indirect_vreg.scatter [tilespmem:s22], [sflag:$0x1], $0x80, v3, vm0, $0xb8;
	[tilespmem:$0x12100] =	vst v63  }
0xb9: {  	_ = 	snop  }
0xba: {  	[hbm4b:s5+s2] =	stream.indirect_vreg.scatter [tilespmem:s23], [sflag:$0x1], $0x80, v3, vm0, $0xb8;
	[tilespmem:$0x12100] =	vst v63  }
0xbb: {  	_ = 	snop  }
0xbc: {  	[hbm4b:s6+s2] =	stream.indirect_vreg.scatter [tilespmem:s24], [sflag:$0x1], $0x80, v3, vm0, $0xb8;
	[tilespmem:$0x12100] =	vst v63  }
0xbd: {  	_ = 	snop  }
0xbe: {  	[hbm4b:s7+s2] =	stream.indirect_vreg.scatter [tilespmem:s25], [sflag:$0x1], $0x80, v3, vm1, $0xb8;
	[tilespmem:$0x12100] =	vst v63  }
0xbf: {  	v3 =	vld [tilespmem:$0xA0];
	_ =	sdelay $0x4  }
0xc0: {  	v62 =	vshrl.u32 v3, $0x3  }
0xc1: {  	v4 =	vmul.u32 $0x48, v62  }
0xc2: {  	v3 =	vand.u32 $0x7, v3  }
0xc3: {  	v3 =	vor.u32 v3, v4  }
0xc4: {  	v4 =	vperm.xlane v3, v0;
	_ =	sdelay $0x1  }
0xc5: {  	v4 =	vadd.s32 v1, v4;
	_ =	sdelay $0x4  }
0xc6: {  	[hbm4b:s3+s2] =	stream.indirect_vreg.scatter [tilespmem:s26], [sflag:$0x1], $0x80, v4, vm0, $0xb8;
	[tilespmem:$0x12100] =	vst v63  }
0xc7: {  	_ = 	snop  }
0xc8: {  	[hbm4b:s4+s2] =	stream.indirect_vreg.scatter [tilespmem:s28], [sflag:$0x1], $0x80, v4, vm0, $0xb8;
	[tilespmem:$0x12100] =	vst v63  }
0xc9: {  	v3 =	vperm.xlane v3, v2  }
0xca: {  	[hbm4b:s5+s2] =	stream.indirect_vreg.scatter [tilespmem:s10], [sflag:$0x1], $0x80, v4, vm0, $0xb8;
	[tilespmem:$0x12100] =	vst v63  }
0xcb: {  	s31 =	simm.s32 $0xA900;
	v3 =	vadd.s32 v1, v3  }
0xcc: {  	[hbm4b:s6+s2] =	stream.indirect_vreg.scatter [tilespmem:s31], [sflag:$0x1], $0x80, v4, vm0, $0xb8;
	[tilespmem:$0x12100] =	vst v63  }
0xcd: {  	s10 =	simm.s32 $0xB100  }
0xce: {  	[hbm4b:s7+s2] =	stream.indirect_vreg.scatter [tilespmem:s10], [sflag:$0x1], $0x80, v4, vm1, $0xb8;
	[tilespmem:$0x12100] =	vst v63  }
0xcf: {  	s30 =	simm.s32 $0xB500  }
0xd0: {  	[hbm4b:s3+s2] =	stream.indirect_vreg.scatter [tilespmem:s30], [sflag:$0x1], $0x80, v3, vm0, $0xb8;
	[tilespmem:$0x12100] =	vst v63  }
0xd1: {  	s31 =	simm.s32 $0xBD00  }
0xd2: {  	[hbm4b:s4+s2] =	stream.indirect_vreg.scatter [tilespmem:s31], [sflag:$0x1], $0x80, v3, vm0, $0xb8;
	[tilespmem:$0x12100] =	vst v63  }
0xd3: {  	s10 =	simm.s32 $0xC500  }
0xd4: {  	[hbm4b:s5+s2] =	stream.indirect_vreg.scatter [tilespmem:s10], [sflag:$0x1], $0x80, v3, vm0, $0xb8;
	[tilespmem:$0x12100] =	vst v63  }
0xd5: {  	s30 =	simm.s32 $0xCD00  }
0xd6: {  	[hbm4b:s6+s2] =	stream.indirect_vreg.scatter [tilespmem:s30], [sflag:$0x1], $0x80, v3, vm0, $0xb8;
	[tilespmem:$0x12100] =	vst v63  }
0xd7: {  	s31 =	simm.s32 $0xD500  }
0xd8: {  	[hbm4b:s7+s2] =	stream.indirect_vreg.scatter [tilespmem:s31], [sflag:$0x1], $0x80, v3, vm1, $0xb8;
	[tilespmem:$0x12100] =	vst v63  }
0xd9: {  	v3 =	vld [tilespmem:$0xB0];
	_ =	sdelay $0x4  }
0xda: {  	v63 =	vshrl.u32 v3, $0x3  }
0xdb: {  	v4 =	vmul.u32 $0x48, v63  }
0xdc: {  	v3 =	vand.u32 $0x7, v3  }
0xdd: {  	v3 =	vor.u32 v3, v4  }
0xde: {  	v4 =	vperm.xlane v3, v0;
	_ =	sdelay $0x1  }
0xdf: {  	v4 =	vadd.s32 v1, v4;
	_ =	sdelay $0x3  }
0xe0: {  	s10 =	simm.s32 $0xD900  }
0xe1: {  	[hbm4b:s3+s2] =	stream.indirect_vreg.scatter [tilespmem:s10], [sflag:$0x1], $0x80, v4, vm0, $0xb8;
	[tilespmem:$0x12100] =	vst v63  }
0xe2: {  	s30 =	simm.s32 $0xE100  }
0xe3: {  	[hbm4b:s4+s2] =	stream.indirect_vreg.scatter [tilespmem:s30], [sflag:$0x1], $0x80, v4, vm0, $0xb8;
	[tilespmem:$0x12100] =	vst v63  }
0xe4: {  	s31 =	simm.s32 $0xE900;
	v3 =	vperm.xlane v3, v2  }
0xe5: {  	[hbm4b:s5+s2] =	stream.indirect_vreg.scatter [tilespmem:s31], [sflag:$0x1], $0x80, v4, vm0, $0xb8;
	[tilespmem:$0x12100] =	vst v63  }
0xe6: {  	v3 =	vadd.s32 v1, v3;
	s10 =	simm.s32 $0xF100  }
0xe7: {  	[hbm4b:s6+s2] =	stream.indirect_vreg.scatter [tilespmem:s10], [sflag:$0x1], $0x80, v4, vm0, $0xb8;
	[tilespmem:$0x12100] =	vst v63  }
0xe8: {  	s30 =	simm.s32 $0xF900  }
0xe9: {  	[hbm4b:s7+s2] =	stream.indirect_vreg.scatter [tilespmem:s30], [sflag:$0x1], $0x80, v4, vm1, $0xb8;
	[tilespmem:$0x12100] =	vst v63  }
0xea: {  	s31 =	simm.s32 $0xFD00  }
0xeb: {  	[hbm4b:s3+s2] =	stream.indirect_vreg.scatter [tilespmem:s31], [sflag:$0x1], $0x80, v3, vm0, $0xb8;
	[tilespmem:$0x12100] =	vst v63  }
0xec: {  	s10 =	simm.s32 $0x10500  }
0xed: {  	[hbm4b:s4+s2] =	stream.indirect_vreg.scatter [tilespmem:s10], [sflag:$0x1], $0x80, v3, vm0, $0xb8;
	[tilespmem:$0x12100] =	vst v63  }
0xee: {  	s30 =	simm.s32 $0x10D00  }
0xef: {  	[hbm4b:s5+s2] =	stream.indirect_vreg.scatter [tilespmem:s30], [sflag:$0x1], $0x80, v3, vm0, $0xb8;
	[tilespmem:$0x12100] =	vst v63  }
0xf0: {  	p0 =	sne.s32 s8, $0x1;
	s31 =	simm.s32 $0x11500  }
0xf1: {  	[hbm4b:s6+s2] =	stream.indirect_vreg.scatter [tilespmem:s31], [sflag:$0x1], $0x80, v3, vm0, $0xb8;
	[tilespmem:$0x12100] =	vst v63  }
.Ltmp0:
0xf2: {  	s1 =	simm.s32 $0x11D00;
	(pc) =	sbr.rel @p0 .LBB2_1-.Ltmp0, $4  }
0xf3: {  	[hbm4b:s7+s2] =	stream.indirect_vreg.scatter [tilespmem:s1], [sflag:$0x1], $0x80, v3, vm1, $0xb8;
	[tilespmem:$0x12100] =	vst v63  }
0xf4: {  	_ =	swait.ge [sflag:s29], $0x12000  }
0xf5: {  	[sflag:s29] =	ssyncset.done $0x0  }
0xf6: {  	s8 =	sadd.s32 $0xFFFFFFFF, s8;
	[sflag:s29] =	ssyncadd.s32 $0xFFFEE000  }
0xf7: {  	_ =	sfence.sel $0x180000  }
0xf8: {  	[bflag:$0x0] =	sbarrier.arrive $0xFFFF  }
0xf9: {  	_ =	strace $0x90000047  }
0xfa: {  	s0 =	stileid.u32;
	[bflag:$0x2] =	sbarrier.arrive $0xFFFF  }
0xfb: {  	p0 =	sne.s32 s0, $0x0;
	s0 =	rddreg [dreg:$0x1]  }
0xfc: {  	s0 =	sadd.s32 @!p0 $0x100000, s0  }
0xfd: {  	[sflag:s0] =	ssyncadd.tile.s32 @!p0 $0x1;
	_ =	shalt  }
.Lfunc_end2:
_tile_overlayer_lowered:
.L_overlay_start_2:
0xfe: {  	(tag) =	ssettag $0x2  }
0xff: {  	s0 =	rddreg [dreg:$0x0];
	s2 =	stileid.u32  }
0x100: {  	s1 =	rddreg [dreg:$0x1];
	p0 =	sne.s32 s2, $0x0  }
0x101: {  	s3 =	rddreg [dreg:$0x2];
	[bflag:$0x3] =	sbarrier.arrive $0xFFFF;
	s2 =	simm.s32 @!p0 $0x1C02  }
0x102: {  	[timem:s3], [sflag:s2] =	dma.local @!p0 [hbm:s0], s1  }
0x103: {  	s0 =	simm.s32 @!p0 $0x2  }
0x104: {  	_ =	swait.ge @!p0 [sflag:s0], s1  }
0x105: {  	s1 =	ssub.s32 @!p0 $0x0, s1;
	[sflag:s0] =	ssyncset.done @!p0 $0x0  }
0x106: {  	[sflag:s0] =	ssyncadd.s32 @!p0 s1  }
0x107: {  	[bflag:$0x3] =	sbarrier.arrive $0xFFFF  }
0x108: {  	_ =	shalt  }

// kernel: kernel.9.cloned.1.call-start
scs
__scs_entry_jumppad:
0x0: {  	(pc) =	sbr.rel $0x88, $3  }
0x1: {  	(tag) =	ssettag $0x0;
	lr =	simm.s32 $0x1  }
0x2: {  	[smem:$0x3F9A] =	sst lr;
	_ =	strace $0xD0000000  }
0x3: {  	_ = 	snop  }
0x4: {  	_ = 	snop  }
0x5: {  	_ = 	snop  }
0x6: {  	_ = 	snop  }
0x7: {  	_ = 	snop  }
__scs_overlays_trampoline_lowered:
0x8: {  	[smem:$0x3FA9] =	sst s0  }
0x9: {  	[smem:$0x3FAA] =	sst s1  }
0xa: {  	[smem:$0x3FAB] =	sst s2  }
0xb: {  	[smem:$0x3FAC] =	sst s3  }
0xc: {  	[smem:$0x3FAD] =	sst s4  }
0xd: {  	[smem:$0x3FAE] =	sst s5  }
0xe: {  	[smem:$0x3FAF] =	sst s6  }
0xf: {  	[smem:$0x3FB0] =	sst s7  }
0x10: {  	[smem:$0x3FB1] =	sst s8  }
0x11: {  	[smem:$0x3FB2] =	sst s9;
	s0 =	simm.s32 @!p0 $0x0  }
0x12: {  	s1 =	sld [smem:$0x3F98];
	s0 =	simm.s32 @p0 $0x1  }
0x13: {  	[smem:$0x3FB3] =	sst s0;
	s0 =	simm.s32 @!p1 $0x0  }
0x14: {  	s2 =	sld [smem:$0x3F97];
	s0 =	simm.s32 @p1 $0x1  }
0x15: {  	[smem:$0x3FB4] =	sst s0;
	s0 =	simm.s32 @!p2 $0x0  }
0x16: {  	s3 =	sld [smem:$0x3FDB];
	s0 =	simm.s32 @p2 $0x1  }
0x17: {  	s4 =	simm.s32 $0x1BF5;
	[smem:$0x3FB6] =	sst s0  }
0x18: {  	s0 =	sld [smem:$0x3F99];
	_ =	swait.ge [sflag:s4], $0x0  }
0x19: {  	s7 =	sld [smem:$0x3F9A]  }
0x1a: {  	s8 =	sadd.s32 $0xFFFFE003, lr  }
0x1b: {  	s9 =	sadd.s32 $0xFFFFFEF7, lr;
	s5 =	simm.s32 $0xFFFFFFFF;
	p2 =	slt.u32 s8, $0xFFFFF086  }
0x1c: {  	p1 =	slt.u32 s9, $0xF7A;
	s5 =	simm.s32 @!p2 $0x0  }
0x1d: {  	s5 =	simm.s32 @p1 $0x1;
	p0 =	seq.s32 s7, s2  }
0x1e: {  	s7 =	smul.u32 @!p0 $0xF7A, s2;
	p2 =	seq.s32 @!p0 s5, $0x0  }
0x1f: {  	s9 =	smul.u32 $0xF7A, s1;
	s8 =	simm.s32 @!p0 $0x1BF5;
	p2 =	por !p2, p0  }
0x20: {  	[sflag:s8] =	ssyncset.s32 @!p0 $0xFFFFF086;
	s6 =	sadd.s32 @!p0 s3, s7;
	s7 =	simm.s32 @!p0 $0x108  }
0x21: {  	s3 =	sadd.s32 s3, s9;
	s6 =	sadd.s32 @!p0 $0x88, s6;
	s7 =	simm.s32 @p2 $0x1082  }
0x22: {  	[simem:s7], [sflag:s8] =	dma.local @!p0 [hbm:s6], $0xF7A  }
0x23: {  	s9 =	sor.u32 $0xD0000000, s2;
	s6 =	simm.s32 $0x108;
	_ =	swait.ge @!p0 [sflag:s8], $0x0  }
0x24: {  	s3 =	sadd.s32 $0x88, s3;
	s6 =	simm.s32 @!p1 $0x1082;
	[sflag:s4] =	ssyncset.s32 $0xFFFFF086  }
0x25: {  	[simem:s6], [sflag:s4] =	dma.local [hbm:s3], $0xF7A  }
0x26: {  	[smem:$0x3F9A] =	sst s1;
	(tag) =	ssettag s2;
	_ =	strace s9  }
0x27: {  	s1 =	sld [smem:$0x3FAA]  }
0x28: {  	s2 =	sld [smem:$0x3FAB]  }
0x29: {  	s4 =	sld [smem:$0x3FAD]  }
0x2a: {  	p0 =	seq.s32 s5, $0x0;
	s5 =	sld [smem:$0x3FAE]  }
0x2b: {  	s6 =	sld [smem:$0x3FAF]  }
0x2c: {  	s7 =	sld [smem:$0x3FB0]  }
0x2d: {  	s3 =	simm.s32 $0x108;
	s8 =	sld [smem:$0x3FB1]  }
0x2e: {  	s3 =	simm.s32 @!p0 $0x1082;
	s9 =	sld [smem:$0x3FB2]  }
0x2f: {  	lr =	sadd.s32 s0, s3;
	s0 =	sld [smem:$0x3FA9]  }
0x30: {  	s3 =	sld [smem:$0x3FAC]  }
0x31: {  	[smem:$0x3FB5] =	sst s10  }
0x32: {  	s10 =	sld [smem:$0x3FB3];
	_ =	sdelay $0x3  }
0x33: {  	p0 =	seq.s32 s10, $0x1;
	s10 =	sld [smem:$0x3FB5];
	_ =	sdelay $0x3  }
0x34: {  	[smem:$0x3FB5] =	sst s10  }
0x35: {  	s10 =	sld [smem:$0x3FB4];
	_ =	sdelay $0x3  }
0x36: {  	p1 =	seq.s32 s10, $0x1;
	s10 =	sld [smem:$0x3FB5];
	_ =	sdelay $0x3  }
0x37: {  	[smem:$0x3FB5] =	sst s10  }
0x38: {  	s10 =	sld [smem:$0x3FB6]  }
0x39: {  	_ = 	snop;
	(pc) =	sbr.ind lr, $3  }
0x3a: {  	_ = 	snop  }
0x3b: {  	_ = 	snop  }
0x3c: {  	p2 =	seq.s32 s10, $0x1;
	s10 =	sld [smem:$0x3FB5]  }
0x3d: {  	_ =	shalt  }
0x3e: {  	_ =	shalt  }
0x3f: {  	_ =	shalt  }
0x40: {  	_ =	shalt  }
0x41: {  	_ =	shalt  }
0x42: {  	_ =	shalt  }
0x43: {  	_ =	shalt  }
0x44: {  	_ =	shalt  }
0x45: {  	_ =	shalt  }
0x46: {  	_ =	shalt  }
0x47: {  	_ =	shalt  }
0x48: {  	_ =	shalt  }
0x49: {  	_ =	shalt  }
0x4a: {  	_ =	shalt  }
0x4b: {  	_ =	shalt  }
0x4c: {  	_ =	shalt  }
0x4d: {  	_ =	shalt  }
0x4e: {  	_ =	shalt  }
0x4f: {  	_ =	shalt  }
0x50: {  	_ =	shalt  }
0x51: {  	_ =	shalt  }
0x52: {  	_ =	shalt  }
0x53: {  	_ =	shalt  }
0x54: {  	_ =	shalt  }
0x55: {  	_ =	shalt  }
0x56: {  	_ =	shalt  }
0x57: {  	_ =	shalt  }
0x58: {  	_ =	shalt  }
0x59: {  	_ =	shalt  }
0x5a: {  	_ =	shalt  }
0x5b: {  	_ =	shalt  }
0x5c: {  	_ =	shalt  }
0x5d: {  	_ =	shalt  }
0x5e: {  	_ =	shalt  }
0x5f: {  	_ =	shalt  }
0x60: {  	_ =	shalt  }
0x61: {  	_ =	shalt  }
0x62: {  	_ =	shalt  }
0x63: {  	_ =	shalt  }
0x64: {  	_ =	shalt  }
0x65: {  	_ =	shalt  }
0x66: {  	_ =	shalt  }
0x67: {  	_ =	shalt  }
0x68: {  	_ =	shalt  }
0x69: {  	_ =	shalt  }
0x6a: {  	_ =	shalt  }
0x6b: {  	_ =	shalt  }
0x6c: {  	_ =	shalt  }
0x6d: {  	_ =	shalt  }
0x6e: {  	_ =	shalt  }
0x6f: {  	_ =	shalt  }
0x70: {  	_ =	shalt  }
0x71: {  	_ =	shalt  }
0x72: {  	_ =	shalt  }
0x73: {  	_ =	shalt  }
0x74: {  	_ =	shalt  }
0x75: {  	_ =	shalt  }
0x76: {  	_ =	shalt  }
0x77: {  	_ =	shalt  }
0x78: {  	_ =	shalt  }
0x79: {  	_ =	shalt  }
0x7a: {  	_ =	shalt  }
0x7b: {  	_ =	shalt  }
0x7c: {  	_ =	shalt  }
0x7d: {  	_ =	shalt  }
0x7e: {  	_ =	shalt  }
0x7f: {  	_ =	shalt  }
0x80: {  	_ =	shalt  }
0x81: {  	_ =	shalt  }
0x82: {  	_ =	shalt  }
0x83: {  	_ =	shalt  }
0x84: {  	_ =	shalt  }
0x85: {  	_ =	shalt  }
0x86: {  	_ =	shalt  }
0x87: {  	_ =	shalt  }
.Lfunc_end0:
.L_simem_size_0:
called_computation.1_lowered:
.L_overlay_start_0:
0x88: {  	s2 =	sld [smem:$0x3FD9]  }
0x89: {  	s3 =	sld [smem:$0x3FFE];
	_ =	sdelay $0x1  }
0x8a: {  	s1 =	srdreg.scid  }
0x8b: {  	s0 =	sand.u32 $0x1, s1  }
0x8c: {  	s14 =	sshll.u32 s0, $0xA;
	s2 =	sadd.s32 s3, s2  }
0x8d: {  	s2 =	sadd.s32 s2, s14  }
0x8e: {  	[smem:$0x3FC1] =	sst s2  }
0x8f: {  	_ = 	snop  }
0x90: {  	s2 =	sld [smem:$0x3FD0];
	_ =	sdelay $0x2  }
0x91: {  	s4 =	simm.s32 $0xA;
	s5 =	simm.s32 $0x10;
	s15 =	sld [smem:$0x3FC3]  }
0x92: {  	[smem:s5], [sflag:s4] =	dma.local [hbm:s2], $0x1  }
0x93: {  	_ =	swait.eq [sflag:s4], $0x1  }
0x94: {  	[sflag:s4] =	ssyncset.done $0x0  }
0x95: {  	[sflag:s4] =	ssyncadd.s32 $0xFFFFFFFF  }
0x96: {  	s16 =	sld [smem:$0x10];
	(tm) =	ssettm $0x1  }
0x97: {  	s17 =	sld [smem:$0x3FFB];
	_ =	sdelay $0x3  }
0x98: {  	_ =	strace s17  }
0x99: {  	s4 =	sld [smem:$0x3FFC];
	_ =	sdelay $0x3  }
0x9a: {  	_ =	strace s4  }
0x9b: {  	s4 =	sld [smem:$0x3FFD];
	_ =	sdelay $0x3  }
0x9c: {  	_ =	strace s4  }
0x9d: {  	_ =	strace $0x8FFFFFFF  }
0x9e: {  	s18 =	sld [smem:$0x3FDB];
	_ =	sdelay $0x1  }
0x9f: {  	s19 =	simm.s32 $_scs_section_size  }
0xa0: {  	s6 =	simm.s32 $_size__tile_overlayer_lowered;
	s7 =	simm.s32 $_tile_overlayer_lowered  }
0xa1: {  	s22 =	simm.s32 $0x1BFF;
	s21 =	sshll.u32 s7, $0x1;
	s4 =	sadd.s32 s19, s18  }
0xa2: {  	s8 =	simm.s32 $0x0;
	s20 =	sshll.u32 s6, $0x1;
	s6 =	sadd.s32 s21, s4  }
0xa3: {  	[timem:s8], [sflag:s22] =	dma.local [hbm:s6], s20  }
0xa4: {  	_ =	swait.ge [sflag:s22], s20  }
0xa5: {  	s5 =	ssub.s32 $0x0, s20;
	[sflag:s22] =	ssyncset.done $0x0  }
0xa6: {  	[sflag:s22] =	ssyncadd.s32 s5;
	_ =	sdelay $0x1  }
0xa7: {  	s23 =	simm.s32 $0x1B8B  }
0xa8: {  	_ =	swait.ge [sflag:s23], $0x1  }
0xa9: {  	[sflag:s23] =	ssyncset.done $0x0  }
0xaa: {  	s25 =	simm.s32 $0x1B8E;
	s24 =	sld [smem:$0x3FFE];
	[sflag:s23] =	ssyncadd.s32 $0xFFFFFFFF  }
0xab: {  	s26 =	simm.s32 $execute0_lowered;
	[smem:$0x3FD2] =	sst s25  }
0xac: {  	s6 =	sshll.u32 s26, $0x1;
	_ =	strace $0x80000049;
	[dreg:$0x1] =	wrdreg $0xFFFFFFFF  }
0xad: {  	s28 =	simm.s32 $_size_execute0_lowered;
	s4 =	sadd.s32 s4, s6;
	[dreg:$0x0] =	wrdreg $0x0  }
0xae: {  	s6 =	sshll.u32 s28, $0x1;
	[dreg:$0x2] =	wrdreg s4  }
0xaf: {  	[dreg:$0x3] =	wrdreg s6  }
0xb0: {  	[dreg:$0x4] =	wrdreg $0xC0  }
0xb1: {  	_ =	task [dreg:s8], $0x5FFFF  }
0xb2: {  	[dreg:$0x1] =	wrdreg $0xFFFFFFFF  }
0xb3: {  	[dreg:$0x0] =	wrdreg $0x60  }
0xb4: {  	[dreg:$0x2] =	wrdreg s24  }
0xb5: {  	[dreg:$0x3] =	wrdreg s15  }
0xb6: {  	[dreg:$0x4] =	wrdreg s16  }
0xb7: {  	[dreg:$0x5] =	wrdreg $0x9  }
0xb8: {  	_ =	task.clear_ibuf [dreg:s8], $0x6FFFF;
	_ =	strace $0x90000049  }
0xb9: {  	s29 =	simm.s32 $0x9;
	_ =	strace $0x8000004B  }
0xba: {  	_ =	swait.ge [sflag:s29], $0x1  }
0xbb: {  	[sflag:s29] =	ssyncadd.s32 $0xFFFFFFFF  }
0xbc: {  	_ =	strace $0x9000004B  }
0xbd: {  	_ =	sfence  }
0xbe: {  	s30 =	sld [smem:$0x0];
	_ =	sdelay $0x2  }
0xbf: {  	s31 =	sshll.u32 s1, $0xD;
	s1 =	sshrl.u32 s1, $0x2  }
0xc0: {  	s3 =	sand.u32 $0x4000, s31;
	s1 =	sadd.s32 s1, s30  }
0xc1: {  	s0 =	sor.u32 s3, s0;
	s1 =	sshll.u32 s1, $0x11  }
0xc2: {  	s0 =	sor.u32 s1, s0  }
0xc3: {  	s0 =	sadd.s32 $0x8F2B, s0  }
0xc4: {  	[sflag:s0] =	ssyncadd.remote.s32 $0x1  }
0xc5: {  	_ =	sfence.sel $0xFFFF  }
0xc6: {  	[dreg:$0x0] =	wrdreg $0xFFFFFFFF;
	(pc) =	sbr.abs _section_cstart, $3  }
0xc7: {  	[dreg:$0x1] =	wrdreg $0xFFFFFFFF  }
0xc8: {  	_ =	task.clear_ibuf [dreg:s8], $0x2FFFF;
	_ =	strace $0x9FFFFFFF  }
0xc9: {  	(tm) =	ssettm $0x7FFFFFFF  }
tec
execute0_lowered:
.L_overlay_start_1:
0x0: {  	(tag) =	ssettag $0x1  }
0x1: {  	s0 =	rddreg [dreg:$0x0]  }
0x2: {  	s1 =	rddreg [dreg:$0x2]  }
0x3: {  	s2 =	srdreg.scid;
	s4 =	stileid.u32;
	s3 =	simm.s32 $0x0  }
0x4: {  	s13 =	simm.s32 $0x3;
	s25 =	simm.s32 $0x9100;
	s28 =	simm.s32 $0xA100  }
0x5: {  	s29 =	simm.s32 $0xA900;
	s30 =	simm.s32 $0xB100;
	s31 =	simm.s32 $0xB900  }
0x6: {  	s2 =	sand.u32 $0x1, s2;
	s4 =	sshll.u32 s4, $0x7;
	[smem:$0x7FF] =	sst s3  }
0x7: {  	s8 =	sadd.s32 $0xFE600, s0;
	s9 =	sadd.s32 $0xFE700, s0;
	s5 =	sshll.u32 s2, $0x6  }
0x8: {  	s2 =	ssub.s32 $0x2, s2;
	_ =	strace $0x8000004A;
	s10 =	sor.u32 s5, s4  }
0x9: {  	s6 =	sshrl.u32 s2, $0x1;
	s4 =	sadd.s32 $0xFE400, s0;
	s5 =	sshrl.u32 s10, $0x3  }
0xa: {  	s2 =	ssub.s32 s2, s6;
	s26 =	sshll.u32 s10, $0x7;
	s7 =	sadd.s32 s5, s0  }
0xb: {  	v2 =	vlaneseq.u32;
	s10 =	sadd.s32 s1, s26;
	s11 =	smax.u32 s2, $0x1;
	s26 =	simm.s32 $0x9900  }
0xc: {  	vm0 =	vmmov $0xffff;
	v1 =	vshrl.u32 v2, $0x3;
	s1 =	simm.s32 $0x2;
	s2 =	simm.s32 $0x0;
	s5 =	sadd.s32 $0x4A200, s7  }
0xd: {  	v0 =	vand.u32 $0x7, v2;
	v2 =	vor.u32 $0x8, v2;
	v1 =	vmul.u32 $0x8, v1;
	s6 =	sadd.s32 $0x4A300, s7;
	s7 =	sadd.s32 $0xFE500, s0;
	s0 =	simm.s32 $0x1  }
.LBB2_1:
0xe: {  	s12 =	rddreg [dreg:$0x1];
	s14 =	simm.s32 $0x10100  }
0xf: {  	[tilespmem:s14], [sflag:$0x3] =	stream.linear.gather [hbm4b:s12+s3], $0x400, $0x38;
	[tilespmem:$0x10500] =	vst v63  }
0x10: {  	_ =	swait.ge [sflag:s13], $0x400  }
0x11: {  	[sflag:s13] =	ssyncset.done $0x0  }
0x12: {  	[sflag:s13] =	ssyncadd.s32 $0xFFFFFC00  }
0x13: {  	[tilespmem:s3], [sflag:$0x3] =	stream.linear.gather [hbm4b:s5+s3], $0x40, $0x38;
	[tilespmem:$0x10500] =	vst v63  }
0x14: {  	_ =	swait.ge [sflag:s13], $0x40  }
0x15: {  	[sflag:s13] =	ssyncset.done $0x0  }
0x16: {  	s14 =	simm.s32 $0x80;
	[sflag:s13] =	ssyncadd.s32 $0xFFFFFFC0  }
0x17: {  	[tilespmem:s14], [sflag:$0x3] =	stream.linear.gather [hbm4b:s6+s3], $0x40, $0x38;
	[tilespmem:$0x10500] =	vst v63  }
0x18: {  	_ =	swait.ge [sflag:s13], $0x40  }
0x19: {  	[sflag:s13] =	ssyncset.done $0x0  }
0x1a: {  	[sflag:s13] =	ssyncadd.s32 $0xFFFFFFC0  }
0x1b: {  	v3 =	vld [tilespmem:$0x0];
	_ =	sdelay $0x4  }
0x1c: {  	v4 =	vshll.u32 v3, $0x3  }
0x1d: {  	v3 =	vand.u32 $0x7, v3;
	v4 =	vand.u32 $0xFFFFFFC0, v4  }
0x1e: {  	v3 =	vor.u32 v3, v4  }
0x1f: {  	v4 =	vperm.xlane v3, v0;
	_ =	sdelay $0x1  }
0x20: {  	v4 =	vadd.s32 v1, v4;
	_ =	sdelay $0x3  }
0x21: {  	s15 =	simm.s32 $0x100  }
0x22: {  	[tilespmem:s15], [sflag:$0x1] =	stream.indirect_vreg.gather [hbm4b:s4+s3], $0x80, v4, vm0, $0xb8;
	[tilespmem:$0x10500] =	vst v63  }
0x23: {  	s16 =	simm.s32 $0x900;
	v3 =	vperm.xlane v3, v2  }
0x24: {  	[tilespmem:s16], [sflag:$0x1] =	stream.indirect_vreg.gather [hbm4b:s7+s3], $0x80, v4, vm0, $0xb8;
	[tilespmem:$0x10500] =	vst v63  }
0x25: {  	s17 =	simm.s32 $0x1100;
	v3 =	vadd.s32 v1, v3  }
0x26: {  	[tilespmem:s17], [sflag:$0x1] =	stream.indirect_vreg.gather [hbm4b:s8+s3], $0x80, v4, vm0, $0xb8;
	[tilespmem:$0x10500] =	vst v63  }
0x27: {  	s18 =	simm.s32 $0x1900  }
0x28: {  	[tilespmem:s18], [sflag:$0x1] =	stream.indirect_vreg.gather [hbm4b:s9+s3], $0x80, v4, vm0, $0xb8;
	[tilespmem:$0x10500] =	vst v63  }
0x29: {  	s19 =	simm.s32 $0x2100  }
0x2a: {  	[tilespmem:s19], [sflag:$0x1] =	stream.indirect_vreg.gather [hbm4b:s4+s3], $0x80, v3, vm0, $0xb8;
	[tilespmem:$0x10500] =	vst v63  }
0x2b: {  	s20 =	simm.s32 $0x2900  }
0x2c: {  	[tilespmem:s20], [sflag:$0x1] =	stream.indirect_vreg.gather [hbm4b:s7+s3], $0x80, v3, vm0, $0xb8;
	[tilespmem:$0x10500] =	vst v63  }
0x2d: {  	s21 =	simm.s32 $0x3100  }
0x2e: {  	[tilespmem:s21], [sflag:$0x1] =	stream.indirect_vreg.gather [hbm4b:s8+s3], $0x80, v3, vm0, $0xb8;
	[tilespmem:$0x10500] =	vst v63  }
0x2f: {  	s22 =	simm.s32 $0x3900  }
0x30: {  	[tilespmem:s22], [sflag:$0x1] =	stream.indirect_vreg.gather [hbm4b:s9+s3], $0x80, v3, vm0, $0xb8;
	[tilespmem:$0x10500] =	vst v63  }
0x31: {  	v3 =	vld [tilespmem:$0x80];
	_ =	sdelay $0x4  }
0x32: {  	v63 =	vshll.u32 v3, $0x3  }
0x33: {  	v3 =	vand.u32 $0x7, v3;
	v4 =	vand.u32 $0xFFFFFFC0, v63  }
0x34: {  	v3 =	vor.u32 v3, v4  }
0x35: {  	v4 =	vperm.xlane v3, v0;
	_ =	sdelay $0x1  }
0x36: {  	v4 =	vadd.s32 v1, v4;
	_ =	sdelay $0x3  }
0x37: {  	s23 =	simm.s32 $0x8100  }
0x38: {  	[tilespmem:s23], [sflag:$0x2] =	stream.indirect_vreg.gather [hbm4b:s4+s3], $0x80, v4, vm0, $0xb8;
	[tilespmem:$0x10500] =	vst v63  }
0x39: {  	s24 =	simm.s32 $0x8900;
	v3 =	vperm.xlane v3, v2  }
0x3a: {  	[tilespmem:s24], [sflag:$0x2] =	stream.indirect_vreg.gather [hbm4b:s7+s3], $0x80, v4, vm0, $0xb8;
	[tilespmem:$0x10500] =	vst v63  }
0x3b: {  	v3 =	vadd.s32 v1, v3  }
0x3c: {  	[tilespmem:s25], [sflag:$0x2] =	stream.indirect_vreg.gather [hbm4b:s8+s3], $0x80, v4, vm0, $0xb8;
	[tilespmem:$0x10500] =	vst v63  }
0x3d: {  	_ = 	snop  }
0x3e: {  	[tilespmem:s26], [sflag:$0x2] =	stream.indirect_vreg.gather [hbm4b:s9+s3], $0x80, v4, vm0, $0xb8;
	[tilespmem:$0x10500] =	vst v63  }
0x3f: {  	_ = 	snop  }
0x40: {  	[tilespmem:s28], [sflag:$0x2] =	stream.indirect_vreg.gather [hbm4b:s4+s3], $0x80, v3, vm0, $0xb8;
	[tilespmem:$0x10500] =	vst v63  }
0x41: {  	_ = 	snop  }
0x42: {  	[tilespmem:s29], [sflag:$0x2] =	stream.indirect_vreg.gather [hbm4b:s7+s3], $0x80, v3, vm0, $0xb8;
	[tilespmem:$0x10500] =	vst v63  }
0x43: {  	_ = 	snop  }
0x44: {  	[tilespmem:s30], [sflag:$0x2] =	stream.indirect_vreg.gather [hbm4b:s8+s3], $0x80, v3, vm0, $0xb8;
	[tilespmem:$0x10500] =	vst v63  }
0x45: {  	p0 =	por $0x0, $0x0;
	s12 =	simm.s32 $0x0  }
0x46: {  	[tilespmem:s31], [sflag:$0x2] =	stream.indirect_vreg.gather [hbm4b:s9+s3], $0x80, v3, vm0, $0xb8;
	[tilespmem:$0x10500] =	vst v63  }
.LBB2_2:
0x47: {  	s14 =	sadd.s32 $0x1, s12;
	p1 =	seq.s32 s12, $0x3  }
0x48: {  	s15 =	sshll.u32 @!p1 s14, $0x4  }
0x49: {  	v3 =	vld @!p1 [tilespmem:s15+$0x0];
	_ =	sdelay $0x4  }
0x4a: {  	v4 =	vshll.u32 @!p1 v3, $0x3  }
0x4b: {  	v5 =	vlaneseq.u32 @!p1;
	v3 =	vand.u32 @!p1 $0x7, v3;
	v4 =	vand.u32 @!p1 $0xFFFFFFC0, v4  }
0x4c: {  	v6 =	vshrl.u32 @!p1 v5, $0x3;
	v3 =	vor.u32 @!p1 v3, v4;
	v4 =	vand.u32 @!p1 $0x7, v5  }
0x4d: {  	v6 =	vmul.u32 @!p1 $0x8, v6;
	v7 =	vperm.xlane @!p1 v3, v4;
	_ =	sdelay $0x1  }
0x4e: {  	v7 =	vadd.s32 @!p1 v6, v7;
	_ =	sdelay $0x1  }
0x4f: {  	s16 =	sshll.u32 @!p1 s14, $0xE  }
0x50: {  	s16 =	sand.u32 @!p1 $0x4000, s16  }
0x51: {  	vm1 =	vmmov @!p1 $0xffff;
	s18 =	simm.s32 @!p1 $0x0;
	s17 =	sor.u32 @!p1 $0x100, s16  }
0x52: {  	v5 =	vor.u32 @!p1 $0x8, v5;
	[tilespmem:s17], [sflag:$0x1] =	stream.indirect_vreg.gather @!p1 [hbm4b:s4+s18], $0x80, v7, vm1, $0xb8;
	[tilespmem:$0x10500] =	vst v63  }
0x53: {  	v3 =	vperm.xlane @!p1 v3, v5;
	s17 =	sor.u32 @!p1 $0x900, s16  }
0x54: {  	[tilespmem:s17], [sflag:$0x1] =	stream.indirect_vreg.gather @!p1 [hbm4b:s7+s18], $0x80, v7, vm1, $0xb8;
	[tilespmem:$0x10500] =	vst v63  }
0x55: {  	v3 =	vadd.s32 @!p1 v6, v3;
	s17 =	sor.u32 @!p1 $0x1100, s16  }
0x56: {  	[tilespmem:s17], [sflag:$0x1] =	stream.indirect_vreg.gather @!p1 [hbm4b:s8+s18], $0x80, v7, vm1, $0xb8;
	[tilespmem:$0x10500] =	vst v63  }
0x57: {  	s17 =	sor.u32 @!p1 $0x1900, s16  }
0x58: {  	[tilespmem:s17], [sflag:$0x1] =	stream.indirect_vreg.gather @!p1 [hbm4b:s9+s18], $0x80, v7, vm1, $0xb8;
	[tilespmem:$0x10500] =	vst v63  }
0x59: {  	s17 =	sor.u32 @!p1 $0x2100, s16  }
0x5a: {  	[tilespmem:s17], [sflag:$0x1] =	stream.indirect_vreg.gather @!p1 [hbm4b:s4+s18], $0x80, v3, vm1, $0xb8;
	[tilespmem:$0x10500] =	vst v63  }
0x5b: {  	s17 =	sor.u32 @!p1 $0x2900, s16  }
0x5c: {  	[tilespmem:s17], [sflag:$0x1] =	stream.indirect_vreg.gather @!p1 [hbm4b:s7+s18], $0x80, v3, vm1, $0xb8;
	[tilespmem:$0x10500] =	vst v63  }
0x5d: {  	s17 =	sor.u32 @!p1 $0x3100, s16  }
0x5e: {  	[tilespmem:s17], [sflag:$0x1] =	stream.indirect_vreg.gather @!p1 [hbm4b:s8+s18], $0x80, v3, vm1, $0xb8;
	[tilespmem:$0x10500] =	vst v63  }
0x5f: {  	s17 =	sor.u32 @!p1 $0x3900, s16  }
0x60: {  	[tilespmem:s17], [sflag:$0x1] =	stream.indirect_vreg.gather @!p1 [hbm4b:s9+s18], $0x80, v3, vm1, $0xb8;
	[tilespmem:$0x10500] =	vst v63  }
0x61: {  	v3 =	vld @!p1 [tilespmem:s15+$0x80];
	_ =	sdelay $0x4  }
0x62: {  	v7 =	vshll.u32 @!p1 v3, $0x3  }
0x63: {  	v3 =	vand.u32 @!p1 $0x7, v3;
	v7 =	vand.u32 @!p1 $0xFFFFFFC0, v7  }
0x64: {  	v3 =	vor.u32 @!p1 v3, v7  }
0x65: {  	v4 =	vperm.xlane @!p1 v3, v4;
	_ =	sdelay $0x1  }
0x66: {  	v4 =	vadd.s32 @!p1 v6, v4;
	_ =	sdelay $0x3  }
0x67: {  	s15 =	sor.u32 @!p1 $0x8100, s16  }
0x68: {  	[tilespmem:s15], [sflag:$0x2] =	stream.indirect_vreg.gather @!p1 [hbm4b:s4+s18], $0x80, v4, vm1, $0xb8;
	[tilespmem:$0x10500] =	vst v63  }
0x69: {  	v3 =	vperm.xlane @!p1 v3, v5;
	s15 =	sor.u32 @!p1 $0x8900, s16  }
0x6a: {  	[tilespmem:s15], [sflag:$0x2] =	stream.indirect_vreg.gather @!p1 [hbm4b:s7+s18], $0x80, v4, vm1, $0xb8;
	[tilespmem:$0x10500] =	vst v63  }
0x6b: {  	v3 =	vadd.s32 @!p1 v6, v3;
	s15 =	sor.u32 @!p1 $0x9100, s16  }
0x6c: {  	[tilespmem:s15], [sflag:$0x2] =	stream.indirect_vreg.gather @!p1 [hbm4b:s8+s18], $0x80, v4, vm1, $0xb8;
	[tilespmem:$0x10500] =	vst v63  }
0x6d: {  	s15 =	sor.u32 @!p1 $0x9900, s16  }
0x6e: {  	[tilespmem:s15], [sflag:$0x2] =	stream.indirect_vreg.gather @!p1 [hbm4b:s9+s18], $0x80, v4, vm1, $0xb8;
	[tilespmem:$0x10500] =	vst v63  }
0x6f: {  	s15 =	sor.u32 @!p1 $0xA100, s16  }
0x70: {  	[tilespmem:s15], [sflag:$0x2] =	stream.indirect_vreg.gather @!p1 [hbm4b:s4+s18], $0x80, v3, vm1, $0xb8;
	[tilespmem:$0x10500] =	vst v63  }
0x71: {  	s15 =	sor.u32 @!p1 $0xA900, s16  }
0x72: {  	[tilespmem:s15], [sflag:$0x2] =	stream.indirect_vreg.gather @!p1 [hbm4b:s7+s18], $0x80, v3, vm1, $0xb8;
	[tilespmem:$0x10500] =	vst v63  }
0x73: {  	s15 =	sor.u32 @!p1 $0xB100, s16  }
0x74: {  	[tilespmem:s15], [sflag:$0x2] =	stream.indirect_vreg.gather @!p1 [hbm4b:s8+s18], $0x80, v3, vm1, $0xb8;
	[tilespmem:$0x10500] =	vst v63  }
0x75: {  	s15 =	sor.u32 @!p1 $0xB900, s16  }
0x76: {  	[tilespmem:s15], [sflag:$0x2] =	stream.indirect_vreg.gather @!p1 [hbm4b:s9+s18], $0x80, v3, vm1, $0xb8;
	[tilespmem:$0x10500] =	vst v63  }
0x77: {  	_ =	swait.ge [sflag:s0], $0x4000  }
0x78: {  	[sflag:s0] =	ssyncset.done $0x0  }
0x79: {  	s24 =	sshll.u32 s12, $0xE;
	s19 =	simm.s32 $0x0;
	[sflag:s0] =	ssyncadd.s32 $0xFFFFC000  }
0x7a: {  	s17 =	simm.s32 $0x0;
	s15 =	simm.s32 $0x1;
	_ =	swait.ge [sflag:s1], $0x4000  }
0x7b: {  	s18 =	simm.s32 $0x0;
	s15 =	simm.s32 @!p0 $0x0;
	[sflag:s1] =	ssyncset.done $0x0  }
0x7c: {  	s16 =	sshll.u32 s15, $0xE;
	s15 =	sand.u32 $0x4000, s24;
	[sflag:s1] =	ssyncadd.s32 $0xFFFFC000  }
.LBB2_3:
0x7d: {  	s20 =	sand.u32 $0x3FFFE000, s18;
	s21 =	sand.u32 $0x7, s17  }
0x7e: {  	s20 =	sadd.s32 s20, s16;
	s21 =	sshll.u32 s21, $0x7  }
0x7f: {  	s20 =	sadd.s32 s21, s20  }
0x80: {  	s20 =	sshll.u32 s20, $0x2  }
0x81: {  	s20 =	sshra.s32 s20, $0x2  }
0x82: {  	s21 =	sadd.s32 $0x100, s20  }
0x83: {  	s20 =	sadd.s32 $0x8100, s20;
	v3 =	vld [tilespmem:s21+$0x0]  }
0x84: {  	v4 =	vld [tilespmem:s20+$0x0]  }
0x85: {  	s22 =	simm.s32 $0x10180  }
0x86: {  	v5 =	vld [tilespmem:s22+$0xFFFFFF80];
	_ =	sdelay $0x2  }
0x87: {  	v3 =	vadd.f32 v4, v3;
	_ =	sdelay $0x1  }
0x88: {  	v3 =	vadd.f32 v5, v3;
	_ =	sdelay $0x1  }
0x89: {  	[tilespmem:s21+$0x0] =	vst v3;
	v3 =	vld [tilespmem:s21+$0x10]  }
0x8a: {  	v4 =	vld [tilespmem:s20+$0x10];
	_ =	sdelay $0x1  }
0x8b: {  	v5 =	vld [tilespmem:s22+$0xFFFFFF90];
	_ =	sdelay $0x2  }
0x8c: {  	v3 =	vadd.f32 v4, v3;
	_ =	sdelay $0x1  }
0x8d: {  	v3 =	vadd.f32 v5, v3;
	_ =	sdelay $0x1  }
0x8e: {  	[tilespmem:s21+$0x10] =	vst v3;
	v3 =	vld [tilespmem:s21+$0x20]  }
0x8f: {  	v4 =	vld [tilespmem:s20+$0x20];
	_ =	sdelay $0x1  }
0x90: {  	v5 =	vld [tilespmem:s22+$0xFFFFFFA0];
	_ =	sdelay $0x2  }
0x91: {  	v3 =	vadd.f32 v4, v3;
	_ =	sdelay $0x1  }
0x92: {  	v3 =	vadd.f32 v5, v3;
	_ =	sdelay $0x1  }
0x93: {  	[tilespmem:s21+$0x20] =	vst v3;
	v3 =	vld [tilespmem:s21+$0x30]  }
0x94: {  	v4 =	vld [tilespmem:s20+$0x30];
	_ =	sdelay $0x1  }
0x95: {  	v5 =	vld [tilespmem:s22+$0xFFFFFFB0];
	_ =	sdelay $0x2  }
0x96: {  	v3 =	vadd.f32 v4, v3;
	_ =	sdelay $0x1  }
0x97: {  	v3 =	vadd.f32 v5, v3;
	_ =	sdelay $0x1  }
0x98: {  	[tilespmem:s21+$0x30] =	vst v3;
	v3 =	vld [tilespmem:s21+$0x40]  }
0x99: {  	v4 =	vld [tilespmem:s20+$0x40];
	_ =	sdelay $0x1  }
0x9a: {  	v5 =	vld [tilespmem:s22+$0xFFFFFFC0];
	_ =	sdelay $0x2  }
0x9b: {  	v3 =	vadd.f32 v4, v3;
	_ =	sdelay $0x1  }
0x9c: {  	v3 =	vadd.f32 v5, v3;
	_ =	sdelay $0x1  }
0x9d: {  	[tilespmem:s21+$0x40] =	vst v3;
	v3 =	vld [tilespmem:s21+$0x50]  }
0x9e: {  	v4 =	vld [tilespmem:s20+$0x50];
	_ =	sdelay $0x1  }
0x9f: {  	v5 =	vld [tilespmem:s22+$0xFFFFFFD0];
	_ =	sdelay $0x2  }
0xa0: {  	v3 =	vadd.f32 v4, v3;
	_ =	sdelay $0x1  }
0xa1: {  	v3 =	vadd.f32 v5, v3;
	_ =	sdelay $0x1  }
0xa2: {  	[tilespmem:s21+$0x50] =	vst v3;
	v3 =	vld [tilespmem:s21+$0x60]  }
0xa3: {  	v4 =	vld [tilespmem:s20+$0x60];
	_ =	sdelay $0x1  }
0xa4: {  	v5 =	vld [tilespmem:s22+$0xFFFFFFE0];
	_ =	sdelay $0x2  }
0xa5: {  	v3 =	vadd.f32 v4, v3;
	_ =	sdelay $0x1  }
0xa6: {  	v3 =	vadd.f32 v5, v3;
	_ =	sdelay $0x1  }
0xa7: {  	[tilespmem:s21+$0x60] =	vst v3;
	v3 =	vld [tilespmem:s21+$0x70]  }
0xa8: {  	v4 =	vld [tilespmem:s20+$0x70];
	_ =	sdelay $0x1  }
0xa9: {  	v5 =	vld [tilespmem:s22+$0xFFFFFFF0];
	_ =	sdelay $0x2  }
0xaa: {  	v3 =	vadd.f32 v4, v3;
	_ =	sdelay $0x1  }
0xab: {  	v3 =	vadd.f32 v5, v3;
	_ =	sdelay $0x1  }
0xac: {  	[tilespmem:s21+$0x70] =	vst v3;
	v3 =	vld [tilespmem:s21+$0x400]  }
0xad: {  	v4 =	vld [tilespmem:s20+$0x400];
	_ =	sdelay $0x1  }
0xae: {  	v5 =	vld [tilespmem:s22+$0x0];
	_ =	sdelay $0x2  }
0xaf: {  	v3 =	vadd.f32 v4, v3;
	_ =	sdelay $0x1  }
0xb0: {  	v3 =	vadd.f32 v5, v3;
	_ =	sdelay $0x1  }
0xb1: {  	[tilespmem:s21+$0x400] =	vst v3;
	v3 =	vld [tilespmem:s21+$0x410]  }
0xb2: {  	v4 =	vld [tilespmem:s20+$0x410];
	_ =	sdelay $0x1  }
0xb3: {  	v5 =	vld [tilespmem:s22+$0x10];
	_ =	sdelay $0x2  }
0xb4: {  	v3 =	vadd.f32 v4, v3;
	_ =	sdelay $0x1  }
0xb5: {  	v3 =	vadd.f32 v5, v3;
	_ =	sdelay $0x1  }
0xb6: {  	[tilespmem:s21+$0x410] =	vst v3;
	v3 =	vld [tilespmem:s21+$0x420]  }
0xb7: {  	v4 =	vld [tilespmem:s20+$0x420];
	_ =	sdelay $0x1  }
0xb8: {  	v5 =	vld [tilespmem:s22+$0x20];
	_ =	sdelay $0x2  }
0xb9: {  	v3 =	vadd.f32 v4, v3;
	_ =	sdelay $0x1  }
0xba: {  	v3 =	vadd.f32 v5, v3;
	_ =	sdelay $0x1  }
0xbb: {  	[tilespmem:s21+$0x420] =	vst v3;
	v3 =	vld [tilespmem:s21+$0x430]  }
0xbc: {  	v4 =	vld [tilespmem:s20+$0x430];
	_ =	sdelay $0x1  }
0xbd: {  	v5 =	vld [tilespmem:s22+$0x30];
	_ =	sdelay $0x2  }
0xbe: {  	v3 =	vadd.f32 v4, v3;
	_ =	sdelay $0x1  }
0xbf: {  	v3 =	vadd.f32 v5, v3;
	_ =	sdelay $0x1  }
0xc0: {  	[tilespmem:s21+$0x430] =	vst v3;
	v3 =	vld [tilespmem:s21+$0x440]  }
0xc1: {  	v4 =	vld [tilespmem:s20+$0x440];
	_ =	sdelay $0x1  }
0xc2: {  	v5 =	vld [tilespmem:s22+$0x40];
	_ =	sdelay $0x2  }
0xc3: {  	v3 =	vadd.f32 v4, v3;
	_ =	sdelay $0x1  }
0xc4: {  	v3 =	vadd.f32 v5, v3;
	_ =	sdelay $0x1  }
0xc5: {  	[tilespmem:s21+$0x440] =	vst v3;
	v3 =	vld [tilespmem:s21+$0x450]  }
0xc6: {  	v4 =	vld [tilespmem:s20+$0x450];
	_ =	sdelay $0x1  }
0xc7: {  	v5 =	vld [tilespmem:s22+$0x50];
	_ =	sdelay $0x2  }
0xc8: {  	v3 =	vadd.f32 v4, v3;
	_ =	sdelay $0x1  }
0xc9: {  	v3 =	vadd.f32 v5, v3;
	_ =	sdelay $0x1  }
0xca: {  	[tilespmem:s21+$0x450] =	vst v3;
	v3 =	vld [tilespmem:s21+$0x460]  }
0xcb: {  	v4 =	vld [tilespmem:s20+$0x460];
	_ =	sdelay $0x1  }
0xcc: {  	v5 =	vld [tilespmem:s22+$0x60];
	_ =	sdelay $0x2  }
0xcd: {  	v3 =	vadd.f32 v4, v3;
	_ =	sdelay $0x1  }
0xce: {  	v3 =	vadd.f32 v5, v3;
	_ =	sdelay $0x1  }
0xcf: {  	[tilespmem:s21+$0x460] =	vst v3;
	v3 =	vld [tilespmem:s21+$0x470]  }
0xd0: {  	v4 =	vld [tilespmem:s20+$0x470];
	_ =	sdelay $0x1  }
0xd1: {  	v5 =	vld [tilespmem:s22+$0x70];
	_ =	sdelay $0x2  }
0xd2: {  	v3 =	vadd.f32 v4, v3;
	_ =	sdelay $0x1  }
0xd3: {  	v3 =	vadd.f32 v5, v3  }
0xd4: {  	s23 =	simm.s32 $0x0;
	s24 =	sadd.s32 $0x800, s21  }
.LBB2_4:
0xd5: {  	v4 =	vld [tilespmem:s24+$0x0];
	s23 =	sadd.s32 $0x10, s23;
	[tilespmem:s21+$0x470] =	vst v3;
	s20 =	sadd.s32 $0x800, s20;
	s22 =	sadd.s32 $0x100, s22  }
0xd6: {  	s21 =	smov.u32 s24;
	v3 =	vld [tilespmem:s20+$0x0];
	p1 =	slt.u32 s23, $0x30;
	_ =	sdelay $0x1  }
0xd7: {  	v5 =	vld [tilespmem:s22+$0xFFFFFF80];
	_ =	sdelay $0x2  }
0xd8: {  	v3 =	vadd.f32 v3, v4;
	_ =	sdelay $0x1  }
0xd9: {  	v3 =	vadd.f32 v5, v3;
	_ =	sdelay $0x1  }
0xda: {  	[tilespmem:s24+$0x0] =	vst v3;
	v3 =	vld [tilespmem:s24+$0x10]  }
0xdb: {  	v4 =	vld [tilespmem:s20+$0x10];
	_ =	sdelay $0x1  }
0xdc: {  	v5 =	vld [tilespmem:s22+$0xFFFFFF90];
	_ =	sdelay $0x2  }
0xdd: {  	v3 =	vadd.f32 v4, v3;
	_ =	sdelay $0x1  }
0xde: {  	v3 =	vadd.f32 v5, v3;
	_ =	sdelay $0x1  }
0xdf: {  	[tilespmem:s24+$0x10] =	vst v3;
	v3 =	vld [tilespmem:s24+$0x20]  }
0xe0: {  	v4 =	vld [tilespmem:s20+$0x20];
	_ =	sdelay $0x1  }
0xe1: {  	v5 =	vld [tilespmem:s22+$0xFFFFFFA0];
	_ =	sdelay $0x2  }
0xe2: {  	v3 =	vadd.f32 v4, v3;
	_ =	sdelay $0x1  }
0xe3: {  	v3 =	vadd.f32 v5, v3;
	_ =	sdelay $0x1  }
0xe4: {  	[tilespmem:s24+$0x20] =	vst v3;
	v3 =	vld [tilespmem:s24+$0x30]  }
0xe5: {  	v4 =	vld [tilespmem:s20+$0x30];
	_ =	sdelay $0x1  }
0xe6: {  	v5 =	vld [tilespmem:s22+$0xFFFFFFB0];
	_ =	sdelay $0x2  }
0xe7: {  	v3 =	vadd.f32 v4, v3;
	_ =	sdelay $0x1  }
0xe8: {  	v3 =	vadd.f32 v5, v3;
	_ =	sdelay $0x1  }
0xe9: {  	[tilespmem:s24+$0x30] =	vst v3;
	v3 =	vld [tilespmem:s24+$0x40]  }
0xea: {  	v4 =	vld [tilespmem:s20+$0x40];
	_ =	sdelay $0x1  }
0xeb: {  	v5 =	vld [tilespmem:s22+$0xFFFFFFC0];
	_ =	sdelay $0x2  }
0xec: {  	v3 =	vadd.f32 v4, v3;
	_ =	sdelay $0x1  }
0xed: {  	v3 =	vadd.f32 v5, v3;
	_ =	sdelay $0x1  }
0xee: {  	[tilespmem:s24+$0x40] =	vst v3;
	v3 =	vld [tilespmem:s24+$0x50]  }
0xef: {  	v4 =	vld [tilespmem:s20+$0x50];
	_ =	sdelay $0x1  }
0xf0: {  	v5 =	vld [tilespmem:s22+$0xFFFFFFD0];
	_ =	sdelay $0x2  }
0xf1: {  	v3 =	vadd.f32 v4, v3;
	_ =	sdelay $0x1  }
0xf2: {  	v3 =	vadd.f32 v5, v3;
	_ =	sdelay $0x1  }
0xf3: {  	[tilespmem:s24+$0x50] =	vst v3;
	v3 =	vld [tilespmem:s24+$0x60]  }
0xf4: {  	v4 =	vld [tilespmem:s20+$0x60];
	_ =	sdelay $0x1  }
0xf5: {  	v5 =	vld [tilespmem:s22+$0xFFFFFFE0];
	_ =	sdelay $0x2  }
0xf6: {  	v3 =	vadd.f32 v4, v3;
	_ =	sdelay $0x1  }
0xf7: {  	v3 =	vadd.f32 v5, v3;
	_ =	sdelay $0x1  }
0xf8: {  	[tilespmem:s24+$0x60] =	vst v3;
	v3 =	vld [tilespmem:s24+$0x70]  }
0xf9: {  	v4 =	vld [tilespmem:s20+$0x70];
	_ =	sdelay $0x1  }
0xfa: {  	v5 =	vld [tilespmem:s22+$0xFFFFFFF0];
	_ =	sdelay $0x2  }
0xfb: {  	v3 =	vadd.f32 v4, v3;
	_ =	sdelay $0x1  }
0xfc: {  	v3 =	vadd.f32 v5, v3;
	_ =	sdelay $0x1  }
0xfd: {  	[tilespmem:s24+$0x70] =	vst v3;
	v3 =	vld [tilespmem:s24+$0x400]  }
0xfe: {  	v4 =	vld [tilespmem:s20+$0x400];
	_ =	sdelay $0x1  }
0xff: {  	v5 =	vld [tilespmem:s22+$0x0];
	_ =	sdelay $0x2  }
0x100: {  	v3 =	vadd.f32 v4, v3;
	_ =	sdelay $0x1  }
0x101: {  	v3 =	vadd.f32 v5, v3;
	_ =	sdelay $0x1  }
0x102: {  	[tilespmem:s24+$0x400] =	vst v3;
	v3 =	vld [tilespmem:s24+$0x410]  }
0x103: {  	v4 =	vld [tilespmem:s20+$0x410]  }
0x104: {  	v5 =	vld [tilespmem:s22+$0x10];
	_ =	sdelay $0x3  }
0x105: {  	v3 =	vadd.f32 v4, v3;
	_ =	sdelay $0x1  }
0x106: {  	v3 =	vadd.f32 v5, v3;
	_ =	sdelay $0x1  }
0x107: {  	[tilespmem:s24+$0x410] =	vst v3;
	v3 =	vld [tilespmem:s24+$0x420]  }
0x108: {  	v4 =	vld [tilespmem:s20+$0x420]  }
0x109: {  	v5 =	vld [tilespmem:s22+$0x20];
	_ =	sdelay $0x3  }
0x10a: {  	v3 =	vadd.f32 v4, v3;
	_ =	sdelay $0x1  }
0x10b: {  	v3 =	vadd.f32 v5, v3;
	_ =	sdelay $0x1  }
0x10c: {  	[tilespmem:s24+$0x420] =	vst v3;
	v3 =	vld [tilespmem:s24+$0x430]  }
0x10d: {  	v4 =	vld [tilespmem:s20+$0x430]  }
0x10e: {  	v5 =	vld [tilespmem:s22+$0x30];
	_ =	sdelay $0x3  }
0x10f: {  	v3 =	vadd.f32 v4, v3;
	_ =	sdelay $0x1  }
0x110: {  	v3 =	vadd.f32 v5, v3;
	_ =	sdelay $0x1  }
0x111: {  	[tilespmem:s24+$0x430] =	vst v3;
	v3 =	vld [tilespmem:s24+$0x440]  }
0x112: {  	v4 =	vld [tilespmem:s20+$0x440]  }
0x113: {  	v5 =	vld [tilespmem:s22+$0x40];
	_ =	sdelay $0x3  }
0x114: {  	v3 =	vadd.f32 v4, v3;
	_ =	sdelay $0x1  }
0x115: {  	v3 =	vadd.f32 v5, v3;
	_ =	sdelay $0x1  }
0x116: {  	[tilespmem:s24+$0x440] =	vst v3;
	v3 =	vld [tilespmem:s24+$0x450]  }
0x117: {  	v4 =	vld [tilespmem:s20+$0x450]  }
0x118: {  	v5 =	vld [tilespmem:s22+$0x50];
	_ =	sdelay $0x3  }
0x119: {  	v3 =	vadd.f32 v4, v3;
	_ =	sdelay $0x1  }
0x11a: {  	v3 =	vadd.f32 v5, v3;
	_ =	sdelay $0x1  }
0x11b: {  	[tilespmem:s24+$0x450] =	vst v3;
	v3 =	vld [tilespmem:s24+$0x460]  }
0x11c: {  	v4 =	vld [tilespmem:s20+$0x460]  }
0x11d: {  	v5 =	vld [tilespmem:s22+$0x60];
	_ =	sdelay $0x3  }
0x11e: {  	v3 =	vadd.f32 v4, v3;
	_ =	sdelay $0x1  }
0x11f: {  	v3 =	vadd.f32 v5, v3;
	_ =	sdelay $0x1  }
0x120: {  	[tilespmem:s24+$0x460] =	vst v3;
	v3 =	vld [tilespmem:s24+$0x470]  }
0x121: {  	v4 =	vld [tilespmem:s20+$0x470]  }
0x122: {  	v5 =	vld [tilespmem:s22+$0x70];
	_ =	sdelay $0x2  }
.Ltmp0:
0x123: {  	(pc) =	sbr.rel @p1 .LBB2_4-.Ltmp0, $3  }
0x124: {  	v3 =	vadd.f32 v4, v3;
	_ =	sdelay $0x1  }
0x125: {  	v3 =	vadd.f32 v5, v3  }
0x126: {  	s24 =	sadd.s32 $0x800, s24  }
0x127: {  	s19 =	sadd.s32 $0x1, s19  }
0x128: {  	p1 =	sne.s32 s19, $0x10  }
.Ltmp1:
0x129: {  	_ = 	snop;
	(pc) =	sbr.rel @p1 .LBB2_3-.Ltmp1, $2  }
0x12a: {  	_ =	sdelay $0x2  }
0x12b: {  	[tilespmem:s21+$0x470] =	vst v3;
	s18 =	sadd.s32 $0x400, s18;
	s17 =	sadd.s32 $0x1, s17  }
0x12c: {  	s12 =	sshll.u32 s12, $0xB;
	p1 =	sne.s32 s14, $0x4  }
.Ltmp2:
0x12d: {  	s15 =	sadd.s32 $0x100, s15;
	s12 =	sadd.s32 s12, s10;
	(pc) =	sbr.rel @p1 .LBB2_2-.Ltmp2, $4  }
0x12e: {  	[hbm4b:s12+s3] =	stream.linear.scatter [tilespmem:s15], [sflag:$0x3], $0x4000, $0x38;
	[tilespmem:$0x10500] =	vst v63  }
0x12f: {  	_ =	swait.ge [sflag:s13], $0x4000  }
0x130: {  	[sflag:s13] =	ssyncset.done $0x0  }
0x131: {  	p0 =	por !p0, !p0;
	s12 =	smov.u32 s14;
	[sflag:s13] =	ssyncadd.s32 $0xFFFFC000  }
0x132: {  	s2 =	sadd.s32 $0x1, s2  }
0x133: {  	p0 =	sne.s32 s2, s11  }
.Ltmp3:
0x134: {  	_ = 	snop;
	(pc) =	sbr.rel @p0 .LBB2_1-.Ltmp3, $1  }
0x135: {  	_ =	sdelay $0x3  }
0x136: {  	_ =	sfence.sel $0x180000  }
0x137: {  	[bflag:$0x0] =	sbarrier.arrive $0xFFFF  }
0x138: {  	_ =	strace $0x9000004A  }
0x139: {  	s0 =	stileid.u32;
	[bflag:$0x2] =	sbarrier.arrive $0xFFFF  }
0x13a: {  	p0 =	sne.s32 s0, $0x0;
	s0 =	rddreg [dreg:$0x3]  }
0x13b: {  	s0 =	sadd.s32 @!p0 $0x100000, s0  }
0x13c: {  	[sflag:s0] =	ssyncadd.tile.s32 @!p0 $0x1;
	_ =	shalt  }
.Lfunc_end2:
_tile_overlayer_lowered:
.L_overlay_start_2:
0x13d: {  	(tag) =	ssettag $0x2  }
0x13e: {  	s0 =	rddreg [dreg:$0x0];
	s2 =	stileid.u32  }
0x13f: {  	s1 =	rddreg [dreg:$0x1];
	p0 =	sne.s32 s2, $0x0  }
0x140: {  	s3 =	rddreg [dreg:$0x2];
	[bflag:$0x3] =	sbarrier.arrive $0xFFFF;
	s2 =	simm.s32 @!p0 $0x1C03  }
0x141: {  	[timem:s3], [sflag:s2] =	dma.local @!p0 [hbm:s0], s1  }
0x142: {  	s0 =	simm.s32 @!p0 $0x3  }
0x143: {  	_ =	swait.ge @!p0 [sflag:s0], s1  }
0x144: {  	s1 =	ssub.s32 @!p0 $0x0, s1;
	[sflag:s0] =	ssyncset.done @!p0 $0x0  }
0x145: {  	[sflag:s0] =	ssyncadd.s32 @!p0 s1  }
0x146: {  	[bflag:$0x3] =	sbarrier.arrive $0xFFFF  }
0x147: {  	_ =	shalt  }

</sc_bundles>
